<compile_context>
chip_gen: v7x
topology: tpu7x:2x2x1
jax: 0.10.2.dev20260603
libtpu: 0.0.44.dev20260713+nightly
codegen_flags: <defaults>
</compile_context>

<pallas_src>
import functools

import jax
import jax.numpy as jnp
import numpy as np
from jax import lax
from jax.experimental import pallas as pl
from jax.experimental.pallas import tpu as pltpu
from jax.experimental.pallas import tpu_sc as plsc

N = 10000
E = 320000
D = 128
ALPHA = 0.5

NC = 2
NS = 16
NW = NC * NS
LANES = 16
VPD = D // LANES

EPW = E // NW
K = 40
NCHUNK = EPW // K
RPS = 624
ZR = 48
REM = N - NS * RPS

DW = D // 2

_PERM_SRC = np.empty((D,), np.int64)
for _t in range(D):
    _g, _u = _t // 32, _t % 32
    _PERM_SRC[_t] = _g * 32 + (_u // 2 if _u % 2 == 0 else 16 + _u // 2)
_PERM_NP = np.zeros((D, D), np.float32)
_PERM_NP[_PERM_SRC, np.arange(D)] = 1.0


def _pre_body(z_ref, x_ref, nf_ref, w2_ref, h_ref):
    s = z_ref[...] + x_ref[...]
    h = lax.dot_general(s, w2_ref[...], (((1,), (0,)), ((), ())),
                        preferred_element_type=jnp.float32)
    h_ref[...] = (nf_ref[...] * h).astype(jnp.bfloat16)


def _post_body(z_ref, nf_ref, a_ref, w_ref, o_ref):
    s = nf_ref[...] * (a_ref[0] + a_ref[1])
    m = lax.dot_general(s, w_ref[...], (((1,), (0,)), ((), ())),
                        preferred_element_type=jnp.float32)
    o_ref[...] = (1.0 - ALPHA) * z_ref[...] - ALPHA * m


def _sc_body(h_hbm, row_hbm, col_hbm, out_hbm,
             idxrA, idxcA, idxrB, idxcB,
             idxrSA, idxcSA, idxrSB, idxcSB,
             bufrA, bufcA, bufrB, bufcB,
             msgA, nmsgA, msgB, nmsgB, zbuf, acc,
             semGA, semGB, semIA, semIB, semSA, semSB):
    cid = lax.axis_index("c")
    sid = lax.axis_index("s")
    wid = sid * NC + cid

    @pl.loop(0, ZR)
    def _zero_fill(i):
        for j in range(VPD):
            zbuf[i, pl.ds(j * LANES, LANES)] = jnp.zeros((LANES,), jnp.float32)

    for b in range(RPS // ZR):
        pltpu.sync_copy(zbuf, acc.at[pl.ds(sid * RPS + b * ZR, ZR)])

    @pl.when(sid == NS - 1)
    def _zero_tail():
        pltpu.sync_copy(zbuf.at[pl.ds(0, REM)], acc.at[pl.ds(NS * RPS, REM)])

    plsc.subcore_barrier()

    base = wid * EPW

    def load_idx(c, idxr, idxc, sem):
        off = pl.multiple_of(base + c * K, 8)
        pltpu.async_copy(row_hbm.at[pl.ds(off, K)], idxr, sem)
        pltpu.async_copy(col_hbm.at[pl.ds(off, K)], idxc, sem)

    def wait_idx(idxr, idxc, sem):
        pltpu.make_async_copy(row_hbm.at[pl.ds(0, K)], idxr, sem).wait()
        pltpu.make_async_copy(col_hbm.at[pl.ds(0, K)], idxc, sem).wait()

    def start_gather(idxr, idxc, bufr, bufc, sem):
        pltpu.async_copy(h_hbm.at[idxr], bufr, sem)
        pltpu.async_copy(h_hbm.at[idxc], bufc, sem)

    def wait_gather(idxr, idxc, bufr, bufc, sem):
        pltpu.make_async_copy(h_hbm.at[idxr], bufr, sem).wait()
        pltpu.make_async_copy(h_hbm.at[idxc], bufc, sem).wait()

    shift16 = jnp.full((LANES,), 16, jnp.int32)
    mask_hi = jnp.full((LANES,), -65536, jnp.int32)

    def unpack2(w):
        lo = lax.bitcast_convert_type(lax.shift_left(w, shift16), jnp.float32)
        hi = lax.bitcast_convert_type(lax.bitwise_and(w, mask_hi), jnp.float32)
        return lo, hi

    def compute(bufr, bufc, msg, nmsg):
        @plsc.parallel_loop(0, K, unroll=8)
        def _compute(i):
            for j in range(DW // LANES):
                sl = pl.ds(j * LANES, LANES)
                rlo, rhi = unpack2(bufr[i, sl])
                clo, chi = unpack2(bufc[i, sl])
                mlo = jnp.maximum(rlo - clo, 0.0)
                mhi = jnp.maximum(rhi - chi, 0.0)
                slo = pl.ds(j * 2 * LANES, LANES)
                shi = pl.ds(j * 2 * LANES + LANES, LANES)
                msg[i, slo] = mlo
                msg[i, shi] = mhi
                nmsg[i, slo] = -mlo
                nmsg[i, shi] = -mhi

    def start_scatter(idxr, idxc, msg, nmsg, sem):
        pltpu.async_copy(msg, acc.at[idxr], sem, add=True)
        pltpu.async_copy(nmsg, acc.at[idxc], sem, add=True)

    def wait_scatter(idxr, idxc, msg, nmsg, sem):
        pltpu.make_async_copy(msg, acc.at[idxr], sem).wait()
        pltpu.make_async_copy(nmsg, acc.at[idxc], sem).wait()

    def copy_idx(src, dst):
        for o in (0, 16, K - 16):
            dst[pl.ds(o, LANES)] = src[pl.ds(o, LANES)]

    pltpu.sync_copy(row_hbm.at[pl.ds(pl.multiple_of(base, 8), K)], idxrA)
    pltpu.sync_copy(col_hbm.at[pl.ds(pl.multiple_of(base, 8), K)], idxcA)
    pltpu.sync_copy(row_hbm.at[pl.ds(pl.multiple_of(base + K, 8), K)], idxrB)
    pltpu.sync_copy(col_hbm.at[pl.ds(pl.multiple_of(base + K, 8), K)], idxcB)
    start_gather(idxrA, idxcA, bufrA, bufcA, semGA)
    start_gather(idxrB, idxcB, bufrB, bufcB, semGB)

    @pl.loop(0, NCHUNK, step=2)
    def _pair(c):
        more = c + 2 < NCHUNK

        wait_gather(idxrA, idxcA, bufrA, bufcA, semGA)

        @pl.when(c > 0)
        def _drain_sa():
            wait_scatter(idxrSA, idxcSA, msgA, nmsgA, semSA)

        copy_idx(idxrA, idxrSA)
        copy_idx(idxcA, idxcSA)

        @pl.when(more)
        def _prefetch_ia():
            load_idx(c + 2, idxrA, idxcA, semIA)

        compute(bufrA, bufcA, msgA, nmsgA)
        start_scatter(idxrSA, idxcSA, msgA, nmsgA, semSA)

        @pl.when(more)
        def _launch_ga():
            wait_idx(idxrA, idxcA, semIA)
            start_gather(idxrA, idxcA, bufrA, bufcA, semGA)

        wait_gather(idxrB, idxcB, bufrB, bufcB, semGB)

        @pl.when(c > 0)
        def _drain_sb():
            wait_scatter(idxrSB, idxcSB, msgB, nmsgB, semSB)

        copy_idx(idxrB, idxrSB)
        copy_idx(idxcB, idxcSB)

        @pl.when(more)
        def _prefetch_ib():
            load_idx(c + 3, idxrB, idxcB, semIB)

        compute(bufrB, bufcB, msgB, nmsgB)
        start_scatter(idxrSB, idxcSB, msgB, nmsgB, semSB)

        @pl.when(more)
        def _launch_gb():
            wait_idx(idxrB, idxcB, semIB)
            start_gather(idxrB, idxcB, bufrB, bufcB, semGB)

    wait_scatter(idxrSA, idxcSA, msgA, nmsgA, semSA)
    wait_scatter(idxrSB, idxcSB, msgB, nmsgB, semSB)

    plsc.subcore_barrier()
    pltpu.sync_copy(acc.at[pl.ds(sid * RPS, RPS)],
                    out_hbm.at[cid, pl.ds(sid * RPS, RPS)])

    @pl.when(sid == NS - 1)
    def _copy_tail():
        pltpu.sync_copy(acc.at[pl.ds(NS * RPS, REM)],
                        out_hbm.at[cid, pl.ds(NS * RPS, REM)])


@functools.partial(
    pl.kernel,
    out_type=jax.ShapeDtypeStruct((NC, N, D), jnp.float32),
    mesh=plsc.VectorSubcoreMesh(core_axis_name="c", subcore_axis_name="s"),
    compiler_params=pltpu.CompilerParams(use_tc_tiling_on_sc=False),
    scratch_types=(
        [pltpu.VMEM((K,), jnp.int32)] * 8
        + [pltpu.VMEM((K, DW), jnp.int32)] * 4
        + [pltpu.VMEM((K, D), jnp.float32)] * 4
        + [pltpu.VMEM((ZR, D), jnp.float32),
           pltpu.VMEM_SHARED((N, D), jnp.float32)]
        + [pltpu.SemaphoreType.DMA] * 6
    ),
)
def _sc_edge_kernel(h_hbm, row_hbm, col_hbm, out_hbm, *rest):
    _sc_body(h_hbm, row_hbm, col_hbm, out_hbm, *rest)


def kernel(z, x, edge_index, norm_factor, batch, W):
    del batch
    row = edge_index[0]
    col = edge_index[1]

    BN = 2000
    w2 = W.T @ jnp.asarray(_PERM_NP)
    h = pl.pallas_call(
        _pre_body,
        grid=(N // BN,),
        in_specs=[
            pl.BlockSpec((BN, D), lambda i: (i, 0)),
            pl.BlockSpec((BN, D), lambda i: (i, 0)),
            pl.BlockSpec((BN, 1), lambda i: (i, 0)),
            pl.BlockSpec((D, D), lambda i: (0, 0)),
        ],
        out_specs=pl.BlockSpec((BN, D), lambda i: (i, 0)),
        out_shape=jax.ShapeDtypeStruct((N, D), jnp.bfloat16),
    )(z, x, norm_factor, w2)

    hbits = lax.bitcast_convert_type(h.reshape(N, DW, 2), jnp.int32)

    a = _sc_edge_kernel(hbits, row, col)

    out = pl.pallas_call(
        _post_body,
        grid=(N // BN,),
        in_specs=[
            pl.BlockSpec((BN, D), lambda i: (i, 0)),
            pl.BlockSpec((BN, 1), lambda i: (i, 0)),
            pl.BlockSpec((NC, BN, D), lambda i: (0, i, 0)),
            pl.BlockSpec((D, D), lambda i: (0, 0)),
        ],
        out_specs=pl.BlockSpec((BN, D), lambda i: (i, 0)),
        out_shape=jax.ShapeDtypeStruct((N, D), jnp.float32),
    )(z, norm_factor, a, W)

    return out

# --- scband reference (transcript-rebuilt; emitter-appended) ---
"""Pipeline reference for scband-implicit-func-2989297238463 (READ-ONLY COPY).

The authoritative reference and input builder live on the scoring server;
editing this copy changes nothing except your own understanding.
"""

import jax, jax.numpy as jnp
import numpy as np

N = 10000
E = 320000
D = 128
ALPHA = 0.5


def setup_inputs(seed: int = 0) -> dict:
    key = jax.random.key(seed)
    k1, k2, k3, k4, k5 = jax.random.split(key, 5)
    z = jax.random.normal(k1, (N, D), dtype=jnp.float32)
    x = jax.random.normal(k2, (N, D), dtype=jnp.float32)
    edge_index = jax.random.randint(k3, (2, E), 0, N, dtype=jnp.int32)
    norm_factor = jax.random.uniform(k4, (N, 1), dtype=jnp.float32)
    batch = jnp.zeros((N,), dtype=jnp.int32)
    # nn.Linear(hidden, hidden, bias=False) weight, shape [out, in]
    W = jax.random.normal(k5, (D, D), dtype=jnp.float32) * (1.0 / np.sqrt(D))
    return {"z": z, "x": x, "edge_index": edge_index, "norm_factor": norm_factor, "batch": batch, "W": W}


def reference(z, x, edge_index, norm_factor, batch, W):
    # rescale=False -> degree = 1.0; double_linear=False -> WzUx = W(z + x)
    row = edge_index[0]
    col = edge_index[1]
    WzUx = (z + x) @ W.T  # torch Linear: y = inp @ weight.T
    WzUx = norm_factor * WzUx
    msg = jnp.take(WzUx, row, axis=0) - jnp.take(WzUx, col, axis=0)
    # act = relu; norm = lambda d: (lambda x, b=None: x)  (identity, ignores batch)
    msg = jax.nn.relu(msg)
    nf_row = jnp.take(norm_factor, row, axis=0)
    nf_col = jnp.take(norm_factor, col, axis=0)
    new_z = jax.ops.segment_sum(msg * nf_row, row, num_segments=N)
    new_z = new_z - jax.ops.segment_sum(msg * nf_col, col, num_segments=N)
    # F.linear(new_z, W.t()) = new_z @ W
    new_z = -(new_z @ W)
    # VariationalHidDropout(0.0) -> identity
    z_out = ALPHA * new_z + (1.0 - ALPHA) * z
    return z_out

if __name__ == "__main__":
    import jax
    _d = setup_inputs()
    print(jax.jit(kernel)(*tuple(_d.values())))

</pallas_src>

<mosaic_0001>
#map = affine_map<(d0, d1) -> (0, 0)>
#map1 = affine_map<(d0, d1) -> (0)>
#map2 = affine_map<(d0, d1) -> (0, 0, 0)>
module attributes {stable_mosaic.version = 14 : i64} {
  func.func @_sc_edge_kernel(%arg0: i32, %arg1: i32, %arg2: memref<10000x64xi32, #tpu.memory_space<hbm>>, %arg3: memref<320000xi32, #tpu.memory_space<hbm>>, %arg4: memref<320000xi32, #tpu.memory_space<hbm>>, %arg5: memref<2x10000x128xf32, #tpu.memory_space<hbm>>, %arg6: memref<40xi32, #tpu.memory_space<vmem>>, %arg7: memref<40xi32, #tpu.memory_space<vmem>>, %arg8: memref<40xi32, #tpu.memory_space<vmem>>, %arg9: memref<40xi32, #tpu.memory_space<vmem>>, %arg10: memref<40xi32, #tpu.memory_space<vmem>>, %arg11: memref<40xi32, #tpu.memory_space<vmem>>, %arg12: memref<40xi32, #tpu.memory_space<vmem>>, %arg13: memref<40xi32, #tpu.memory_space<vmem>>, %arg14: memref<40x64xi32, #tpu.memory_space<vmem>>, %arg15: memref<40x64xi32, #tpu.memory_space<vmem>>, %arg16: memref<40x64xi32, #tpu.memory_space<vmem>>, %arg17: memref<40x64xi32, #tpu.memory_space<vmem>>, %arg18: memref<40x128xf32, #tpu.memory_space<vmem>>, %arg19: memref<40x128xf32, #tpu.memory_space<vmem>>, %arg20: memref<40x128xf32, #tpu.memory_space<vmem>>, %arg21: memref<40x128xf32, #tpu.memory_space<vmem>>, %arg22: memref<48x128xf32, #tpu.memory_space<vmem>>, %arg23: memref<10000x128xf32, #tpu.memory_space<vmem_shared>>, %arg24: memref<!tpu.dma_semaphore, #tpu.memory_space<semaphore_mem>>, %arg25: memref<!tpu.dma_semaphore, #tpu.memory_space<semaphore_mem>>, %arg26: memref<!tpu.dma_semaphore, #tpu.memory_space<semaphore_mem>>, %arg27: memref<!tpu.dma_semaphore, #tpu.memory_space<semaphore_mem>>, %arg28: memref<!tpu.dma_semaphore, #tpu.memory_space<semaphore_mem>>, %arg29: memref<!tpu.dma_semaphore, #tpu.memory_space<semaphore_mem>>) attributes {dimension_semantics = [#tpu.dimension_semantics<core_parallel>, #tpu.dimension_semantics<subcore_parallel>], iteration_bounds = array<i64: 2, 16>, scalar_prefetch = 0 : i64, scratch_operands = 24 : i64, tpu.core_type = #tpu.core_type<sc_vector_subcore>, window_params = [{transform_indices = #map}, {transform_indices = #map1}, {transform_indices = #map1}, {transform_indices = #map2}]} {
    %mul3A = arith.constant 2 : i32
    %mul3A_0 = arith.muli %arg1, %mul3A : i32
    %add3A = arith.addi %mul3A_0, %arg0 : i32
    %scan3A = arith.constant 0 : i32
    %scan3A_1 = arith.constant 48 : i32
    %scan3A_2 = arith.addi %scan3A, %scan3A_1 : i32
    %scan3A_3 = arith.constant 1 : i32
    scf.for %scan3A_108 = %scan3A to %scan3A_2 step %scan3A_3  : i32 {
      %mul3A_109 = arith.constant 1 : i32
      %mul3A_110 = arith.muli %scan3A_108, %mul3A_109 : i32
      %add3A_111 = arith.constant 0 : i32
      %add3A_112 = arith.addi %add3A_111, %mul3A_110 : i32
      %broadcast_in_dim3A_113 = arith.constant 0.000000e+00 : f32
      %broadcast_in_dim3A_114 = vector.broadcast %broadcast_in_dim3A_113 : f32 to vector<16xf32>
      %swap3A = arith.index_cast %add3A_112 : i32 to index
      %swap3A_115 = arith.constant 0 : index
      %swap3A_116 = tpu.vector_load %arg22[%swap3A, %swap3A_115] {strides = array<i32>} : memref<48x128xf32, #tpu.memory_space<vmem>>, vector<1x16xf32>,
      %swap3A_117 = vector.shape_cast %swap3A_116 : vector<1x16xf32> to vector<16xf32>
      %swap3A_118 = vector.shape_cast %broadcast_in_dim3A_114 : vector<16xf32> to vector<1x16xf32>
      tpu.vector_store %arg22[%swap3A, %swap3A_115], %swap3A_118 {strides = array<i32>} : memref<48x128xf32, #tpu.memory_space<vmem>>, vector<1x16xf32>,
      %broadcast_in_dim3A_119 = arith.constant 0.000000e+00 : f32
      %broadcast_in_dim3A_120 = vector.broadcast %broadcast_in_dim3A_119 : f32 to vector<16xf32>
      %swap3A_121 = arith.index_cast %add3A_112 : i32 to index
      %swap3A_122 = arith.constant 16 : index
      %swap3A_123 = tpu.vector_load %arg22[%swap3A_121, %swap3A_122] {strides = array<i32>} : memref<48x128xf32, #tpu.memory_space<vmem>>, vector<1x16xf32>,
      %swap3A_124 = vector.shape_cast %swap3A_123 : vector<1x16xf32> to vector<16xf32>
      %swap3A_125 = vector.shape_cast %broadcast_in_dim3A_120 : vector<16xf32> to vector<1x16xf32>
      tpu.vector_store %arg22[%swap3A_121, %swap3A_122], %swap3A_125 {strides = array<i32>} : memref<48x128xf32, #tpu.memory_space<vmem>>, vector<1x16xf32>,
      %broadcast_in_dim3A_126 = arith.constant 0.000000e+00 : f32
      %broadcast_in_dim3A_127 = vector.broadcast %broadcast_in_dim3A_126 : f32 to vector<16xf32>
      %swap3A_128 = arith.index_cast %add3A_112 : i32 to index
      %swap3A_129 = arith.constant 32 : index
      %swap3A_130 = tpu.vector_load %arg22[%swap3A_128, %swap3A_129] {strides = array<i32>} : memref<48x128xf32, #tpu.memory_space<vmem>>, vector<1x16xf32>,
      %swap3A_131 = vector.shape_cast %swap3A_130 : vector<1x16xf32> to vector<16xf32>
      %swap3A_132 = vector.shape_cast %broadcast_in_dim3A_127 : vector<16xf32> to vector<1x16xf32>
      tpu.vector_store %arg22[%swap3A_128, %swap3A_129], %swap3A_132 {strides = array<i32>} : memref<48x128xf32, #tpu.memory_space<vmem>>, vector<1x16xf32>,
      %broadcast_in_dim3A_133 = arith.constant 0.000000e+00 : f32
      %broadcast_in_dim3A_134 = vector.broadcast %broadcast_in_dim3A_133 : f32 to vector<16xf32>
      %swap3A_135 = arith.index_cast %add3A_112 : i32 to index
      %swap3A_136 = arith.constant 48 : index
      %swap3A_137 = tpu.vector_load %arg22[%swap3A_135, %swap3A_136] {strides = array<i32>} : memref<48x128xf32, #tpu.memory_space<vmem>>, vector<1x16xf32>,
      %swap3A_138 = vector.shape_cast %swap3A_137 : vector<1x16xf32> to vector<16xf32>
      %swap3A_139 = vector.shape_cast %broadcast_in_dim3A_134 : vector<16xf32> to vector<1x16xf32>
      tpu.vector_store %arg22[%swap3A_135, %swap3A_136], %swap3A_139 {strides = array<i32>} : memref<48x128xf32, #tpu.memory_space<vmem>>, vector<1x16xf32>,
      %broadcast_in_dim3A_140 = arith.constant 0.000000e+00 : f32
      %broadcast_in_dim3A_141 = vector.broadcast %broadcast_in_dim3A_140 : f32 to vector<16xf32>
      %swap3A_142 = arith.index_cast %add3A_112 : i32 to index
      %swap3A_143 = arith.constant 64 : index
      %swap3A_144 = tpu.vector_load %arg22[%swap3A_142, %swap3A_143] {strides = array<i32>} : memref<48x128xf32, #tpu.memory_space<vmem>>, vector<1x16xf32>,
      %swap3A_145 = vector.shape_cast %swap3A_144 : vector<1x16xf32> to vector<16xf32>
      %swap3A_146 = vector.shape_cast %broadcast_in_dim3A_141 : vector<16xf32> to vector<1x16xf32>
      tpu.vector_store %arg22[%swap3A_142, %swap3A_143], %swap3A_146 {strides = array<i32>} : memref<48x128xf32, #tpu.memory_space<vmem>>, vector<1x16xf32>,
      %broadcast_in_dim3A_147 = arith.constant 0.000000e+00 : f32
      %broadcast_in_dim3A_148 = vector.broadcast %broadcast_in_dim3A_147 : f32 to vector<16xf32>
      %swap3A_149 = arith.index_cast %add3A_112 : i32 to index
      %swap3A_150 = arith.constant 80 : index
      %swap3A_151 = tpu.vector_load %arg22[%swap3A_149, %swap3A_150] {strides = array<i32>} : memref<48x128xf32, #tpu.memory_space<vmem>>, vector<1x16xf32>,
      %swap3A_152 = vector.shape_cast %swap3A_151 : vector<1x16xf32> to vector<16xf32>
      %swap3A_153 = vector.shape_cast %broadcast_in_dim3A_148 : vector<16xf32> to vector<1x16xf32>
      tpu.vector_store %arg22[%swap3A_149, %swap3A_150], %swap3A_153 {strides = array<i32>} : memref<48x128xf32, #tpu.memory_space<vmem>>, vector<1x16xf32>,
      %broadcast_in_dim3A_154 = arith.constant 0.000000e+00 : f32
      %broadcast_in_dim3A_155 = vector.broadcast %broadcast_in_dim3A_154 : f32 to vector<16xf32>
      %swap3A_156 = arith.index_cast %add3A_112 : i32 to index
      %swap3A_157 = arith.constant 96 : index
      %swap3A_158 = tpu.vector_load %arg22[%swap3A_156, %swap3A_157] {strides = array<i32>} : memref<48x128xf32, #tpu.memory_space<vmem>>, vector<1x16xf32>,
      %swap3A_159 = vector.shape_cast %swap3A_158 : vector<1x16xf32> to vector<16xf32>
      %swap3A_160 = vector.shape_cast %broadcast_in_dim3A_155 : vector<16xf32> to vector<1x16xf32>
      tpu.vector_store %arg22[%swap3A_156, %swap3A_157], %swap3A_160 {strides = array<i32>} : memref<48x128xf32, #tpu.memory_space<vmem>>, vector<1x16xf32>,
      %broadcast_in_dim3A_161 = arith.constant 0.000000e+00 : f32
      %broadcast_in_dim3A_162 = vector.broadcast %broadcast_in_dim3A_161 : f32 to vector<16xf32>
      %swap3A_163 = arith.index_cast %add3A_112 : i32 to index
      %swap3A_164 = arith.constant 112 : index
      %swap3A_165 = tpu.vector_load %arg22[%swap3A_163, %swap3A_164] {strides = array<i32>} : memref<48x128xf32, #tpu.memory_space<vmem>>, vector<1x16xf32>,
      %swap3A_166 = vector.shape_cast %swap3A_165 : vector<1x16xf32> to vector<16xf32>
      %swap3A_167 = vector.shape_cast %broadcast_in_dim3A_162 : vector<16xf32> to vector<1x16xf32>
      tpu.vector_store %arg22[%swap3A_163, %swap3A_164], %swap3A_167 {strides = array<i32>} : memref<48x128xf32, #tpu.memory_space<vmem>>, vector<1x16xf32>,
    }
    %scan3A_4 = arith.constant 48 : i32
    %mul3A_5 = arith.constant 624 : i32
    %mul3A_6 = arith.muli %arg1, %mul3A_5 : i32
    %add3A_7 = arith.constant 0 : i32
    %add3A_8 = arith.addi %mul3A_6, %add3A_7 : i32
    "tpu.region"() ({
      %run_scoped3A = tpu.sem_alloc : memref<!tpu.dma_semaphore, #tpu.memory_space<semaphore_mem>>
      %dma_start3A_108 = arith.constant 0 : i32
      %dma_start3A_109 = tpu.memref_slice %arg23[%add3A_8, %dma_start3A_108] : memref<10000x128xf32, #tpu.memory_space<vmem_shared>> -> memref<48x128xf32, #tpu.memory_space<vmem_shared>>
      %dma_start3A_110 = arith.constant 0 : i32
      %dma_start3A_111 = tpu.memref_slice %arg23[%add3A_8, %dma_start3A_110] : memref<10000x128xf32, #tpu.memory_space<vmem_shared>> -> memref<48x128xf32, #tpu.memory_space<vmem_shared>>
      tpu.enqueue_dma source(%arg22 : memref<48x128xf32, #tpu.memory_space<vmem>>) target(%dma_start3A_111 : memref<48x128xf32, #tpu.memory_space<vmem_shared>>) target_semaphore(%run_scoped3A : memref<!tpu.dma_semaphore, #tpu.memory_space<semaphore_mem>>)
      %dma_wait3A_112 = arith.constant 0 : i32
      %dma_wait3A_113 = tpu.memref_slice %arg23[%add3A_8, %dma_wait3A_112] : memref<10000x128xf32, #tpu.memory_space<vmem_shared>> -> memref<48x128xf32, #tpu.memory_space<vmem_shared>>
      %dma_wait3A_114 = arith.constant 0 : i32
      %dma_wait3A_115 = tpu.memref_slice %arg23[%add3A_8, %dma_wait3A_114] : memref<10000x128xf32, #tpu.memory_space<vmem_shared>> -> memref<48x128xf32, #tpu.memory_space<vmem_shared>>
      tpu.wait_dma2 semaphore(%run_scoped3A : memref<!tpu.dma_semaphore, #tpu.memory_space<semaphore_mem>>) src(%arg22 : memref<48x128xf32, #tpu.memory_space<vmem>>) dst(%dma_wait3A_115 : memref<48x128xf32, #tpu.memory_space<vmem_shared>>)
      tpu.yield
    }) : () -> ()
    %mul3A_9 = arith.constant 624 : i32
    %mul3A_10 = arith.muli %arg1, %mul3A_9 : i32
    %add3A_11 = arith.constant 48 : i32
    %add3A_12 = arith.addi %mul3A_10, %add3A_11 : i32
    "tpu.region"() ({
      %run_scoped3A = tpu.sem_alloc : memref<!tpu.dma_semaphore, #tpu.memory_space<semaphore_mem>>
      %dma_start3A_108 = arith.constant 0 : i32
      %dma_start3A_109 = tpu.memref_slice %arg23[%add3A_12, %dma_start3A_108] : memref<10000x128xf32, #tpu.memory_space<vmem_shared>> -> memref<48x128xf32, #tpu.memory_space<vmem_shared>>
      %dma_start3A_110 = arith.constant 0 : i32
      %dma_start3A_111 = tpu.memref_slice %arg23[%add3A_12, %dma_start3A_110] : memref<10000x128xf32, #tpu.memory_space<vmem_shared>> -> memref<48x128xf32, #tpu.memory_space<vmem_shared>>
      tpu.enqueue_dma source(%arg22 : memref<48x128xf32, #tpu.memory_space<vmem>>) target(%dma_start3A_111 : memref<48x128xf32, #tpu.memory_space<vmem_shared>>) target_semaphore(%run_scoped3A : memref<!tpu.dma_semaphore, #tpu.memory_space<semaphore_mem>>)
      %dma_wait3A_112 = arith.constant 0 : i32
      %dma_wait3A_113 = tpu.memref_slice %arg23[%add3A_12, %dma_wait3A_112] : memref<10000x128xf32, #tpu.memory_space<vmem_shared>> -> memref<48x128xf32, #tpu.memory_space<vmem_shared>>
      %dma_wait3A_114 = arith.constant 0 : i32
      %dma_wait3A_115 = tpu.memref_slice %arg23[%add3A_12, %dma_wait3A_114] : memref<10000x128xf32, #tpu.memory_space<vmem_shared>> -> memref<48x128xf32, #tpu.memory_space<vmem_shared>>
      tpu.wait_dma2 semaphore(%run_scoped3A : memref<!tpu.dma_semaphore, #tpu.memory_space<semaphore_mem>>) src(%arg22 : memref<48x128xf32, #tpu.memory_space<vmem>>) dst(%dma_wait3A_115 : memref<48x128xf32, #tpu.memory_space<vmem_shared>>)
      tpu.yield
    }) : () -> ()
    %mul3A_13 = arith.constant 624 : i32
    %mul3A_14 = arith.muli %arg1, %mul3A_13 : i32
    %add3A_15 = arith.constant 96 : i32
    %add3A_16 = arith.addi %mul3A_14, %add3A_15 : i32
    "tpu.region"() ({
      %run_scoped3A = tpu.sem_alloc : memref<!tpu.dma_semaphore, #tpu.memory_space<semaphore_mem>>
      %dma_start3A_108 = arith.constant 0 : i32
      %dma_start3A_109 = tpu.memref_slice %arg23[%add3A_16, %dma_start3A_108] : memref<10000x128xf32, #tpu.memory_space<vmem_shared>> -> memref<48x128xf32, #tpu.memory_space<vmem_shared>>
      %dma_start3A_110 = arith.constant 0 : i32
      %dma_start3A_111 = tpu.memref_slice %arg23[%add3A_16, %dma_start3A_110] : memref<10000x128xf32, #tpu.memory_space<vmem_shared>> -> memref<48x128xf32, #tpu.memory_space<vmem_shared>>
      tpu.enqueue_dma source(%arg22 : memref<48x128xf32, #tpu.memory_space<vmem>>) target(%dma_start3A_111 : memref<48x128xf32, #tpu.memory_space<vmem_shared>>) target_semaphore(%run_scoped3A : memref<!tpu.dma_semaphore, #tpu.memory_space<semaphore_mem>>)
      %dma_wait3A_112 = arith.constant 0 : i32
      %dma_wait3A_113 = tpu.memref_slice %arg23[%add3A_16, %dma_wait3A_112] : memref<10000x128xf32, #tpu.memory_space<vmem_shared>> -> memref<48x128xf32, #tpu.memory_space<vmem_shared>>
      %dma_wait3A_114 = arith.constant 0 : i32
      %dma_wait3A_115 = tpu.memref_slice %arg23[%add3A_16, %dma_wait3A_114] : memref<10000x128xf32, #tpu.memory_space<vmem_shared>> -> memref<48x128xf32, #tpu.memory_space<vmem_shared>>
      tpu.wait_dma2 semaphore(%run_scoped3A : memref<!tpu.dma_semaphore, #tpu.memory_space<semaphore_mem>>) src(%arg22 : memref<48x128xf32, #tpu.memory_space<vmem>>) dst(%dma_wait3A_115 : memref<48x128xf32, #tpu.memory_space<vmem_shared>>)
      tpu.yield
    }) : () -> ()
    %mul3A_17 = arith.constant 624 : i32
    %mul3A_18 = arith.muli %arg1, %mul3A_17 : i32
    %add3A_19 = arith.constant 144 : i32
    %add3A_20 = arith.addi %mul3A_18, %add3A_19 : i32
    "tpu.region"() ({
      %run_scoped3A = tpu.sem_alloc : memref<!tpu.dma_semaphore, #tpu.memory_space<semaphore_mem>>
      %dma_start3A_108 = arith.constant 0 : i32
      %dma_start3A_109 = tpu.memref_slice %arg23[%add3A_20, %dma_start3A_108] : memref<10000x128xf32, #tpu.memory_space<vmem_shared>> -> memref<48x128xf32, #tpu.memory_space<vmem_shared>>
      %dma_start3A_110 = arith.constant 0 : i32
      %dma_start3A_111 = tpu.memref_slice %arg23[%add3A_20, %dma_start3A_110] : memref<10000x128xf32, #tpu.memory_space<vmem_shared>> -> memref<48x128xf32, #tpu.memory_space<vmem_shared>>
      tpu.enqueue_dma source(%arg22 : memref<48x128xf32, #tpu.memory_space<vmem>>) target(%dma_start3A_111 : memref<48x128xf32, #tpu.memory_space<vmem_shared>>) target_semaphore(%run_scoped3A : memref<!tpu.dma_semaphore, #tpu.memory_space<semaphore_mem>>)
      %dma_wait3A_112 = arith.constant 0 : i32
      %dma_wait3A_113 = tpu.memref_slice %arg23[%add3A_20, %dma_wait3A_112] : memref<10000x128xf32, #tpu.memory_space<vmem_shared>> -> memref<48x128xf32, #tpu.memory_space<vmem_shared>>
      %dma_wait3A_114 = arith.constant 0 : i32
      %dma_wait3A_115 = tpu.memref_slice %arg23[%add3A_20, %dma_wait3A_114] : memref<10000x128xf32, #tpu.memory_space<vmem_shared>> -> memref<48x128xf32, #tpu.memory_space<vmem_shared>>
      tpu.wait_dma2 semaphore(%run_scoped3A : memref<!tpu.dma_semaphore, #tpu.memory_space<semaphore_mem>>) src(%arg22 : memref<48x128xf32, #tpu.memory_space<vmem>>) dst(%dma_wait3A_115 : memref<48x128xf32, #tpu.memory_space<vmem_shared>>)
      tpu.yield
    }) : () -> ()
    %mul3A_21 = arith.constant 624 : i32
    %mul3A_22 = arith.muli %arg1, %mul3A_21 : i32
    %add3A_23 = arith.constant 192 : i32
    %add3A_24 = arith.addi %mul3A_22, %add3A_23 : i32
    "tpu.region"() ({
      %run_scoped3A = tpu.sem_alloc : memref<!tpu.dma_semaphore, #tpu.memory_space<semaphore_mem>>
      %dma_start3A_108 = arith.constant 0 : i32
      %dma_start3A_109 = tpu.memref_slice %arg23[%add3A_24, %dma_start3A_108] : memref<10000x128xf32, #tpu.memory_space<vmem_shared>> -> memref<48x128xf32, #tpu.memory_space<vmem_shared>>
      %dma_start3A_110 = arith.constant 0 : i32
      %dma_start3A_111 = tpu.memref_slice %arg23[%add3A_24, %dma_start3A_110] : memref<10000x128xf32, #tpu.memory_space<vmem_shared>> -> memref<48x128xf32, #tpu.memory_space<vmem_shared>>
      tpu.enqueue_dma source(%arg22 : memref<48x128xf32, #tpu.memory_space<vmem>>) target(%dma_start3A_111 : memref<48x128xf32, #tpu.memory_space<vmem_shared>>) target_semaphore(%run_scoped3A : memref<!tpu.dma_semaphore, #tpu.memory_space<semaphore_mem>>)
      %dma_wait3A_112 = arith.constant 0 : i32
      %dma_wait3A_113 = tpu.memref_slice %arg23[%add3A_24, %dma_wait3A_112] : memref<10000x128xf32, #tpu.memory_space<vmem_shared>> -> memref<48x128xf32, #tpu.memory_space<vmem_shared>>
      %dma_wait3A_114 = arith.constant 0 : i32
      %dma_wait3A_115 = tpu.memref_slice %arg23[%add3A_24, %dma_wait3A_114] : memref<10000x128xf32, #tpu.memory_space<vmem_shared>> -> memref<48x128xf32, #tpu.memory_space<vmem_shared>>
      tpu.wait_dma2 semaphore(%run_scoped3A : memref<!tpu.dma_semaphore, #tpu.memory_space<semaphore_mem>>) src(%arg22 : memref<48x128xf32, #tpu.memory_space<vmem>>) dst(%dma_wait3A_115 : memref<48x128xf32, #tpu.memory_space<vmem_shared>>)
      tpu.yield
    }) : () -> ()
    %mul3A_25 = arith.constant 624 : i32
    %mul3A_26 = arith.muli %arg1, %mul3A_25 : i32
    %add3A_27 = arith.constant 240 : i32
    %add3A_28 = arith.addi %mul3A_26, %add3A_27 : i32
    "tpu.region"() ({
      %run_scoped3A = tpu.sem_alloc : memref<!tpu.dma_semaphore, #tpu.memory_space<semaphore_mem>>
      %dma_start3A_108 = arith.constant 0 : i32
      %dma_start3A_109 = tpu.memref_slice %arg23[%add3A_28, %dma_start3A_108] : memref<10000x128xf32, #tpu.memory_space<vmem_shared>> -> memref<48x128xf32, #tpu.memory_space<vmem_shared>>
      %dma_start3A_110 = arith.constant 0 : i32
      %dma_start3A_111 = tpu.memref_slice %arg23[%add3A_28, %dma_start3A_110] : memref<10000x128xf32, #tpu.memory_space<vmem_shared>> -> memref<48x128xf32, #tpu.memory_space<vmem_shared>>
      tpu.enqueue_dma source(%arg22 : memref<48x128xf32, #tpu.memory_space<vmem>>) target(%dma_start3A_111 : memref<48x128xf32, #tpu.memory_space<vmem_shared>>) target_semaphore(%run_scoped3A : memref<!tpu.dma_semaphore, #tpu.memory_space<semaphore_mem>>)
      %dma_wait3A_112 = arith.constant 0 : i32
      %dma_wait3A_113 = tpu.memref_slice %arg23[%add3A_28, %dma_wait3A_112] : memref<10000x128xf32, #tpu.memory_space<vmem_shared>> -> memref<48x128xf32, #tpu.memory_space<vmem_shared>>
      %dma_wait3A_114 = arith.constant 0 : i32
      %dma_wait3A_115 = tpu.memref_slice %arg23[%add3A_28, %dma_wait3A_114] : memref<10000x128xf32, #tpu.memory_space<vmem_shared>> -> memref<48x128xf32, #tpu.memory_space<vmem_shared>>
      tpu.wait_dma2 semaphore(%run_scoped3A : memref<!tpu.dma_semaphore, #tpu.memory_space<semaphore_mem>>) src(%arg22 : memref<48x128xf32, #tpu.memory_space<vmem>>) dst(%dma_wait3A_115 : memref<48x128xf32, #tpu.memory_space<vmem_shared>>)
      tpu.yield
    }) : () -> ()
    %mul3A_29 = arith.constant 624 : i32
    %mul3A_30 = arith.muli %arg1, %mul3A_29 : i32
    %add3A_31 = arith.constant 288 : i32
    %add3A_32 = arith.addi %mul3A_30, %add3A_31 : i32
    "tpu.region"() ({
      %run_scoped3A = tpu.sem_alloc : memref<!tpu.dma_semaphore, #tpu.memory_space<semaphore_mem>>
      %dma_start3A_108 = arith.constant 0 : i32
      %dma_start3A_109 = tpu.memref_slice %arg23[%add3A_32, %dma_start3A_108] : memref<10000x128xf32, #tpu.memory_space<vmem_shared>> -> memref<48x128xf32, #tpu.memory_space<vmem_shared>>
      %dma_start3A_110 = arith.constant 0 : i32
      %dma_start3A_111 = tpu.memref_slice %arg23[%add3A_32, %dma_start3A_110] : memref<10000x128xf32, #tpu.memory_space<vmem_shared>> -> memref<48x128xf32, #tpu.memory_space<vmem_shared>>
      tpu.enqueue_dma source(%arg22 : memref<48x128xf32, #tpu.memory_space<vmem>>) target(%dma_start3A_111 : memref<48x128xf32, #tpu.memory_space<vmem_shared>>) target_semaphore(%run_scoped3A : memref<!tpu.dma_semaphore, #tpu.memory_space<semaphore_mem>>)
      %dma_wait3A_112 = arith.constant 0 : i32
      %dma_wait3A_113 = tpu.memref_slice %arg23[%add3A_32, %dma_wait3A_112] : memref<10000x128xf32, #tpu.memory_space<vmem_shared>> -> memref<48x128xf32, #tpu.memory_space<vmem_shared>>
      %dma_wait3A_114 = arith.constant 0 : i32
      %dma_wait3A_115 = tpu.memref_slice %arg23[%add3A_32, %dma_wait3A_114] : memref<10000x128xf32, #tpu.memory_space<vmem_shared>> -> memref<48x128xf32, #tpu.memory_space<vmem_shared>>
      tpu.wait_dma2 semaphore(%run_scoped3A : memref<!tpu.dma_semaphore, #tpu.memory_space<semaphore_mem>>) src(%arg22 : memref<48x128xf32, #tpu.memory_space<vmem>>) dst(%dma_wait3A_115 : memref<48x128xf32, #tpu.memory_space<vmem_shared>>)
      tpu.yield
    }) : () -> ()
    %mul3A_33 = arith.constant 624 : i32
    %mul3A_34 = arith.muli %arg1, %mul3A_33 : i32
    %add3A_35 = arith.constant 336 : i32
    %add3A_36 = arith.addi %mul3A_34, %add3A_35 : i32
    "tpu.region"() ({
      %run_scoped3A = tpu.sem_alloc : memref<!tpu.dma_semaphore, #tpu.memory_space<semaphore_mem>>
      %dma_start3A_108 = arith.constant 0 : i32
      %dma_start3A_109 = tpu.memref_slice %arg23[%add3A_36, %dma_start3A_108] : memref<10000x128xf32, #tpu.memory_space<vmem_shared>> -> memref<48x128xf32, #tpu.memory_space<vmem_shared>>
      %dma_start3A_110 = arith.constant 0 : i32
      %dma_start3A_111 = tpu.memref_slice %arg23[%add3A_36, %dma_start3A_110] : memref<10000x128xf32, #tpu.memory_space<vmem_shared>> -> memref<48x128xf32, #tpu.memory_space<vmem_shared>>
      tpu.enqueue_dma source(%arg22 : memref<48x128xf32, #tpu.memory_space<vmem>>) target(%dma_start3A_111 : memref<48x128xf32, #tpu.memory_space<vmem_shared>>) target_semaphore(%run_scoped3A : memref<!tpu.dma_semaphore, #tpu.memory_space<semaphore_mem>>)
      %dma_wait3A_112 = arith.constant 0 : i32
      %dma_wait3A_113 = tpu.memref_slice %arg23[%add3A_36, %dma_wait3A_112] : memref<10000x128xf32, #tpu.memory_space<vmem_shared>> -> memref<48x128xf32, #tpu.memory_space<vmem_shared>>
      %dma_wait3A_114 = arith.constant 0 : i32
      %dma_wait3A_115 = tpu.memref_slice %arg23[%add3A_36, %dma_wait3A_114] : memref<10000x128xf32, #tpu.memory_space<vmem_shared>> -> memref<48x128xf32, #tpu.memory_space<vmem_shared>>
      tpu.wait_dma2 semaphore(%run_scoped3A : memref<!tpu.dma_semaphore, #tpu.memory_space<semaphore_mem>>) src(%arg22 : memref<48x128xf32, #tpu.memory_space<vmem>>) dst(%dma_wait3A_115 : memref<48x128xf32, #tpu.memory_space<vmem_shared>>)
      tpu.yield
    }) : () -> ()
    %mul3A_37 = arith.constant 624 : i32
    %mul3A_38 = arith.muli %arg1, %mul3A_37 : i32
    %add3A_39 = arith.constant 384 : i32
    %add3A_40 = arith.addi %mul3A_38, %add3A_39 : i32
    "tpu.region"() ({
      %run_scoped3A = tpu.sem_alloc : memref<!tpu.dma_semaphore, #tpu.memory_space<semaphore_mem>>
      %dma_start3A_108 = arith.constant 0 : i32
      %dma_start3A_109 = tpu.memref_slice %arg23[%add3A_40, %dma_start3A_108] : memref<10000x128xf32, #tpu.memory_space<vmem_shared>> -> memref<48x128xf32, #tpu.memory_space<vmem_shared>>
      %dma_start3A_110 = arith.constant 0 : i32
      %dma_start3A_111 = tpu.memref_slice %arg23[%add3A_40, %dma_start3A_110] : memref<10000x128xf32, #tpu.memory_space<vmem_shared>> -> memref<48x128xf32, #tpu.memory_space<vmem_shared>>
      tpu.enqueue_dma source(%arg22 : memref<48x128xf32, #tpu.memory_space<vmem>>) target(%dma_start3A_111 : memref<48x128xf32, #tpu.memory_space<vmem_shared>>) target_semaphore(%run_scoped3A : memref<!tpu.dma_semaphore, #tpu.memory_space<semaphore_mem>>)
      %dma_wait3A_112 = arith.constant 0 : i32
      %dma_wait3A_113 = tpu.memref_slice %arg23[%add3A_40, %dma_wait3A_112] : memref<10000x128xf32, #tpu.memory_space<vmem_shared>> -> memref<48x128xf32, #tpu.memory_space<vmem_shared>>
      %dma_wait3A_114 = arith.constant 0 : i32
      %dma_wait3A_115 = tpu.memref_slice %arg23[%add3A_40, %dma_wait3A_114] : memref<10000x128xf32, #tpu.memory_space<vmem_shared>> -> memref<48x128xf32, #tpu.memory_space<vmem_shared>>
      tpu.wait_dma2 semaphore(%run_scoped3A : memref<!tpu.dma_semaphore, #tpu.memory_space<semaphore_mem>>) src(%arg22 : memref<48x128xf32, #tpu.memory_space<vmem>>) dst(%dma_wait3A_115 : memref<48x128xf32, #tpu.memory_space<vmem_shared>>)
      tpu.yield
    }) : () -> ()
    %mul3A_41 = arith.constant 624 : i32
    %mul3A_42 = arith.muli %arg1, %mul3A_41 : i32
    %add3A_43 = arith.constant 432 : i32
    %add3A_44 = arith.addi %mul3A_42, %add3A_43 : i32
    "tpu.region"() ({
      %run_scoped3A = tpu.sem_alloc : memref<!tpu.dma_semaphore, #tpu.memory_space<semaphore_mem>>
      %dma_start3A_108 = arith.constant 0 : i32
      %dma_start3A_109 = tpu.memref_slice %arg23[%add3A_44, %dma_start3A_108] : memref<10000x128xf32, #tpu.memory_space<vmem_shared>> -> memref<48x128xf32, #tpu.memory_space<vmem_shared>>
      %dma_start3A_110 = arith.constant 0 : i32
      %dma_start3A_111 = tpu.memref_slice %arg23[%add3A_44, %dma_start3A_110] : memref<10000x128xf32, #tpu.memory_space<vmem_shared>> -> memref<48x128xf32, #tpu.memory_space<vmem_shared>>
      tpu.enqueue_dma source(%arg22 : memref<48x128xf32, #tpu.memory_space<vmem>>) target(%dma_start3A_111 : memref<48x128xf32, #tpu.memory_space<vmem_shared>>) target_semaphore(%run_scoped3A : memref<!tpu.dma_semaphore, #tpu.memory_space<semaphore_mem>>)
      %dma_wait3A_112 = arith.constant 0 : i32
      %dma_wait3A_113 = tpu.memref_slice %arg23[%add3A_44, %dma_wait3A_112] : memref<10000x128xf32, #tpu.memory_space<vmem_shared>> -> memref<48x128xf32, #tpu.memory_space<vmem_shared>>
      %dma_wait3A_114 = arith.constant 0 : i32
      %dma_wait3A_115 = tpu.memref_slice %arg23[%add3A_44, %dma_wait3A_114] : memref<10000x128xf32, #tpu.memory_space<vmem_shared>> -> memref<48x128xf32, #tpu.memory_space<vmem_shared>>
      tpu.wait_dma2 semaphore(%run_scoped3A : memref<!tpu.dma_semaphore, #tpu.memory_space<semaphore_mem>>) src(%arg22 : memref<48x128xf32, #tpu.memory_space<vmem>>) dst(%dma_wait3A_115 : memref<48x128xf32, #tpu.memory_space<vmem_shared>>)
      tpu.yield
    }) : () -> ()
    %mul3A_45 = arith.constant 624 : i32
    %mul3A_46 = arith.muli %arg1, %mul3A_45 : i32
    %add3A_47 = arith.constant 480 : i32
    %add3A_48 = arith.addi %mul3A_46, %add3A_47 : i32
    "tpu.region"() ({
      %run_scoped3A = tpu.sem_alloc : memref<!tpu.dma_semaphore, #tpu.memory_space<semaphore_mem>>
      %dma_start3A_108 = arith.constant 0 : i32
      %dma_start3A_109 = tpu.memref_slice %arg23[%add3A_48, %dma_start3A_108] : memref<10000x128xf32, #tpu.memory_space<vmem_shared>> -> memref<48x128xf32, #tpu.memory_space<vmem_shared>>
      %dma_start3A_110 = arith.constant 0 : i32
      %dma_start3A_111 = tpu.memref_slice %arg23[%add3A_48, %dma_start3A_110] : memref<10000x128xf32, #tpu.memory_space<vmem_shared>> -> memref<48x128xf32, #tpu.memory_space<vmem_shared>>
      tpu.enqueue_dma source(%arg22 : memref<48x128xf32, #tpu.memory_space<vmem>>) target(%dma_start3A_111 : memref<48x128xf32, #tpu.memory_space<vmem_shared>>) target_semaphore(%run_scoped3A : memref<!tpu.dma_semaphore, #tpu.memory_space<semaphore_mem>>)
      %dma_wait3A_112 = arith.constant 0 : i32
      %dma_wait3A_113 = tpu.memref_slice %arg23[%add3A_48, %dma_wait3A_112] : memref<10000x128xf32, #tpu.memory_space<vmem_shared>> -> memref<48x128xf32, #tpu.memory_space<vmem_shared>>
      %dma_wait3A_114 = arith.constant 0 : i32
      %dma_wait3A_115 = tpu.memref_slice %arg23[%add3A_48, %dma_wait3A_114] : memref<10000x128xf32, #tpu.memory_space<vmem_shared>> -> memref<48x128xf32, #tpu.memory_space<vmem_shared>>
      tpu.wait_dma2 semaphore(%run_scoped3A : memref<!tpu.dma_semaphore, #tpu.memory_space<semaphore_mem>>) src(%arg22 : memref<48x128xf32, #tpu.memory_space<vmem>>) dst(%dma_wait3A_115 : memref<48x128xf32, #tpu.memory_space<vmem_shared>>)
      tpu.yield
    }) : () -> ()
    %mul3A_49 = arith.constant 624 : i32
    %mul3A_50 = arith.muli %arg1, %mul3A_49 : i32
    %add3A_51 = arith.constant 528 : i32
    %add3A_52 = arith.addi %mul3A_50, %add3A_51 : i32
    "tpu.region"() ({
      %run_scoped3A = tpu.sem_alloc : memref<!tpu.dma_semaphore, #tpu.memory_space<semaphore_mem>>
      %dma_start3A_108 = arith.constant 0 : i32
      %dma_start3A_109 = tpu.memref_slice %arg23[%add3A_52, %dma_start3A_108] : memref<10000x128xf32, #tpu.memory_space<vmem_shared>> -> memref<48x128xf32, #tpu.memory_space<vmem_shared>>
      %dma_start3A_110 = arith.constant 0 : i32
      %dma_start3A_111 = tpu.memref_slice %arg23[%add3A_52, %dma_start3A_110] : memref<10000x128xf32, #tpu.memory_space<vmem_shared>> -> memref<48x128xf32, #tpu.memory_space<vmem_shared>>
      tpu.enqueue_dma source(%arg22 : memref<48x128xf32, #tpu.memory_space<vmem>>) target(%dma_start3A_111 : memref<48x128xf32, #tpu.memory_space<vmem_shared>>) target_semaphore(%run_scoped3A : memref<!tpu.dma_semaphore, #tpu.memory_space<semaphore_mem>>)
      %dma_wait3A_112 = arith.constant 0 : i32
      %dma_wait3A_113 = tpu.memref_slice %arg23[%add3A_52, %dma_wait3A_112] : memref<10000x128xf32, #tpu.memory_space<vmem_shared>> -> memref<48x128xf32, #tpu.memory_space<vmem_shared>>
      %dma_wait3A_114 = arith.constant 0 : i32
      %dma_wait3A_115 = tpu.memref_slice %arg23[%add3A_52, %dma_wait3A_114] : memref<10000x128xf32, #tpu.memory_space<vmem_shared>> -> memref<48x128xf32, #tpu.memory_space<vmem_shared>>
      tpu.wait_dma2 semaphore(%run_scoped3A : memref<!tpu.dma_semaphore, #tpu.memory_space<semaphore_mem>>) src(%arg22 : memref<48x128xf32, #tpu.memory_space<vmem>>) dst(%dma_wait3A_115 : memref<48x128xf32, #tpu.memory_space<vmem_shared>>)
      tpu.yield
    }) : () -> ()
    %mul3A_53 = arith.constant 624 : i32
    %mul3A_54 = arith.muli %arg1, %mul3A_53 : i32
    %add3A_55 = arith.constant 576 : i32
    %add3A_56 = arith.addi %mul3A_54, %add3A_55 : i32
    "tpu.region"() ({
      %run_scoped3A = tpu.sem_alloc : memref<!tpu.dma_semaphore, #tpu.memory_space<semaphore_mem>>
      %dma_start3A_108 = arith.constant 0 : i32
      %dma_start3A_109 = tpu.memref_slice %arg23[%add3A_56, %dma_start3A_108] : memref<10000x128xf32, #tpu.memory_space<vmem_shared>> -> memref<48x128xf32, #tpu.memory_space<vmem_shared>>
      %dma_start3A_110 = arith.constant 0 : i32
      %dma_start3A_111 = tpu.memref_slice %arg23[%add3A_56, %dma_start3A_110] : memref<10000x128xf32, #tpu.memory_space<vmem_shared>> -> memref<48x128xf32, #tpu.memory_space<vmem_shared>>
      tpu.enqueue_dma source(%arg22 : memref<48x128xf32, #tpu.memory_space<vmem>>) target(%dma_start3A_111 : memref<48x128xf32, #tpu.memory_space<vmem_shared>>) target_semaphore(%run_scoped3A : memref<!tpu.dma_semaphore, #tpu.memory_space<semaphore_mem>>)
      %dma_wait3A_112 = arith.constant 0 : i32
      %dma_wait3A_113 = tpu.memref_slice %arg23[%add3A_56, %dma_wait3A_112] : memref<10000x128xf32, #tpu.memory_space<vmem_shared>> -> memref<48x128xf32, #tpu.memory_space<vmem_shared>>
      %dma_wait3A_114 = arith.constant 0 : i32
      %dma_wait3A_115 = tpu.memref_slice %arg23[%add3A_56, %dma_wait3A_114] : memref<10000x128xf32, #tpu.memory_space<vmem_shared>> -> memref<48x128xf32, #tpu.memory_space<vmem_shared>>
      tpu.wait_dma2 semaphore(%run_scoped3A : memref<!tpu.dma_semaphore, #tpu.memory_space<semaphore_mem>>) src(%arg22 : memref<48x128xf32, #tpu.memory_space<vmem>>) dst(%dma_wait3A_115 : memref<48x128xf32, #tpu.memory_space<vmem_shared>>)
      tpu.yield
    }) : () -> ()
    %eq3A = arith.constant 15 : i32
    %eq3A_57 = arith.cmpi eq, %arg1, %eq3A : i32
    %convert_element_type3A = arith.extui %eq3A_57 : i1 to i32
    %cond3A = arith.constant 0 : i32
    %cond3A_58 = arith.cmpi ne, %convert_element_type3A, %cond3A : i32
    scf.if %cond3A_58 {
      "tpu.region"() ({
        %run_scoped3A = tpu.sem_alloc : memref<!tpu.dma_semaphore, #tpu.memory_space<semaphore_mem>>
        %dma_start3A_108 = arith.constant 0 : i32
        %dma_start3A_109 = arith.constant 0 : i32
        %dma_start3A_110 = tpu.memref_slice %arg22[%dma_start3A_108, %dma_start3A_109] : memref<48x128xf32, #tpu.memory_space<vmem>> -> memref<16x128xf32, #tpu.memory_space<vmem>>
        %dma_start3A_111 = arith.constant 9984 : i32
        %dma_start3A_112 = arith.constant 0 : i32
        %dma_start3A_113 = tpu.memref_slice %arg23[%dma_start3A_111, %dma_start3A_112] : memref<10000x128xf32, #tpu.memory_space<vmem_shared>> -> memref<16x128xf32, #tpu.memory_space<vmem_shared>>
        %dma_start3A_114 = arith.constant 9984 : i32
        %dma_start3A_115 = arith.constant 0 : i32
        %dma_start3A_116 = tpu.memref_slice %arg23[%dma_start3A_114, %dma_start3A_115] : memref<10000x128xf32, #tpu.memory_space<vmem_shared>> -> memref<16x128xf32, #tpu.memory_space<vmem_shared>>
        %dma_start3A_117 = arith.constant 0 : i32
        %dma_start3A_118 = arith.constant 0 : i32
        %dma_start3A_119 = tpu.memref_slice %arg22[%dma_start3A_117, %dma_start3A_118] : memref<48x128xf32, #tpu.memory_space<vmem>> -> memref<16x128xf32, #tpu.memory_space<vmem>>
        tpu.enqueue_dma source(%dma_start3A_119 : memref<16x128xf32, #tpu.memory_space<vmem>>) target(%dma_start3A_116 : memref<16x128xf32, #tpu.memory_space<vmem_shared>>) target_semaphore(%run_scoped3A : memref<!tpu.dma_semaphore, #tpu.memory_space<semaphore_mem>>)
        %dma_wait3A_120 = arith.constant 0 : i32
        %dma_wait3A_121 = arith.constant 0 : i32
        %dma_wait3A_122 = tpu.memref_slice %arg22[%dma_wait3A_120, %dma_wait3A_121] : memref<48x128xf32, #tpu.memory_space<vmem>> -> memref<16x128xf32, #tpu.memory_space<vmem>>
        %dma_wait3A_123 = arith.constant 9984 : i32
        %dma_wait3A_124 = arith.constant 0 : i32
        %dma_wait3A_125 = tpu.memref_slice %arg23[%dma_wait3A_123, %dma_wait3A_124] : memref<10000x128xf32, #tpu.memory_space<vmem_shared>> -> memref<16x128xf32, #tpu.memory_space<vmem_shared>>
        %dma_wait3A_126 = arith.constant 9984 : i32
        %dma_wait3A_127 = arith.constant 0 : i32
        %dma_wait3A_128 = tpu.memref_slice %arg23[%dma_wait3A_126, %dma_wait3A_127] : memref<10000x128xf32, #tpu.memory_space<vmem_shared>> -> memref<16x128xf32, #tpu.memory_space<vmem_shared>>
        %dma_wait3A_129 = arith.constant 0 : i32
        %dma_wait3A_130 = arith.constant 0 : i32
        %dma_wait3A_131 = tpu.memref_slice %arg22[%dma_wait3A_129, %dma_wait3A_130] : memref<48x128xf32, #tpu.memory_space<vmem>> -> memref<16x128xf32, #tpu.memory_space<vmem>>
        tpu.wait_dma2 semaphore(%run_scoped3A : memref<!tpu.dma_semaphore, #tpu.memory_space<semaphore_mem>>) src(%dma_wait3A_131 : memref<16x128xf32, #tpu.memory_space<vmem>>) dst(%dma_wait3A_128 : memref<16x128xf32, #tpu.memory_space<vmem_shared>>)
        tpu.yield
      }) : () -> ()
    } else {
    }
    %barrier3A = arith.constant 0 : index
    tpu.barrier barrier_id(%barrier3A)
    %mul3A_59 = arith.constant 10000 : i32
    %mul3A_60 = arith.muli %add3A, %mul3A_59 : i32
    %broadcast_in_dim3A = arith.constant 16 : i32
    %broadcast_in_dim3A_61 = vector.broadcast %broadcast_in_dim3A : i32 to vector<16xi32>
    %broadcast_in_dim3A_62 = arith.constant -65536 : i32
    %broadcast_in_dim3A_63 = vector.broadcast %broadcast_in_dim3A_62 : i32 to vector<16xi32>
    %multiple_of3A = tpu.assume_multiple %mul3A_60, 8 : i32
    "tpu.region"() ({
      %run_scoped3A = tpu.sem_alloc : memref<!tpu.dma_semaphore, #tpu.memory_space<semaphore_mem>>
      %dma_start3A_108 = tpu.memref_slice %arg3[%multiple_of3A] : memref<320000xi32, #tpu.memory_space<hbm>> -> memref<40xi32, #tpu.memory_space<hbm>>
      %dma_start3A_109 = tpu.memref_slice %arg3[%multiple_of3A] : memref<320000xi32, #tpu.memory_space<hbm>> -> memref<40xi32, #tpu.memory_space<hbm>>
      tpu.enqueue_dma source(%dma_start3A_109 : memref<40xi32, #tpu.memory_space<hbm>>) target(%arg6 : memref<40xi32, #tpu.memory_space<vmem>>) target_semaphore(%run_scoped3A : memref<!tpu.dma_semaphore, #tpu.memory_space<semaphore_mem>>)
      %dma_wait3A_110 = tpu.memref_slice %arg3[%multiple_of3A] : memref<320000xi32, #tpu.memory_space<hbm>> -> memref<40xi32, #tpu.memory_space<hbm>>
      %dma_wait3A_111 = tpu.memref_slice %arg3[%multiple_of3A] : memref<320000xi32, #tpu.memory_space<hbm>> -> memref<40xi32, #tpu.memory_space<hbm>>
      tpu.wait_dma2 semaphore(%run_scoped3A : memref<!tpu.dma_semaphore, #tpu.memory_space<semaphore_mem>>) src(%dma_wait3A_111 : memref<40xi32, #tpu.memory_space<hbm>>) dst(%arg6 : memref<40xi32, #tpu.memory_space<vmem>>)
      tpu.yield
    }) : () -> ()
    %multiple_of3A_64 = tpu.assume_multiple %mul3A_60, 8 : i32
    "tpu.region"() ({
      %run_scoped3A = tpu.sem_alloc : memref<!tpu.dma_semaphore, #tpu.memory_space<semaphore_mem>>
      %dma_start3A_108 = tpu.memref_slice %arg4[%multiple_of3A_64] : memref<320000xi32, #tpu.memory_space<hbm>> -> memref<40xi32, #tpu.memory_space<hbm>>
      %dma_start3A_109 = tpu.memref_slice %arg4[%multiple_of3A_64] : memref<320000xi32, #tpu.memory_space<hbm>> -> memref<40xi32, #tpu.memory_space<hbm>>
      tpu.enqueue_dma source(%dma_start3A_109 : memref<40xi32, #tpu.memory_space<hbm>>) target(%arg7 : memref<40xi32, #tpu.memory_space<vmem>>) target_semaphore(%run_scoped3A : memref<!tpu.dma_semaphore, #tpu.memory_space<semaphore_mem>>)
      %dma_wait3A_110 = tpu.memref_slice %arg4[%multiple_of3A_64] : memref<320000xi32, #tpu.memory_space<hbm>> -> memref<40xi32, #tpu.memory_space<hbm>>
      %dma_wait3A_111 = tpu.memref_slice %arg4[%multiple_of3A_64] : memref<320000xi32, #tpu.memory_space<hbm>> -> memref<40xi32, #tpu.memory_space<hbm>>
      tpu.wait_dma2 semaphore(%run_scoped3A : memref<!tpu.dma_semaphore, #tpu.memory_space<semaphore_mem>>) src(%dma_wait3A_111 : memref<40xi32, #tpu.memory_space<hbm>>) dst(%arg7 : memref<40xi32, #tpu.memory_space<vmem>>)
      tpu.yield
    }) : () -> ()
    %add3A_65 = arith.constant 40 : i32
    %add3A_66 = arith.addi %mul3A_60, %add3A_65 : i32
    %multiple_of3A_67 = tpu.assume_multiple %add3A_66, 8 : i32
    "tpu.region"() ({
      %run_scoped3A = tpu.sem_alloc : memref<!tpu.dma_semaphore, #tpu.memory_space<semaphore_mem>>
      %dma_start3A_108 = tpu.memref_slice %arg3[%multiple_of3A_67] : memref<320000xi32, #tpu.memory_space<hbm>> -> memref<40xi32, #tpu.memory_space<hbm>>
      %dma_start3A_109 = tpu.memref_slice %arg3[%multiple_of3A_67] : memref<320000xi32, #tpu.memory_space<hbm>> -> memref<40xi32, #tpu.memory_space<hbm>>
      tpu.enqueue_dma source(%dma_start3A_109 : memref<40xi32, #tpu.memory_space<hbm>>) target(%arg8 : memref<40xi32, #tpu.memory_space<vmem>>) target_semaphore(%run_scoped3A : memref<!tpu.dma_semaphore, #tpu.memory_space<semaphore_mem>>)
      %dma_wait3A_110 = tpu.memref_slice %arg3[%multiple_of3A_67] : memref<320000xi32, #tpu.memory_space<hbm>> -> memref<40xi32, #tpu.memory_space<hbm>>
      %dma_wait3A_111 = tpu.memref_slice %arg3[%multiple_of3A_67] : memref<320000xi32, #tpu.memory_space<hbm>> -> memref<40xi32, #tpu.memory_space<hbm>>
      tpu.wait_dma2 semaphore(%run_scoped3A : memref<!tpu.dma_semaphore, #tpu.memory_space<semaphore_mem>>) src(%dma_wait3A_111 : memref<40xi32, #tpu.memory_space<hbm>>) dst(%arg8 : memref<40xi32, #tpu.memory_space<vmem>>)
      tpu.yield
    }) : () -> ()
    %add3A_68 = arith.constant 40 : i32
    %add3A_69 = arith.addi %mul3A_60, %add3A_68 : i32
    %multiple_of3A_70 = tpu.assume_multiple %add3A_69, 8 : i32
    "tpu.region"() ({
      %run_scoped3A = tpu.sem_alloc : memref<!tpu.dma_semaphore, #tpu.memory_space<semaphore_mem>>
      %dma_start3A_108 = tpu.memref_slice %arg4[%multiple_of3A_70] : memref<320000xi32, #tpu.memory_space<hbm>> -> memref<40xi32, #tpu.memory_space<hbm>>
      %dma_start3A_109 = tpu.memref_slice %arg4[%multiple_of3A_70] : memref<320000xi32, #tpu.memory_space<hbm>> -> memref<40xi32, #tpu.memory_space<hbm>>
      tpu.enqueue_dma source(%dma_start3A_109 : memref<40xi32, #tpu.memory_space<hbm>>) target(%arg9 : memref<40xi32, #tpu.memory_space<vmem>>) target_semaphore(%run_scoped3A : memref<!tpu.dma_semaphore, #tpu.memory_space<semaphore_mem>>)
      %dma_wait3A_110 = tpu.memref_slice %arg4[%multiple_of3A_70] : memref<320000xi32, #tpu.memory_space<hbm>> -> memref<40xi32, #tpu.memory_space<hbm>>
      %dma_wait3A_111 = tpu.memref_slice %arg4[%multiple_of3A_70] : memref<320000xi32, #tpu.memory_space<hbm>> -> memref<40xi32, #tpu.memory_space<hbm>>
      tpu.wait_dma2 semaphore(%run_scoped3A : memref<!tpu.dma_semaphore, #tpu.memory_space<semaphore_mem>>) src(%dma_wait3A_111 : memref<40xi32, #tpu.memory_space<hbm>>) dst(%arg9 : memref<40xi32, #tpu.memory_space<vmem>>)
      tpu.yield
    }) : () -> ()
    %dma_start3A = arith.constant 0 : i32
    %dma_start3A_71 = arith.constant 0 : i32
    %dma_start3A_72 = tpu.memref_slice %arg2[%dma_start3A, %dma_start3A_71] : memref<10000x64xi32, #tpu.memory_space<hbm>> -> memref<10000x64xi32, #tpu.memory_space<hbm>>
    tpu.enqueue_indirect_dma source(%dma_start3A_72 : memref<10000x64xi32, #tpu.memory_space<hbm>>) target(%arg14 : memref<40x64xi32, #tpu.memory_space<vmem>>) offsets(%arg6 : memref<40xi32, #tpu.memory_space<vmem>>) semaphore(%arg24 : memref<!tpu.dma_semaphore, #tpu.memory_space<semaphore_mem>>)
    %dma_start3A_73 = arith.constant 0 : i32
    %dma_start3A_74 = arith.constant 0 : i32
    %dma_start3A_75 = tpu.memref_slice %arg2[%dma_start3A_73, %dma_start3A_74] : memref<10000x64xi32, #tpu.memory_space<hbm>> -> memref<10000x64xi32, #tpu.memory_space<hbm>>
    tpu.enqueue_indirect_dma source(%dma_start3A_75 : memref<10000x64xi32, #tpu.memory_space<hbm>>) target(%arg15 : memref<40x64xi32, #tpu.memory_space<vmem>>) offsets(%arg7 : memref<40xi32, #tpu.memory_space<vmem>>) semaphore(%arg24 : memref<!tpu.dma_semaphore, #tpu.memory_space<semaphore_mem>>)
    %dma_start3A_76 = arith.constant 0 : i32
    %dma_start3A_77 = arith.constant 0 : i32
    %dma_start3A_78 = tpu.memref_slice %arg2[%dma_start3A_76, %dma_start3A_77] : memref<10000x64xi32, #tpu.memory_space<hbm>> -> memref<10000x64xi32, #tpu.memory_space<hbm>>
    tpu.enqueue_indirect_dma source(%dma_start3A_78 : memref<10000x64xi32, #tpu.memory_space<hbm>>) target(%arg16 : memref<40x64xi32, #tpu.memory_space<vmem>>) offsets(%arg8 : memref<40xi32, #tpu.memory_space<vmem>>) semaphore(%arg25 : memref<!tpu.dma_semaphore, #tpu.memory_space<semaphore_mem>>)
    %dma_start3A_79 = arith.constant 0 : i32
    %dma_start3A_80 = arith.constant 0 : i32
    %dma_start3A_81 = tpu.memref_slice %arg2[%dma_start3A_79, %dma_start3A_80] : memref<10000x64xi32, #tpu.memory_space<hbm>> -> memref<10000x64xi32, #tpu.memory_space<hbm>>
    tpu.enqueue_indirect_dma source(%dma_start3A_81 : memref<10000x64xi32, #tpu.memory_space<hbm>>) target(%arg17 : memref<40x64xi32, #tpu.memory_space<vmem>>) offsets(%arg9 : memref<40xi32, #tpu.memory_space<vmem>>) semaphore(%arg25 : memref<!tpu.dma_semaphore, #tpu.memory_space<semaphore_mem>>)
    %scan3A_82 = arith.constant 0 : i32
    %scan3A_83 = arith.constant 125 : i32
    %scan3A_84 = arith.addi %scan3A_82, %scan3A_83 : i32
    %scan3A_85 = arith.constant 1 : i32
    scf.for %scan3A_108 = %scan3A_82 to %scan3A_84 step %scan3A_85  : i32 {
      %mul3A_109 = arith.constant 2 : i32
      %mul3A_110 = arith.muli %scan3A_108, %mul3A_109 : i32
      %add3A_111 = arith.constant 0 : i32
      %add3A_112 = arith.addi %add3A_111, %mul3A_110 : i32
      %add3A_113 = arith.constant 2 : i32
      %add3A_114 = arith.addi %add3A_112, %add3A_113 : i32
      %lt3A = arith.constant 250 : i32
      %lt3A_115 = arith.cmpi slt, %add3A_114, %lt3A : i32
      %dma_wait3A_116 = arith.constant 0 : i32
      %dma_wait3A_117 = arith.constant 0 : i32
      %dma_wait3A_118 = tpu.memref_slice %arg2[%dma_wait3A_116, %dma_wait3A_117] : memref<10000x64xi32, #tpu.memory_space<hbm>> -> memref<10000x64xi32, #tpu.memory_space<hbm>>
      tpu.wait_indirect_dma semaphore(%arg24 : memref<!tpu.dma_semaphore, #tpu.memory_space<semaphore_mem>>) src(%dma_wait3A_118 : memref<10000x64xi32, #tpu.memory_space<hbm>>) dst(%arg14 : memref<40x64xi32, #tpu.memory_space<vmem>>)
      %dma_wait3A_119 = arith.constant 0 : i32
      %dma_wait3A_120 = arith.constant 0 : i32
      %dma_wait3A_121 = tpu.memref_slice %arg2[%dma_wait3A_119, %dma_wait3A_120] : memref<10000x64xi32, #tpu.memory_space<hbm>> -> memref<10000x64xi32, #tpu.memory_space<hbm>>
      tpu.wait_indirect_dma semaphore(%arg24 : memref<!tpu.dma_semaphore, #tpu.memory_space<semaphore_mem>>) src(%dma_wait3A_121 : memref<10000x64xi32, #tpu.memory_space<hbm>>) dst(%arg15 : memref<40x64xi32, #tpu.memory_space<vmem>>)
      %gt3A = arith.constant 0 : i32
      %gt3A_122 = arith.cmpi sgt, %add3A_112, %gt3A : i32
      %convert_element_type3A_123 = arith.extui %gt3A_122 : i1 to i32
      %cond3A_124 = arith.constant 0 : i32
      %cond3A_125 = arith.cmpi ne, %convert_element_type3A_123, %cond3A_124 : i32
      scf.if %cond3A_125 {
        %dma_wait3A_248 = arith.constant 0 : i32
        %dma_wait3A_249 = arith.constant 0 : i32
        %dma_wait3A_250 = tpu.memref_slice %arg23[%dma_wait3A_248, %dma_wait3A_249] : memref<10000x128xf32, #tpu.memory_space<vmem_shared>> -> memref<10000x128xf32, #tpu.memory_space<vmem_shared>>
        tpu.wait_indirect_dma semaphore(%arg28 : memref<!tpu.dma_semaphore, #tpu.memory_space<semaphore_mem>>) src(%arg18 : memref<40x128xf32, #tpu.memory_space<vmem>>) dst(%dma_wait3A_250 : memref<10000x128xf32, #tpu.memory_space<vmem_shared>>)
        %dma_wait3A_251 = arith.constant 0 : i32
        %dma_wait3A_252 = arith.constant 0 : i32
        %dma_wait3A_253 = tpu.memref_slice %arg23[%dma_wait3A_251, %dma_wait3A_252] : memref<10000x128xf32, #tpu.memory_space<vmem_shared>> -> memref<10000x128xf32, #tpu.memory_space<vmem_shared>>
        tpu.wait_indirect_dma semaphore(%arg28 : memref<!tpu.dma_semaphore, #tpu.memory_space<semaphore_mem>>) src(%arg19 : memref<40x128xf32, #tpu.memory_space<vmem>>) dst(%dma_wait3A_253 : memref<10000x128xf32, #tpu.memory_space<vmem_shared>>)
      } else {
      }
      %get3A = arith.constant 0 : index
      %get3A_126 = tpu.vector_load %arg6[%get3A] {strides = array<i32>} : memref<40xi32, #tpu.memory_space<vmem>>, vector<16xi32>,
      %get3A_127 = vector.shape_cast %get3A_126 : vector<16xi32> to vector<16xi32>
      %swap3A = arith.constant 0 : index
      %swap3A_128 = tpu.vector_load %arg10[%swap3A] {strides = array<i32>} : memref<40xi32, #tpu.memory_space<vmem>>, vector<16xi32>,
      %swap3A_129 = vector.shape_cast %swap3A_128 : vector<16xi32> to vector<16xi32>
      %swap3A_130 = vector.shape_cast %get3A_127 : vector<16xi32> to vector<16xi32>
      tpu.vector_store %arg10[%swap3A], %swap3A_130 {strides = array<i32>} : memref<40xi32, #tpu.memory_space<vmem>>, vector<16xi32>,
      %get3A_131 = arith.constant 16 : index
      %get3A_132 = tpu.vector_load %arg6[%get3A_131] {strides = array<i32>} : memref<40xi32, #tpu.memory_space<vmem>>, vector<16xi32>,
      %get3A_133 = vector.shape_cast %get3A_132 : vector<16xi32> to vector<16xi32>
      %swap3A_134 = arith.constant 16 : index
      %swap3A_135 = tpu.vector_load %arg10[%swap3A_134] {strides = array<i32>} : memref<40xi32, #tpu.memory_space<vmem>>, vector<16xi32>,
      %swap3A_136 = vector.shape_cast %swap3A_135 : vector<16xi32> to vector<16xi32>
      %swap3A_137 = vector.shape_cast %get3A_133 : vector<16xi32> to vector<16xi32>
      tpu.vector_store %arg10[%swap3A_134], %swap3A_137 {strides = array<i32>} : memref<40xi32, #tpu.memory_space<vmem>>, vector<16xi32>,
      %get3A_138 = arith.constant 24 : index
      %get3A_139 = tpu.vector_load %arg6[%get3A_138] {strides = array<i32>} : memref<40xi32, #tpu.memory_space<vmem>>, vector<16xi32>,
      %get3A_140 = vector.shape_cast %get3A_139 : vector<16xi32> to vector<16xi32>
      %swap3A_141 = arith.constant 24 : index
      %swap3A_142 = tpu.vector_load %arg10[%swap3A_141] {strides = array<i32>} : memref<40xi32, #tpu.memory_space<vmem>>, vector<16xi32>,
      %swap3A_143 = vector.shape_cast %swap3A_142 : vector<16xi32> to vector<16xi32>
      %swap3A_144 = vector.shape_cast %get3A_140 : vector<16xi32> to vector<16xi32>
      tpu.vector_store %arg10[%swap3A_141], %swap3A_144 {strides = array<i32>} : memref<40xi32, #tpu.memory_space<vmem>>, vector<16xi32>,
      %get3A_145 = arith.constant 0 : index
      %get3A_146 = tpu.vector_load %arg7[%get3A_145] {strides = array<i32>} : memref<40xi32, #tpu.memory_space<vmem>>, vector<16xi32>,
      %get3A_147 = vector.shape_cast %get3A_146 : vector<16xi32> to vector<16xi32>
      %swap3A_148 = arith.constant 0 : index
      %swap3A_149 = tpu.vector_load %arg11[%swap3A_148] {strides = array<i32>} : memref<40xi32, #tpu.memory_space<vmem>>, vector<16xi32>,
      %swap3A_150 = vector.shape_cast %swap3A_149 : vector<16xi32> to vector<16xi32>
      %swap3A_151 = vector.shape_cast %get3A_147 : vector<16xi32> to vector<16xi32>
      tpu.vector_store %arg11[%swap3A_148], %swap3A_151 {strides = array<i32>} : memref<40xi32, #tpu.memory_space<vmem>>, vector<16xi32>,
      %get3A_152 = arith.constant 16 : index
      %get3A_153 = tpu.vector_load %arg7[%get3A_152] {strides = array<i32>} : memref<40xi32, #tpu.memory_space<vmem>>, vector<16xi32>,
      %get3A_154 = vector.shape_cast %get3A_153 : vector<16xi32> to vector<16xi32>
      %swap3A_155 = arith.constant 16 : index
      %swap3A_156 = tpu.vector_load %arg11[%swap3A_155] {strides = array<i32>} : memref<40xi32, #tpu.memory_space<vmem>>, vector<16xi32>,
      %swap3A_157 = vector.shape_cast %swap3A_156 : vector<16xi32> to vector<16xi32>
      %swap3A_158 = vector.shape_cast %get3A_154 : vector<16xi32> to vector<16xi32>
      tpu.vector_store %arg11[%swap3A_155], %swap3A_158 {strides = array<i32>} : memref<40xi32, #tpu.memory_space<vmem>>, vector<16xi32>,
      %get3A_159 = arith.constant 24 : index
      %get3A_160 = tpu.vector_load %arg7[%get3A_159] {strides = array<i32>} : memref<40xi32, #tpu.memory_space<vmem>>, vector<16xi32>,
      %get3A_161 = vector.shape_cast %get3A_160 : vector<16xi32> to vector<16xi32>
      %swap3A_162 = arith.constant 24 : index
      %swap3A_163 = tpu.vector_load %arg11[%swap3A_162] {strides = array<i32>} : memref<40xi32, #tpu.memory_space<vmem>>, vector<16xi32>,
      %swap3A_164 = vector.shape_cast %swap3A_163 : vector<16xi32> to vector<16xi32>
      %swap3A_165 = vector.shape_cast %get3A_161 : vector<16xi32> to vector<16xi32>
      tpu.vector_store %arg11[%swap3A_162], %swap3A_165 {strides = array<i32>} : memref<40xi32, #tpu.memory_space<vmem>>, vector<16xi32>,
      %convert_element_type3A_166 = arith.extui %lt3A_115 : i1 to i32
      %cond3A_167 = arith.constant 0 : i32
      %cond3A_168 = arith.cmpi ne, %convert_element_type3A_166, %cond3A_167 : i32
      scf.if %cond3A_168 {
        %add3A_248 = arith.constant 2 : i32
        %add3A_249 = arith.addi %add3A_112, %add3A_248 : i32
        %mul3A_250 = arith.constant 40 : i32
        %mul3A_251 = arith.muli %add3A_249, %mul3A_250 : i32
        %add3A_252 = arith.addi %mul3A_60, %mul3A_251 : i32
        %multiple_of3A_253 = tpu.assume_multiple %add3A_252, 8 : i32
        %dma_start3A_254 = tpu.memref_slice %arg3[%multiple_of3A_253] : memref<320000xi32, #tpu.memory_space<hbm>> -> memref<40xi32, #tpu.memory_space<hbm>>
        %dma_start3A_255 = tpu.memref_slice %arg3[%multiple_of3A_253] : memref<320000xi32, #tpu.memory_space<hbm>> -> memref<40xi32, #tpu.memory_space<hbm>>
        tpu.enqueue_dma source(%dma_start3A_255 : memref<40xi32, #tpu.memory_space<hbm>>) target(%arg6 : memref<40xi32, #tpu.memory_space<vmem>>) target_semaphore(%arg26 : memref<!tpu.dma_semaphore, #tpu.memory_space<semaphore_mem>>)
        %dma_start3A_256 = tpu.memref_slice %arg4[%multiple_of3A_253] : memref<320000xi32, #tpu.memory_space<hbm>> -> memref<40xi32, #tpu.memory_space<hbm>>
        %dma_start3A_257 = tpu.memref_slice %arg4[%multiple_of3A_253] : memref<320000xi32, #tpu.memory_space<hbm>> -> memref<40xi32, #tpu.memory_space<hbm>>
        tpu.enqueue_dma source(%dma_start3A_257 : memref<40xi32, #tpu.memory_space<hbm>>) target(%arg7 : memref<40xi32, #tpu.memory_space<vmem>>) target_semaphore(%arg26 : memref<!tpu.dma_semaphore, #tpu.memory_space<semaphore_mem>>)
      } else {
      }
      %parallel_loop3A = arith.constant 0 : i32
      %parallel_loop3A_169 = arith.constant 40 : i32
      %parallel_loop3A_170 = arith.constant 1 : i32
      scf.for %parallel_loop3A_248 = %parallel_loop3A to %parallel_loop3A_169 step %parallel_loop3A_170  : i32 {
        %parallel_loop3A_249 = arith.index_cast %parallel_loop3A_248 : i32 to index
        %parallel_loop3A_250 = arith.constant 0 : index
        %parallel_loop3A_251 = tpu.vector_load %arg14[%parallel_loop3A_249, %parallel_loop3A_250] {strides = array<i32>} : memref<40x64xi32, #tpu.memory_space<vmem>>, vector<1x16xi32>,
        %parallel_loop3A_252 = vector.shape_cast %parallel_loop3A_251 : vector<1x16xi32> to vector<16xi32>
        %parallel_loop3A_253 = arith.shli %parallel_loop3A_252, %broadcast_in_dim3A_61 : vector<16xi32>
        %parallel_loop3A_254 = tpu.bitcast %parallel_loop3A_253 : vector<16xi32> -> vector<16xf32>
        %parallel_loop3A_255 = arith.andi %parallel_loop3A_252, %broadcast_in_dim3A_63 : vector<16xi32>
        %parallel_loop3A_256 = tpu.bitcast %parallel_loop3A_255 : vector<16xi32> -> vector<16xf32>
        %parallel_loop3A_257 = arith.index_cast %parallel_loop3A_248 : i32 to index
        %parallel_loop3A_258 = arith.constant 0 : index
        %parallel_loop3A_259 = tpu.vector_load %arg15[%parallel_loop3A_257, %parallel_loop3A_258] {strides = array<i32>} : memref<40x64xi32, #tpu.memory_space<vmem>>, vector<1x16xi32>,
        %parallel_loop3A_260 = vector.shape_cast %parallel_loop3A_259 : vector<1x16xi32> to vector<16xi32>
        %parallel_loop3A_261 = arith.shli %parallel_loop3A_260, %broadcast_in_dim3A_61 : vector<16xi32>
        %parallel_loop3A_262 = tpu.bitcast %parallel_loop3A_261 : vector<16xi32> -> vector<16xf32>
        %parallel_loop3A_263 = arith.andi %parallel_loop3A_260, %broadcast_in_dim3A_63 : vector<16xi32>
        %parallel_loop3A_264 = tpu.bitcast %parallel_loop3A_263 : vector<16xi32> -> vector<16xf32>
        %parallel_loop3A_265 = arith.subf %parallel_loop3A_254, %parallel_loop3A_262 : vector<16xf32>
        %parallel_loop3A_266 = arith.constant 0.000000e+00 : f32
        %parallel_loop3A_267 = vector.broadcast %parallel_loop3A_266 : f32 to vector<16xf32>
        %parallel_loop3A_268 = arith.maximumf %parallel_loop3A_265, %parallel_loop3A_267 : vector<16xf32>
        %parallel_loop3A_269 = arith.subf %parallel_loop3A_256, %parallel_loop3A_264 : vector<16xf32>
        %parallel_loop3A_270 = arith.constant 0.000000e+00 : f32
        %parallel_loop3A_271 = vector.broadcast %parallel_loop3A_270 : f32 to vector<16xf32>
        %parallel_loop3A_272 = arith.maximumf %parallel_loop3A_269, %parallel_loop3A_271 : vector<16xf32>
        %parallel_loop3A_273 = arith.index_cast %parallel_loop3A_248 : i32 to index
        %parallel_loop3A_274 = arith.constant 0 : index
        %parallel_loop3A_275 = tpu.vector_load %arg18[%parallel_loop3A_273, %parallel_loop3A_274] {strides = array<i32>} : memref<40x128xf32, #tpu.memory_space<vmem>>, vector<1x16xf32>,
        %parallel_loop3A_276 = vector.shape_cast %parallel_loop3A_275 : vector<1x16xf32> to vector<16xf32>
        %parallel_loop3A_277 = vector.shape_cast %parallel_loop3A_268 : vector<16xf32> to vector<1x16xf32>
        tpu.vector_store %arg18[%parallel_loop3A_273, %parallel_loop3A_274], %parallel_loop3A_277 {strides = array<i32>} : memref<40x128xf32, #tpu.memory_space<vmem>>, vector<1x16xf32>,
        %parallel_loop3A_278 = arith.index_cast %parallel_loop3A_248 : i32 to index
        %parallel_loop3A_279 = arith.constant 16 : index
        %parallel_loop3A_280 = tpu.vector_load %arg18[%parallel_loop3A_278, %parallel_loop3A_279] {strides = array<i32>} : memref<40x128xf32, #tpu.memory_space<vmem>>, vector<1x16xf32>,
        %parallel_loop3A_281 = vector.shape_cast %parallel_loop3A_280 : vector<1x16xf32> to vector<16xf32>
        %parallel_loop3A_282 = vector.shape_cast %parallel_loop3A_272 : vector<16xf32> to vector<1x16xf32>
        tpu.vector_store %arg18[%parallel_loop3A_278, %parallel_loop3A_279], %parallel_loop3A_282 {strides = array<i32>} : memref<40x128xf32, #tpu.memory_space<vmem>>, vector<1x16xf32>,
        %parallel_loop3A_283 = arith.constant 0.000000e+00 : f32
        %parallel_loop3A_284 = vector.broadcast %parallel_loop3A_283 : f32 to vector<16xf32>
        %parallel_loop3A_285 = arith.subf %parallel_loop3A_284, %parallel_loop3A_268 : vector<16xf32>
        %parallel_loop3A_286 = arith.index_cast %parallel_loop3A_248 : i32 to index
        %parallel_loop3A_287 = arith.constant 0 : index
        %parallel_loop3A_288 = tpu.vector_load %arg19[%parallel_loop3A_286, %parallel_loop3A_287] {strides = array<i32>} : memref<40x128xf32, #tpu.memory_space<vmem>>, vector<1x16xf32>,
        %parallel_loop3A_289 = vector.shape_cast %parallel_loop3A_288 : vector<1x16xf32> to vector<16xf32>
        %parallel_loop3A_290 = vector.shape_cast %parallel_loop3A_285 : vector<16xf32> to vector<1x16xf32>
        tpu.vector_store %arg19[%parallel_loop3A_286, %parallel_loop3A_287], %parallel_loop3A_290 {strides = array<i32>} : memref<40x128xf32, #tpu.memory_space<vmem>>, vector<1x16xf32>,
        %parallel_loop3A_291 = arith.constant 0.000000e+00 : f32
        %parallel_loop3A_292 = vector.broadcast %parallel_loop3A_291 : f32 to vector<16xf32>
        %parallel_loop3A_293 = arith.subf %parallel_loop3A_292, %parallel_loop3A_272 : vector<16xf32>
        %parallel_loop3A_294 = arith.index_cast %parallel_loop3A_248 : i32 to index
        %parallel_loop3A_295 = arith.constant 16 : index
        %parallel_loop3A_296 = tpu.vector_load %arg19[%parallel_loop3A_294, %parallel_loop3A_295] {strides = array<i32>} : memref<40x128xf32, #tpu.memory_space<vmem>>, vector<1x16xf32>,
        %parallel_loop3A_297 = vector.shape_cast %parallel_loop3A_296 : vector<1x16xf32> to vector<16xf32>
        %parallel_loop3A_298 = vector.shape_cast %parallel_loop3A_293 : vector<16xf32> to vector<1x16xf32>
        tpu.vector_store %arg19[%parallel_loop3A_294, %parallel_loop3A_295], %parallel_loop3A_298 {strides = array<i32>} : memref<40x128xf32, #tpu.memory_space<vmem>>, vector<1x16xf32>,
        %parallel_loop3A_299 = arith.index_cast %parallel_loop3A_248 : i32 to index
        %parallel_loop3A_300 = arith.constant 16 : index
        %parallel_loop3A_301 = tpu.vector_load %arg14[%parallel_loop3A_299, %parallel_loop3A_300] {strides = array<i32>} : memref<40x64xi32, #tpu.memory_space<vmem>>, vector<1x16xi32>,
        %parallel_loop3A_302 = vector.shape_cast %parallel_loop3A_301 : vector<1x16xi32> to vector<16xi32>
        %parallel_loop3A_303 = arith.shli %parallel_loop3A_302, %broadcast_in_dim3A_61 : vector<16xi32>
        %parallel_loop3A_304 = tpu.bitcast %parallel_loop3A_303 : vector<16xi32> -> vector<16xf32>
        %parallel_loop3A_305 = arith.andi %parallel_loop3A_302, %broadcast_in_dim3A_63 : vector<16xi32>
        %parallel_loop3A_306 = tpu.bitcast %parallel_loop3A_305 : vector<16xi32> -> vector<16xf32>
        %parallel_loop3A_307 = arith.index_cast %parallel_loop3A_248 : i32 to index
        %parallel_loop3A_308 = arith.constant 16 : index
        %parallel_loop3A_309 = tpu.vector_load %arg15[%parallel_loop3A_307, %parallel_loop3A_308] {strides = array<i32>} : memref<40x64xi32, #tpu.memory_space<vmem>>, vector<1x16xi32>,
        %parallel_loop3A_310 = vector.shape_cast %parallel_loop3A_309 : vector<1x16xi32> to vector<16xi32>
        %parallel_loop3A_311 = arith.shli %parallel_loop3A_310, %broadcast_in_dim3A_61 : vector<16xi32>
        %parallel_loop3A_312 = tpu.bitcast %parallel_loop3A_311 : vector<16xi32> -> vector<16xf32>
        %parallel_loop3A_313 = arith.andi %parallel_loop3A_310, %broadcast_in_dim3A_63 : vector<16xi32>
        %parallel_loop3A_314 = tpu.bitcast %parallel_loop3A_313 : vector<16xi32> -> vector<16xf32>
        %parallel_loop3A_315 = arith.subf %parallel_loop3A_304, %parallel_loop3A_312 : vector<16xf32>
        %parallel_loop3A_316 = arith.constant 0.000000e+00 : f32
        %parallel_loop3A_317 = vector.broadcast %parallel_loop3A_316 : f32 to vector<16xf32>
        %parallel_loop3A_318 = arith.maximumf %parallel_loop3A_315, %parallel_loop3A_317 : vector<16xf32>
        %parallel_loop3A_319 = arith.subf %parallel_loop3A_306, %parallel_loop3A_314 : vector<16xf32>
        %parallel_loop3A_320 = arith.constant 0.000000e+00 : f32
        %parallel_loop3A_321 = vector.broadcast %parallel_loop3A_320 : f32 to vector<16xf32>
        %parallel_loop3A_322 = arith.maximumf %parallel_loop3A_319, %parallel_loop3A_321 : vector<16xf32>
        %parallel_loop3A_323 = arith.index_cast %parallel_loop3A_248 : i32 to index
        %parallel_loop3A_324 = arith.constant 32 : index
        %parallel_loop3A_325 = tpu.vector_load %arg18[%parallel_loop3A_323, %parallel_loop3A_324] {strides = array<i32>} : memref<40x128xf32, #tpu.memory_space<vmem>>, vector<1x16xf32>,
        %parallel_loop3A_326 = vector.shape_cast %parallel_loop3A_325 : vector<1x16xf32> to vector<16xf32>
        %parallel_loop3A_327 = vector.shape_cast %parallel_loop3A_318 : vector<16xf32> to vector<1x16xf32>
        tpu.vector_store %arg18[%parallel_loop3A_323, %parallel_loop3A_324], %parallel_loop3A_327 {strides = array<i32>} : memref<40x128xf32, #tpu.memory_space<vmem>>, vector<1x16xf32>,
        %parallel_loop3A_328 = arith.index_cast %parallel_loop3A_248 : i32 to index
        %parallel_loop3A_329 = arith.constant 48 : index
        %parallel_loop3A_330 = tpu.vector_load %arg18[%parallel_loop3A_328, %parallel_loop3A_329] {strides = array<i32>} : memref<40x128xf32, #tpu.memory_space<vmem>>, vector<1x16xf32>,
        %parallel_loop3A_331 = vector.shape_cast %parallel_loop3A_330 : vector<1x16xf32> to vector<16xf32>
        %parallel_loop3A_332 = vector.shape_cast %parallel_loop3A_322 : vector<16xf32> to vector<1x16xf32>
        tpu.vector_store %arg18[%parallel_loop3A_328, %parallel_loop3A_329], %parallel_loop3A_332 {strides = array<i32>} : memref<40x128xf32, #tpu.memory_space<vmem>>, vector<1x16xf32>,
        %parallel_loop3A_333 = arith.constant 0.000000e+00 : f32
        %parallel_loop3A_334 = vector.broadcast %parallel_loop3A_333 : f32 to vector<16xf32>
        %parallel_loop3A_335 = arith.subf %parallel_loop3A_334, %parallel_loop3A_318 : vector<16xf32>
        %parallel_loop3A_336 = arith.index_cast %parallel_loop3A_248 : i32 to index
        %parallel_loop3A_337 = arith.constant 32 : index
        %parallel_loop3A_338 = tpu.vector_load %arg19[%parallel_loop3A_336, %parallel_loop3A_337] {strides = array<i32>} : memref<40x128xf32, #tpu.memory_space<vmem>>, vector<1x16xf32>,
        %parallel_loop3A_339 = vector.shape_cast %parallel_loop3A_338 : vector<1x16xf32> to vector<16xf32>
        %parallel_loop3A_340 = vector.shape_cast %parallel_loop3A_335 : vector<16xf32> to vector<1x16xf32>
        tpu.vector_store %arg19[%parallel_loop3A_336, %parallel_loop3A_337], %parallel_loop3A_340 {strides = array<i32>} : memref<40x128xf32, #tpu.memory_space<vmem>>, vector<1x16xf32>,
        %parallel_loop3A_341 = arith.constant 0.000000e+00 : f32
        %parallel_loop3A_342 = vector.broadcast %parallel_loop3A_341 : f32 to vector<16xf32>
        %parallel_loop3A_343 = arith.subf %parallel_loop3A_342, %parallel_loop3A_322 : vector<16xf32>
        %parallel_loop3A_344 = arith.index_cast %parallel_loop3A_248 : i32 to index
        %parallel_loop3A_345 = arith.constant 48 : index
        %parallel_loop3A_346 = tpu.vector_load %arg19[%parallel_loop3A_344, %parallel_loop3A_345] {strides = array<i32>} : memref<40x128xf32, #tpu.memory_space<vmem>>, vector<1x16xf32>,
        %parallel_loop3A_347 = vector.shape_cast %parallel_loop3A_346 : vector<1x16xf32> to vector<16xf32>
        %parallel_loop3A_348 = vector.shape_cast %parallel_loop3A_343 : vector<16xf32> to vector<1x16xf32>
        tpu.vector_store %arg19[%parallel_loop3A_344, %parallel_loop3A_345], %parallel_loop3A_348 {strides = array<i32>} : memref<40x128xf32, #tpu.memory_space<vmem>>, vector<1x16xf32>,
        %parallel_loop3A_349 = arith.index_cast %parallel_loop3A_248 : i32 to index
        %parallel_loop3A_350 = arith.constant 32 : index
        %parallel_loop3A_351 = tpu.vector_load %arg14[%parallel_loop3A_349, %parallel_loop3A_350] {strides = array<i32>} : memref<40x64xi32, #tpu.memory_space<vmem>>, vector<1x16xi32>,
        %parallel_loop3A_352 = vector.shape_cast %parallel_loop3A_351 : vector<1x16xi32> to vector<16xi32>
        %parallel_loop3A_353 = arith.shli %parallel_loop3A_352, %broadcast_in_dim3A_61 : vector<16xi32>
        %parallel_loop3A_354 = tpu.bitcast %parallel_loop3A_353 : vector<16xi32> -> vector<16xf32>
        %parallel_loop3A_355 = arith.andi %parallel_loop3A_352, %broadcast_in_dim3A_63 : vector<16xi32>
        %parallel_loop3A_356 = tpu.bitcast %parallel_loop3A_355 : vector<16xi32> -> vector<16xf32>
        %parallel_loop3A_357 = arith.index_cast %parallel_loop3A_248 : i32 to index
        %parallel_loop3A_358 = arith.constant 32 : index
        %parallel_loop3A_359 = tpu.vector_load %arg15[%parallel_loop3A_357, %parallel_loop3A_358] {strides = array<i32>} : memref<40x64xi32, #tpu.memory_space<vmem>>, vector<1x16xi32>,
        %parallel_loop3A_360 = vector.shape_cast %parallel_loop3A_359 : vector<1x16xi32> to vector<16xi32>
        %parallel_loop3A_361 = arith.shli %parallel_loop3A_360, %broadcast_in_dim3A_61 : vector<16xi32>
        %parallel_loop3A_362 = tpu.bitcast %parallel_loop3A_361 : vector<16xi32> -> vector<16xf32>
        %parallel_loop3A_363 = arith.andi %parallel_loop3A_360, %broadcast_in_dim3A_63 : vector<16xi32>
        %parallel_loop3A_364 = tpu.bitcast %parallel_loop3A_363 : vector<16xi32> -> vector<16xf32>
        %parallel_loop3A_365 = arith.subf %parallel_loop3A_354, %parallel_loop3A_362 : vector<16xf32>
        %parallel_loop3A_366 = arith.constant 0.000000e+00 : f32
        %parallel_loop3A_367 = vector.broadcast %parallel_loop3A_366 : f32 to vector<16xf32>
        %parallel_loop3A_368 = arith.maximumf %parallel_loop3A_365, %parallel_loop3A_367 : vector<16xf32>
        %parallel_loop3A_369 = arith.subf %parallel_loop3A_356, %parallel_loop3A_364 : vector<16xf32>
        %parallel_loop3A_370 = arith.constant 0.000000e+00 : f32
        %parallel_loop3A_371 = vector.broadcast %parallel_loop3A_370 : f32 to vector<16xf32>
        %parallel_loop3A_372 = arith.maximumf %parallel_loop3A_369, %parallel_loop3A_371 : vector<16xf32>
        %parallel_loop3A_373 = arith.index_cast %parallel_loop3A_248 : i32 to index
        %parallel_loop3A_374 = arith.constant 64 : index
        %parallel_loop3A_375 = tpu.vector_load %arg18[%parallel_loop3A_373, %parallel_loop3A_374] {strides = array<i32>} : memref<40x128xf32, #tpu.memory_space<vmem>>, vector<1x16xf32>,
        %parallel_loop3A_376 = vector.shape_cast %parallel_loop3A_375 : vector<1x16xf32> to vector<16xf32>
        %parallel_loop3A_377 = vector.shape_cast %parallel_loop3A_368 : vector<16xf32> to vector<1x16xf32>
        tpu.vector_store %arg18[%parallel_loop3A_373, %parallel_loop3A_374], %parallel_loop3A_377 {strides = array<i32>} : memref<40x128xf32, #tpu.memory_space<vmem>>, vector<1x16xf32>,
        %parallel_loop3A_378 = arith.index_cast %parallel_loop3A_248 : i32 to index
        %parallel_loop3A_379 = arith.constant 80 : index
        %parallel_loop3A_380 = tpu.vector_load %arg18[%parallel_loop3A_378, %parallel_loop3A_379] {strides = array<i32>} : memref<40x128xf32, #tpu.memory_space<vmem>>, vector<1x16xf32>,
        %parallel_loop3A_381 = vector.shape_cast %parallel_loop3A_380 : vector<1x16xf32> to vector<16xf32>
        %parallel_loop3A_382 = vector.shape_cast %parallel_loop3A_372 : vector<16xf32> to vector<1x16xf32>
        tpu.vector_store %arg18[%parallel_loop3A_378, %parallel_loop3A_379], %parallel_loop3A_382 {strides = array<i32>} : memref<40x128xf32, #tpu.memory_space<vmem>>, vector<1x16xf32>,
        %parallel_loop3A_383 = arith.constant 0.000000e+00 : f32
        %parallel_loop3A_384 = vector.broadcast %parallel_loop3A_383 : f32 to vector<16xf32>
        %parallel_loop3A_385 = arith.subf %parallel_loop3A_384, %parallel_loop3A_368 : vector<16xf32>
        %parallel_loop3A_386 = arith.index_cast %parallel_loop3A_248 : i32 to index
        %parallel_loop3A_387 = arith.constant 64 : index
        %parallel_loop3A_388 = tpu.vector_load %arg19[%parallel_loop3A_386, %parallel_loop3A_387] {strides = array<i32>} : memref<40x128xf32, #tpu.memory_space<vmem>>, vector<1x16xf32>,
        %parallel_loop3A_389 = vector.shape_cast %parallel_loop3A_388 : vector<1x16xf32> to vector<16xf32>
        %parallel_loop3A_390 = vector.shape_cast %parallel_loop3A_385 : vector<16xf32> to vector<1x16xf32>
        tpu.vector_store %arg19[%parallel_loop3A_386, %parallel_loop3A_387], %parallel_loop3A_390 {strides = array<i32>} : memref<40x128xf32, #tpu.memory_space<vmem>>, vector<1x16xf32>,
        %parallel_loop3A_391 = arith.constant 0.000000e+00 : f32
        %parallel_loop3A_392 = vector.broadcast %parallel_loop3A_391 : f32 to vector<16xf32>
        %parallel_loop3A_393 = arith.subf %parallel_loop3A_392, %parallel_loop3A_372 : vector<16xf32>
        %parallel_loop3A_394 = arith.index_cast %parallel_loop3A_248 : i32 to index
        %parallel_loop3A_395 = arith.constant 80 : index
        %parallel_loop3A_396 = tpu.vector_load %arg19[%parallel_loop3A_394, %parallel_loop3A_395] {strides = array<i32>} : memref<40x128xf32, #tpu.memory_space<vmem>>, vector<1x16xf32>,
        %parallel_loop3A_397 = vector.shape_cast %parallel_loop3A_396 : vector<1x16xf32> to vector<16xf32>
        %parallel_loop3A_398 = vector.shape_cast %parallel_loop3A_393 : vector<16xf32> to vector<1x16xf32>
        tpu.vector_store %arg19[%parallel_loop3A_394, %parallel_loop3A_395], %parallel_loop3A_398 {strides = array<i32>} : memref<40x128xf32, #tpu.memory_space<vmem>>, vector<1x16xf32>,
        %parallel_loop3A_399 = arith.index_cast %parallel_loop3A_248 : i32 to index
        %parallel_loop3A_400 = arith.constant 48 : index
        %parallel_loop3A_401 = tpu.vector_load %arg14[%parallel_loop3A_399, %parallel_loop3A_400] {strides = array<i32>} : memref<40x64xi32, #tpu.memory_space<vmem>>, vector<1x16xi32>,
        %parallel_loop3A_402 = vector.shape_cast %parallel_loop3A_401 : vector<1x16xi32> to vector<16xi32>
        %parallel_loop3A_403 = arith.shli %parallel_loop3A_402, %broadcast_in_dim3A_61 : vector<16xi32>
        %parallel_loop3A_404 = tpu.bitcast %parallel_loop3A_403 : vector<16xi32> -> vector<16xf32>
        %parallel_loop3A_405 = arith.andi %parallel_loop3A_402, %broadcast_in_dim3A_63 : vector<16xi32>
        %parallel_loop3A_406 = tpu.bitcast %parallel_loop3A_405 : vector<16xi32> -> vector<16xf32>
        %parallel_loop3A_407 = arith.index_cast %parallel_loop3A_248 : i32 to index
        %parallel_loop3A_408 = arith.constant 48 : index
        %parallel_loop3A_409 = tpu.vector_load %arg15[%parallel_loop3A_407, %parallel_loop3A_408] {strides = array<i32>} : memref<40x64xi32, #tpu.memory_space<vmem>>, vector<1x16xi32>,
        %parallel_loop3A_410 = vector.shape_cast %parallel_loop3A_409 : vector<1x16xi32> to vector<16xi32>
        %parallel_loop3A_411 = arith.shli %parallel_loop3A_410, %broadcast_in_dim3A_61 : vector<16xi32>
        %parallel_loop3A_412 = tpu.bitcast %parallel_loop3A_411 : vector<16xi32> -> vector<16xf32>
        %parallel_loop3A_413 = arith.andi %parallel_loop3A_410, %broadcast_in_dim3A_63 : vector<16xi32>
        %parallel_loop3A_414 = tpu.bitcast %parallel_loop3A_413 : vector<16xi32> -> vector<16xf32>
        %parallel_loop3A_415 = arith.subf %parallel_loop3A_404, %parallel_loop3A_412 : vector<16xf32>
        %parallel_loop3A_416 = arith.constant 0.000000e+00 : f32
        %parallel_loop3A_417 = vector.broadcast %parallel_loop3A_416 : f32 to vector<16xf32>
        %parallel_loop3A_418 = arith.maximumf %parallel_loop3A_415, %parallel_loop3A_417 : vector<16xf32>
        %parallel_loop3A_419 = arith.subf %parallel_loop3A_406, %parallel_loop3A_414 : vector<16xf32>
        %parallel_loop3A_420 = arith.constant 0.000000e+00 : f32
        %parallel_loop3A_421 = vector.broadcast %parallel_loop3A_420 : f32 to vector<16xf32>
        %parallel_loop3A_422 = arith.maximumf %parallel_loop3A_419, %parallel_loop3A_421 : vector<16xf32>
        %parallel_loop3A_423 = arith.index_cast %parallel_loop3A_248 : i32 to index
        %parallel_loop3A_424 = arith.constant 96 : index
        %parallel_loop3A_425 = tpu.vector_load %arg18[%parallel_loop3A_423, %parallel_loop3A_424] {strides = array<i32>} : memref<40x128xf32, #tpu.memory_space<vmem>>, vector<1x16xf32>,
        %parallel_loop3A_426 = vector.shape_cast %parallel_loop3A_425 : vector<1x16xf32> to vector<16xf32>
        %parallel_loop3A_427 = vector.shape_cast %parallel_loop3A_418 : vector<16xf32> to vector<1x16xf32>
        tpu.vector_store %arg18[%parallel_loop3A_423, %parallel_loop3A_424], %parallel_loop3A_427 {strides = array<i32>} : memref<40x128xf32, #tpu.memory_space<vmem>>, vector<1x16xf32>,
        %parallel_loop3A_428 = arith.index_cast %parallel_loop3A_248 : i32 to index
        %parallel_loop3A_429 = arith.constant 112 : index
        %parallel_loop3A_430 = tpu.vector_load %arg18[%parallel_loop3A_428, %parallel_loop3A_429] {strides = array<i32>} : memref<40x128xf32, #tpu.memory_space<vmem>>, vector<1x16xf32>,
        %parallel_loop3A_431 = vector.shape_cast %parallel_loop3A_430 : vector<1x16xf32> to vector<16xf32>
        %parallel_loop3A_432 = vector.shape_cast %parallel_loop3A_422 : vector<16xf32> to vector<1x16xf32>
        tpu.vector_store %arg18[%parallel_loop3A_428, %parallel_loop3A_429], %parallel_loop3A_432 {strides = array<i32>} : memref<40x128xf32, #tpu.memory_space<vmem>>, vector<1x16xf32>,
        %parallel_loop3A_433 = arith.constant 0.000000e+00 : f32
        %parallel_loop3A_434 = vector.broadcast %parallel_loop3A_433 : f32 to vector<16xf32>
        %parallel_loop3A_435 = arith.subf %parallel_loop3A_434, %parallel_loop3A_418 : vector<16xf32>
        %parallel_loop3A_436 = arith.index_cast %parallel_loop3A_248 : i32 to index
        %parallel_loop3A_437 = arith.constant 96 : index
        %parallel_loop3A_438 = tpu.vector_load %arg19[%parallel_loop3A_436, %parallel_loop3A_437] {strides = array<i32>} : memref<40x128xf32, #tpu.memory_space<vmem>>, vector<1x16xf32>,
        %parallel_loop3A_439 = vector.shape_cast %parallel_loop3A_438 : vector<1x16xf32> to vector<16xf32>
        %parallel_loop3A_440 = vector.shape_cast %parallel_loop3A_435 : vector<16xf32> to vector<1x16xf32>
        tpu.vector_store %arg19[%parallel_loop3A_436, %parallel_loop3A_437], %parallel_loop3A_440 {strides = array<i32>} : memref<40x128xf32, #tpu.memory_space<vmem>>, vector<1x16xf32>,
        %parallel_loop3A_441 = arith.constant 0.000000e+00 : f32
        %parallel_loop3A_442 = vector.broadcast %parallel_loop3A_441 : f32 to vector<16xf32>
        %parallel_loop3A_443 = arith.subf %parallel_loop3A_442, %parallel_loop3A_422 : vector<16xf32>
        %parallel_loop3A_444 = arith.index_cast %parallel_loop3A_248 : i32 to index
        %parallel_loop3A_445 = arith.constant 112 : index
        %parallel_loop3A_446 = tpu.vector_load %arg19[%parallel_loop3A_444, %parallel_loop3A_445] {strides = array<i32>} : memref<40x128xf32, #tpu.memory_space<vmem>>, vector<1x16xf32>,
        %parallel_loop3A_447 = vector.shape_cast %parallel_loop3A_446 : vector<1x16xf32> to vector<16xf32>
        %parallel_loop3A_448 = vector.shape_cast %parallel_loop3A_443 : vector<16xf32> to vector<1x16xf32>
        tpu.vector_store %arg19[%parallel_loop3A_444, %parallel_loop3A_445], %parallel_loop3A_448 {strides = array<i32>} : memref<40x128xf32, #tpu.memory_space<vmem>>, vector<1x16xf32>,
      } {sc.loop_unroll_factor = 8 : i64, sc.parallel_access}
      %dma_start3A_171 = arith.constant 0 : i32
      %dma_start3A_172 = arith.constant 0 : i32
      %dma_start3A_173 = tpu.memref_slice %arg23[%dma_start3A_171, %dma_start3A_172] : memref<10000x128xf32, #tpu.memory_space<vmem_shared>> -> memref<10000x128xf32, #tpu.memory_space<vmem_shared>>
      tpu.enqueue_indirect_dma source(%arg18 : memref<40x128xf32, #tpu.memory_space<vmem>>) target(%dma_start3A_173 : memref<10000x128xf32, #tpu.memory_space<vmem_shared>>) offsets(%arg10 : memref<40xi32, #tpu.memory_space<vmem>>) semaphore(%arg28 : memref<!tpu.dma_semaphore, #tpu.memory_space<semaphore_mem>>) {add = true}
      %dma_start3A_174 = arith.constant 0 : i32
      %dma_start3A_175 = arith.constant 0 : i32
      %dma_start3A_176 = tpu.memref_slice %arg23[%dma_start3A_174, %dma_start3A_175] : memref<10000x128xf32, #tpu.memory_space<vmem_shared>> -> memref<10000x128xf32, #tpu.memory_space<vmem_shared>>
      tpu.enqueue_indirect_dma source(%arg19 : memref<40x128xf32, #tpu.memory_space<vmem>>) target(%dma_start3A_176 : memref<10000x128xf32, #tpu.memory_space<vmem_shared>>) offsets(%arg11 : memref<40xi32, #tpu.memory_space<vmem>>) semaphore(%arg28 : memref<!tpu.dma_semaphore, #tpu.memory_space<semaphore_mem>>) {add = true}
      %convert_element_type3A_177 = arith.extui %lt3A_115 : i1 to i32
      %cond3A_178 = arith.constant 0 : i32
      %cond3A_179 = arith.cmpi ne, %convert_element_type3A_177, %cond3A_178 : i32
      scf.if %cond3A_179 {
        %dma_wait3A_248 = arith.constant 0 : i32
        %dma_wait3A_249 = tpu.memref_slice %arg3[%dma_wait3A_248] : memref<320000xi32, #tpu.memory_space<hbm>> -> memref<40xi32, #tpu.memory_space<hbm>>
        %dma_wait3A_250 = arith.constant 0 : i32
        %dma_wait3A_251 = tpu.memref_slice %arg3[%dma_wait3A_250] : memref<320000xi32, #tpu.memory_space<hbm>> -> memref<40xi32, #tpu.memory_space<hbm>>
        tpu.wait_dma2 semaphore(%arg26 : memref<!tpu.dma_semaphore, #tpu.memory_space<semaphore_mem>>) src(%dma_wait3A_251 : memref<40xi32, #tpu.memory_space<hbm>>) dst(%arg6 : memref<40xi32, #tpu.memory_space<vmem>>)
        %dma_wait3A_252 = arith.constant 0 : i32
        %dma_wait3A_253 = tpu.memref_slice %arg4[%dma_wait3A_252] : memref<320000xi32, #tpu.memory_space<hbm>> -> memref<40xi32, #tpu.memory_space<hbm>>
        %dma_wait3A_254 = arith.constant 0 : i32
        %dma_wait3A_255 = tpu.memref_slice %arg4[%dma_wait3A_254] : memref<320000xi32, #tpu.memory_space<hbm>> -> memref<40xi32, #tpu.memory_space<hbm>>
        tpu.wait_dma2 semaphore(%arg26 : memref<!tpu.dma_semaphore, #tpu.memory_space<semaphore_mem>>) src(%dma_wait3A_255 : memref<40xi32, #tpu.memory_space<hbm>>) dst(%arg7 : memref<40xi32, #tpu.memory_space<vmem>>)
        %dma_start3A_256 = arith.constant 0 : i32
        %dma_start3A_257 = arith.constant 0 : i32
        %dma_start3A_258 = tpu.memref_slice %arg2[%dma_start3A_256, %dma_start3A_257] : memref<10000x64xi32, #tpu.memory_space<hbm>> -> memref<10000x64xi32, #tpu.memory_space<hbm>>
        tpu.enqueue_indirect_dma source(%dma_start3A_258 : memref<10000x64xi32, #tpu.memory_space<hbm>>) target(%arg14 : memref<40x64xi32, #tpu.memory_space<vmem>>) offsets(%arg6 : memref<40xi32, #tpu.memory_space<vmem>>) semaphore(%arg24 : memref<!tpu.dma_semaphore, #tpu.memory_space<semaphore_mem>>)
        %dma_start3A_259 = arith.constant 0 : i32
        %dma_start3A_260 = arith.constant 0 : i32
        %dma_start3A_261 = tpu.memref_slice %arg2[%dma_start3A_259, %dma_start3A_260] : memref<10000x64xi32, #tpu.memory_space<hbm>> -> memref<10000x64xi32, #tpu.memory_space<hbm>>
        tpu.enqueue_indirect_dma source(%dma_start3A_261 : memref<10000x64xi32, #tpu.memory_space<hbm>>) target(%arg15 : memref<40x64xi32, #tpu.memory_space<vmem>>) offsets(%arg7 : memref<40xi32, #tpu.memory_space<vmem>>) semaphore(%arg24 : memref<!tpu.dma_semaphore, #tpu.memory_space<semaphore_mem>>)
      } else {
      }
      %dma_wait3A_180 = arith.constant 0 : i32
      %dma_wait3A_181 = arith.constant 0 : i32
      %dma_wait3A_182 = tpu.memref_slice %arg2[%dma_wait3A_180, %dma_wait3A_181] : memref<10000x64xi32, #tpu.memory_space<hbm>> -> memref<10000x64xi32, #tpu.memory_space<hbm>>
      tpu.wait_indirect_dma semaphore(%arg25 : memref<!tpu.dma_semaphore, #tpu.memory_space<semaphore_mem>>) src(%dma_wait3A_182 : memref<10000x64xi32, #tpu.memory_space<hbm>>) dst(%arg16 : memref<40x64xi32, #tpu.memory_space<vmem>>)
      %dma_wait3A_183 = arith.constant 0 : i32
      %dma_wait3A_184 = arith.constant 0 : i32
      %dma_wait3A_185 = tpu.memref_slice %arg2[%dma_wait3A_183, %dma_wait3A_184] : memref<10000x64xi32, #tpu.memory_space<hbm>> -> memref<10000x64xi32, #tpu.memory_space<hbm>>
      tpu.wait_indirect_dma semaphore(%arg25 : memref<!tpu.dma_semaphore, #tpu.memory_space<semaphore_mem>>) src(%dma_wait3A_185 : memref<10000x64xi32, #tpu.memory_space<hbm>>) dst(%arg17 : memref<40x64xi32, #tpu.memory_space<vmem>>)
      %gt3A_186 = arith.constant 0 : i32
      %gt3A_187 = arith.cmpi sgt, %add3A_112, %gt3A_186 : i32
      %convert_element_type3A_188 = arith.extui %gt3A_187 : i1 to i32
      %cond3A_189 = arith.constant 0 : i32
      %cond3A_190 = arith.cmpi ne, %convert_element_type3A_188, %cond3A_189 : i32
      scf.if %cond3A_190 {
        %dma_wait3A_248 = arith.constant 0 : i32
        %dma_wait3A_249 = arith.constant 0 : i32
        %dma_wait3A_250 = tpu.memref_slice %arg23[%dma_wait3A_248, %dma_wait3A_249] : memref<10000x128xf32, #tpu.memory_space<vmem_shared>> -> memref<10000x128xf32, #tpu.memory_space<vmem_shared>>
        tpu.wait_indirect_dma semaphore(%arg29 : memref<!tpu.dma_semaphore, #tpu.memory_space<semaphore_mem>>) src(%arg20 : memref<40x128xf32, #tpu.memory_space<vmem>>) dst(%dma_wait3A_250 : memref<10000x128xf32, #tpu.memory_space<vmem_shared>>)
        %dma_wait3A_251 = arith.constant 0 : i32
        %dma_wait3A_252 = arith.constant 0 : i32
        %dma_wait3A_253 = tpu.memref_slice %arg23[%dma_wait3A_251, %dma_wait3A_252] : memref<10000x128xf32, #tpu.memory_space<vmem_shared>> -> memref<10000x128xf32, #tpu.memory_space<vmem_shared>>
        tpu.wait_indirect_dma semaphore(%arg29 : memref<!tpu.dma_semaphore, #tpu.memory_space<semaphore_mem>>) src(%arg21 : memref<40x128xf32, #tpu.memory_space<vmem>>) dst(%dma_wait3A_253 : memref<10000x128xf32, #tpu.memory_space<vmem_shared>>)
      } else {
      }
      %get3A_191 = arith.constant 0 : index
      %get3A_192 = tpu.vector_load %arg8[%get3A_191] {strides = array<i32>} : memref<40xi32, #tpu.memory_space<vmem>>, vector<16xi32>,
      %get3A_193 = vector.shape_cast %get3A_192 : vector<16xi32> to vector<16xi32>
      %swap3A_194 = arith.constant 0 : index
      %swap3A_195 = tpu.vector_load %arg12[%swap3A_194] {strides = array<i32>} : memref<40xi32, #tpu.memory_space<vmem>>, vector<16xi32>,
      %swap3A_196 = vector.shape_cast %swap3A_195 : vector<16xi32> to vector<16xi32>
      %swap3A_197 = vector.shape_cast %get3A_193 : vector<16xi32> to vector<16xi32>
      tpu.vector_store %arg12[%swap3A_194], %swap3A_197 {strides = array<i32>} : memref<40xi32, #tpu.memory_space<vmem>>, vector<16xi32>,
      %get3A_198 = arith.constant 16 : index
      %get3A_199 = tpu.vector_load %arg8[%get3A_198] {strides = array<i32>} : memref<40xi32, #tpu.memory_space<vmem>>, vector<16xi32>,
      %get3A_200 = vector.shape_cast %get3A_199 : vector<16xi32> to vector<16xi32>
      %swap3A_201 = arith.constant 16 : index
      %swap3A_202 = tpu.vector_load %arg12[%swap3A_201] {strides = array<i32>} : memref<40xi32, #tpu.memory_space<vmem>>, vector<16xi32>,
      %swap3A_203 = vector.shape_cast %swap3A_202 : vector<16xi32> to vector<16xi32>
      %swap3A_204 = vector.shape_cast %get3A_200 : vector<16xi32> to vector<16xi32>
      tpu.vector_store %arg12[%swap3A_201], %swap3A_204 {strides = array<i32>} : memref<40xi32, #tpu.memory_space<vmem>>, vector<16xi32>,
      %get3A_205 = arith.constant 24 : index
      %get3A_206 = tpu.vector_load %arg8[%get3A_205] {strides = array<i32>} : memref<40xi32, #tpu.memory_space<vmem>>, vector<16xi32>,
      %get3A_207 = vector.shape_cast %get3A_206 : vector<16xi32> to vector<16xi32>
      %swap3A_208 = arith.constant 24 : index
      %swap3A_209 = tpu.vector_load %arg12[%swap3A_208] {strides = array<i32>} : memref<40xi32, #tpu.memory_space<vmem>>, vector<16xi32>,
      %swap3A_210 = vector.shape_cast %swap3A_209 : vector<16xi32> to vector<16xi32>
      %swap3A_211 = vector.shape_cast %get3A_207 : vector<16xi32> to vector<16xi32>
      tpu.vector_store %arg12[%swap3A_208], %swap3A_211 {strides = array<i32>} : memref<40xi32, #tpu.memory_space<vmem>>, vector<16xi32>,
      %get3A_212 = arith.constant 0 : index
      %get3A_213 = tpu.vector_load %arg9[%get3A_212] {strides = array<i32>} : memref<40xi32, #tpu.memory_space<vmem>>, vector<16xi32>,
      %get3A_214 = vector.shape_cast %get3A_213 : vector<16xi32> to vector<16xi32>
      %swap3A_215 = arith.constant 0 : index
      %swap3A_216 = tpu.vector_load %arg13[%swap3A_215] {strides = array<i32>} : memref<40xi32, #tpu.memory_space<vmem>>, vector<16xi32>,
      %swap3A_217 = vector.shape_cast %swap3A_216 : vector<16xi32> to vector<16xi32>
      %swap3A_218 = vector.shape_cast %get3A_214 : vector<16xi32> to vector<16xi32>
      tpu.vector_store %arg13[%swap3A_215], %swap3A_218 {strides = array<i32>} : memref<40xi32, #tpu.memory_space<vmem>>, vector<16xi32>,
      %get3A_219 = arith.constant 16 : index
      %get3A_220 = tpu.vector_load %arg9[%get3A_219] {strides = array<i32>} : memref<40xi32, #tpu.memory_space<vmem>>, vector<16xi32>,
      %get3A_221 = vector.shape_cast %get3A_220 : vector<16xi32> to vector<16xi32>
      %swap3A_222 = arith.constant 16 : index
      %swap3A_223 = tpu.vector_load %arg13[%swap3A_222] {strides = array<i32>} : memref<40xi32, #tpu.memory_space<vmem>>, vector<16xi32>,
      %swap3A_224 = vector.shape_cast %swap3A_223 : vector<16xi32> to vector<16xi32>
      %swap3A_225 = vector.shape_cast %get3A_221 : vector<16xi32> to vector<16xi32>
      tpu.vector_store %arg13[%swap3A_222], %swap3A_225 {strides = array<i32>} : memref<40xi32, #tpu.memory_space<vmem>>, vector<16xi32>,
      %get3A_226 = arith.constant 24 : index
      %get3A_227 = tpu.vector_load %arg9[%get3A_226] {strides = array<i32>} : memref<40xi32, #tpu.memory_space<vmem>>, vector<16xi32>,
      %get3A_228 = vector.shape_cast %get3A_227 : vector<16xi32> to vector<16xi32>
      %swap3A_229 = arith.constant 24 : index
      %swap3A_230 = tpu.vector_load %arg13[%swap3A_229] {strides = array<i32>} : memref<40xi32, #tpu.memory_space<vmem>>, vector<16xi32>,
      %swap3A_231 = vector.shape_cast %swap3A_230 : vector<16xi32> to vector<16xi32>
      %swap3A_232 = vector.shape_cast %get3A_228 : vector<16xi32> to vector<16xi32>
      tpu.vector_store %arg13[%swap3A_229], %swap3A_232 {strides = array<i32>} : memref<40xi32, #tpu.memory_space<vmem>>, vector<16xi32>,
      %convert_element_type3A_233 = arith.extui %lt3A_115 : i1 to i32
      %cond3A_234 = arith.constant 0 : i32
      %cond3A_235 = arith.cmpi ne, %convert_element_type3A_233, %cond3A_234 : i32
      scf.if %cond3A_235 {
        %add3A_248 = arith.constant 3 : i32
        %add3A_249 = arith.addi %add3A_112, %add3A_248 : i32
        %mul3A_250 = arith.constant 40 : i32
        %mul3A_251 = arith.muli %add3A_249, %mul3A_250 : i32
        %add3A_252 = arith.addi %mul3A_60, %mul3A_251 : i32
        %multiple_of3A_253 = tpu.assume_multiple %add3A_252, 8 : i32
        %dma_start3A_254 = tpu.memref_slice %arg3[%multiple_of3A_253] : memref<320000xi32, #tpu.memory_space<hbm>> -> memref<40xi32, #tpu.memory_space<hbm>>
        %dma_start3A_255 = tpu.memref_slice %arg3[%multiple_of3A_253] : memref<320000xi32, #tpu.memory_space<hbm>> -> memref<40xi32, #tpu.memory_space<hbm>>
        tpu.enqueue_dma source(%dma_start3A_255 : memref<40xi32, #tpu.memory_space<hbm>>) target(%arg8 : memref<40xi32, #tpu.memory_space<vmem>>) target_semaphore(%arg27 : memref<!tpu.dma_semaphore, #tpu.memory_space<semaphore_mem>>)
        %dma_start3A_256 = tpu.memref_slice %arg4[%multiple_of3A_253] : memref<320000xi32, #tpu.memory_space<hbm>> -> memref<40xi32, #tpu.memory_space<hbm>>
        %dma_start3A_257 = tpu.memref_slice %arg4[%multiple_of3A_253] : memref<320000xi32, #tpu.memory_space<hbm>> -> memref<40xi32, #tpu.memory_space<hbm>>
        tpu.enqueue_dma source(%dma_start3A_257 : memref<40xi32, #tpu.memory_space<hbm>>) target(%arg9 : memref<40xi32, #tpu.memory_space<vmem>>) target_semaphore(%arg27 : memref<!tpu.dma_semaphore, #tpu.memory_space<semaphore_mem>>)
      } else {
      }
      %parallel_loop3A_236 = arith.constant 0 : i32
      %parallel_loop3A_237 = arith.constant 40 : i32
      %parallel_loop3A_238 = arith.constant 1 : i32
      scf.for %parallel_loop3A_248 = %parallel_loop3A_236 to %parallel_loop3A_237 step %parallel_loop3A_238  : i32 {
        %parallel_loop3A_249 = arith.index_cast %parallel_loop3A_248 : i32 to index
        %parallel_loop3A_250 = arith.constant 0 : index
        %parallel_loop3A_251 = tpu.vector_load %arg16[%parallel_loop3A_249, %parallel_loop3A_250] {strides = array<i32>} : memref<40x64xi32, #tpu.memory_space<vmem>>, vector<1x16xi32>,
        %parallel_loop3A_252 = vector.shape_cast %parallel_loop3A_251 : vector<1x16xi32> to vector<16xi32>
        %parallel_loop3A_253 = arith.shli %parallel_loop3A_252, %broadcast_in_dim3A_61 : vector<16xi32>
        %parallel_loop3A_254 = tpu.bitcast %parallel_loop3A_253 : vector<16xi32> -> vector<16xf32>
        %parallel_loop3A_255 = arith.andi %parallel_loop3A_252, %broadcast_in_dim3A_63 : vector<16xi32>
        %parallel_loop3A_256 = tpu.bitcast %parallel_loop3A_255 : vector<16xi32> -> vector<16xf32>
        %parallel_loop3A_257 = arith.index_cast %parallel_loop3A_248 : i32 to index
        %parallel_loop3A_258 = arith.constant 0 : index
        %parallel_loop3A_259 = tpu.vector_load %arg17[%parallel_loop3A_257, %parallel_loop3A_258] {strides = array<i32>} : memref<40x64xi32, #tpu.memory_space<vmem>>, vector<1x16xi32>,
        %parallel_loop3A_260 = vector.shape_cast %parallel_loop3A_259 : vector<1x16xi32> to vector<16xi32>
        %parallel_loop3A_261 = arith.shli %parallel_loop3A_260, %broadcast_in_dim3A_61 : vector<16xi32>
        %parallel_loop3A_262 = tpu.bitcast %parallel_loop3A_261 : vector<16xi32> -> vector<16xf32>
        %parallel_loop3A_263 = arith.andi %parallel_loop3A_260, %broadcast_in_dim3A_63 : vector<16xi32>
        %parallel_loop3A_264 = tpu.bitcast %parallel_loop3A_263 : vector<16xi32> -> vector<16xf32>
        %parallel_loop3A_265 = arith.subf %parallel_loop3A_254, %parallel_loop3A_262 : vector<16xf32>
        %parallel_loop3A_266 = arith.constant 0.000000e+00 : f32
        %parallel_loop3A_267 = vector.broadcast %parallel_loop3A_266 : f32 to vector<16xf32>
        %parallel_loop3A_268 = arith.maximumf %parallel_loop3A_265, %parallel_loop3A_267 : vector<16xf32>
        %parallel_loop3A_269 = arith.subf %parallel_loop3A_256, %parallel_loop3A_264 : vector<16xf32>
        %parallel_loop3A_270 = arith.constant 0.000000e+00 : f32
        %parallel_loop3A_271 = vector.broadcast %parallel_loop3A_270 : f32 to vector<16xf32>
        %parallel_loop3A_272 = arith.maximumf %parallel_loop3A_269, %parallel_loop3A_271 : vector<16xf32>
        %parallel_loop3A_273 = arith.index_cast %parallel_loop3A_248 : i32 to index
        %parallel_loop3A_274 = arith.constant 0 : index
        %parallel_loop3A_275 = tpu.vector_load %arg20[%parallel_loop3A_273, %parallel_loop3A_274] {strides = array<i32>} : memref<40x128xf32, #tpu.memory_space<vmem>>, vector<1x16xf32>,
        %parallel_loop3A_276 = vector.shape_cast %parallel_loop3A_275 : vector<1x16xf32> to vector<16xf32>
        %parallel_loop3A_277 = vector.shape_cast %parallel_loop3A_268 : vector<16xf32> to vector<1x16xf32>
        tpu.vector_store %arg20[%parallel_loop3A_273, %parallel_loop3A_274], %parallel_loop3A_277 {strides = array<i32>} : memref<40x128xf32, #tpu.memory_space<vmem>>, vector<1x16xf32>,
        %parallel_loop3A_278 = arith.index_cast %parallel_loop3A_248 : i32 to index
        %parallel_loop3A_279 = arith.constant 16 : index
        %parallel_loop3A_280 = tpu.vector_load %arg20[%parallel_loop3A_278, %parallel_loop3A_279] {strides = array<i32>} : memref<40x128xf32, #tpu.memory_space<vmem>>, vector<1x16xf32>,
        %parallel_loop3A_281 = vector.shape_cast %parallel_loop3A_280 : vector<1x16xf32> to vector<16xf32>
        %parallel_loop3A_282 = vector.shape_cast %parallel_loop3A_272 : vector<16xf32> to vector<1x16xf32>
        tpu.vector_store %arg20[%parallel_loop3A_278, %parallel_loop3A_279], %parallel_loop3A_282 {strides = array<i32>} : memref<40x128xf32, #tpu.memory_space<vmem>>, vector<1x16xf32>,
        %parallel_loop3A_283 = arith.constant 0.000000e+00 : f32
        %parallel_loop3A_284 = vector.broadcast %parallel_loop3A_283 : f32 to vector<16xf32>
        %parallel_loop3A_285 = arith.subf %parallel_loop3A_284, %parallel_loop3A_268 : vector<16xf32>
        %parallel_loop3A_286 = arith.index_cast %parallel_loop3A_248 : i32 to index
        %parallel_loop3A_287 = arith.constant 0 : index
        %parallel_loop3A_288 = tpu.vector_load %arg21[%parallel_loop3A_286, %parallel_loop3A_287] {strides = array<i32>} : memref<40x128xf32, #tpu.memory_space<vmem>>, vector<1x16xf32>,
        %parallel_loop3A_289 = vector.shape_cast %parallel_loop3A_288 : vector<1x16xf32> to vector<16xf32>
        %parallel_loop3A_290 = vector.shape_cast %parallel_loop3A_285 : vector<16xf32> to vector<1x16xf32>
        tpu.vector_store %arg21[%parallel_loop3A_286, %parallel_loop3A_287], %parallel_loop3A_290 {strides = array<i32>} : memref<40x128xf32, #tpu.memory_space<vmem>>, vector<1x16xf32>,
        %parallel_loop3A_291 = arith.constant 0.000000e+00 : f32
        %parallel_loop3A_292 = vector.broadcast %parallel_loop3A_291 : f32 to vector<16xf32>
        %parallel_loop3A_293 = arith.subf %parallel_loop3A_292, %parallel_loop3A_272 : vector<16xf32>
        %parallel_loop3A_294 = arith.index_cast %parallel_loop3A_248 : i32 to index
        %parallel_loop3A_295 = arith.constant 16 : index
        %parallel_loop3A_296 = tpu.vector_load %arg21[%parallel_loop3A_294, %parallel_loop3A_295] {strides = array<i32>} : memref<40x128xf32, #tpu.memory_space<vmem>>, vector<1x16xf32>,
        %parallel_loop3A_297 = vector.shape_cast %parallel_loop3A_296 : vector<1x16xf32> to vector<16xf32>
        %parallel_loop3A_298 = vector.shape_cast %parallel_loop3A_293 : vector<16xf32> to vector<1x16xf32>
        tpu.vector_store %arg21[%parallel_loop3A_294, %parallel_loop3A_295], %parallel_loop3A_298 {strides = array<i32>} : memref<40x128xf32, #tpu.memory_space<vmem>>, vector<1x16xf32>,
        %parallel_loop3A_299 = arith.index_cast %parallel_loop3A_248 : i32 to index
        %parallel_loop3A_300 = arith.constant 16 : index
        %parallel_loop3A_301 = tpu.vector_load %arg16[%parallel_loop3A_299, %parallel_loop3A_300] {strides = array<i32>} : memref<40x64xi32, #tpu.memory_space<vmem>>, vector<1x16xi32>,
        %parallel_loop3A_302 = vector.shape_cast %parallel_loop3A_301 : vector<1x16xi32> to vector<16xi32>
        %parallel_loop3A_303 = arith.shli %parallel_loop3A_302, %broadcast_in_dim3A_61 : vector<16xi32>
        %parallel_loop3A_304 = tpu.bitcast %parallel_loop3A_303 : vector<16xi32> -> vector<16xf32>
        %parallel_loop3A_305 = arith.andi %parallel_loop3A_302, %broadcast_in_dim3A_63 : vector<16xi32>
        %parallel_loop3A_306 = tpu.bitcast %parallel_loop3A_305 : vector<16xi32> -> vector<16xf32>
        %parallel_loop3A_307 = arith.index_cast %parallel_loop3A_248 : i32 to index
        %parallel_loop3A_308 = arith.constant 16 : index
        %parallel_loop3A_309 = tpu.vector_load %arg17[%parallel_loop3A_307, %parallel_loop3A_308] {strides = array<i32>} : memref<40x64xi32, #tpu.memory_space<vmem>>, vector<1x16xi32>,
        %parallel_loop3A_310 = vector.shape_cast %parallel_loop3A_309 : vector<1x16xi32> to vector<16xi32>
        %parallel_loop3A_311 = arith.shli %parallel_loop3A_310, %broadcast_in_dim3A_61 : vector<16xi32>
        %parallel_loop3A_312 = tpu.bitcast %parallel_loop3A_311 : vector<16xi32> -> vector<16xf32>
        %parallel_loop3A_313 = arith.andi %parallel_loop3A_310, %broadcast_in_dim3A_63 : vector<16xi32>
        %parallel_loop3A_314 = tpu.bitcast %parallel_loop3A_313 : vector<16xi32> -> vector<16xf32>
        %parallel_loop3A_315 = arith.subf %parallel_loop3A_304, %parallel_loop3A_312 : vector<16xf32>
        %parallel_loop3A_316 = arith.constant 0.000000e+00 : f32
        %parallel_loop3A_317 = vector.broadcast %parallel_loop3A_316 : f32 to vector<16xf32>
        %parallel_loop3A_318 = arith.maximumf %parallel_loop3A_315, %parallel_loop3A_317 : vector<16xf32>
        %parallel_loop3A_319 = arith.subf %parallel_loop3A_306, %parallel_loop3A_314 : vector<16xf32>
        %parallel_loop3A_320 = arith.constant 0.000000e+00 : f32
        %parallel_loop3A_321 = vector.broadcast %parallel_loop3A_320 : f32 to vector<16xf32>
        %parallel_loop3A_322 = arith.maximumf %parallel_loop3A_319, %parallel_loop3A_321 : vector<16xf32>
        %parallel_loop3A_323 = arith.index_cast %parallel_loop3A_248 : i32 to index
        %parallel_loop3A_324 = arith.constant 32 : index
        %parallel_loop3A_325 = tpu.vector_load %arg20[%parallel_loop3A_323, %parallel_loop3A_324] {strides = array<i32>} : memref<40x128xf32, #tpu.memory_space<vmem>>, vector<1x16xf32>,
        %parallel_loop3A_326 = vector.shape_cast %parallel_loop3A_325 : vector<1x16xf32> to vector<16xf32>
        %parallel_loop3A_327 = vector.shape_cast %parallel_loop3A_318 : vector<16xf32> to vector<1x16xf32>
        tpu.vector_store %arg20[%parallel_loop3A_323, %parallel_loop3A_324], %parallel_loop3A_327 {strides = array<i32>} : memref<40x128xf32, #tpu.memory_space<vmem>>, vector<1x16xf32>,
        %parallel_loop3A_328 = arith.index_cast %parallel_loop3A_248 : i32 to index
        %parallel_loop3A_329 = arith.constant 48 : index
        %parallel_loop3A_330 = tpu.vector_load %arg20[%parallel_loop3A_328, %parallel_loop3A_329] {strides = array<i32>} : memref<40x128xf32, #tpu.memory_space<vmem>>, vector<1x16xf32>,
        %parallel_loop3A_331 = vector.shape_cast %parallel_loop3A_330 : vector<1x16xf32> to vector<16xf32>
        %parallel_loop3A_332 = vector.shape_cast %parallel_loop3A_322 : vector<16xf32> to vector<1x16xf32>
        tpu.vector_store %arg20[%parallel_loop3A_328, %parallel_loop3A_329], %parallel_loop3A_332 {strides = array<i32>} : memref<40x128xf32, #tpu.memory_space<vmem>>, vector<1x16xf32>,
        %parallel_loop3A_333 = arith.constant 0.000000e+00 : f32
        %parallel_loop3A_334 = vector.broadcast %parallel_loop3A_333 : f32 to vector<16xf32>
        %parallel_loop3A_335 = arith.subf %parallel_loop3A_334, %parallel_loop3A_318 : vector<16xf32>
        %parallel_loop3A_336 = arith.index_cast %parallel_loop3A_248 : i32 to index
        %parallel_loop3A_337 = arith.constant 32 : index
        %parallel_loop3A_338 = tpu.vector_load %arg21[%parallel_loop3A_336, %parallel_loop3A_337] {strides = array<i32>} : memref<40x128xf32, #tpu.memory_space<vmem>>, vector<1x16xf32>,
        %parallel_loop3A_339 = vector.shape_cast %parallel_loop3A_338 : vector<1x16xf32> to vector<16xf32>
        %parallel_loop3A_340 = vector.shape_cast %parallel_loop3A_335 : vector<16xf32> to vector<1x16xf32>
        tpu.vector_store %arg21[%parallel_loop3A_336, %parallel_loop3A_337], %parallel_loop3A_340 {strides = array<i32>} : memref<40x128xf32, #tpu.memory_space<vmem>>, vector<1x16xf32>,
        %parallel_loop3A_341 = arith.constant 0.000000e+00 : f32
        %parallel_loop3A_342 = vector.broadcast %parallel_loop3A_341 : f32 to vector<16xf32>
        %parallel_loop3A_343 = arith.subf %parallel_loop3A_342, %parallel_loop3A_322 : vector<16xf32>
        %parallel_loop3A_344 = arith.index_cast %parallel_loop3A_248 : i32 to index
        %parallel_loop3A_345 = arith.constant 48 : index
        %parallel_loop3A_346 = tpu.vector_load %arg21[%parallel_loop3A_344, %parallel_loop3A_345] {strides = array<i32>} : memref<40x128xf32, #tpu.memory_space<vmem>>, vector<1x16xf32>,
        %parallel_loop3A_347 = vector.shape_cast %parallel_loop3A_346 : vector<1x16xf32> to vector<16xf32>
        %parallel_loop3A_348 = vector.shape_cast %parallel_loop3A_343 : vector<16xf32> to vector<1x16xf32>
        tpu.vector_store %arg21[%parallel_loop3A_344, %parallel_loop3A_345], %parallel_loop3A_348 {strides = array<i32>} : memref<40x128xf32, #tpu.memory_space<vmem>>, vector<1x16xf32>,
        %parallel_loop3A_349 = arith.index_cast %parallel_loop3A_248 : i32 to index
        %parallel_loop3A_350 = arith.constant 32 : index
        %parallel_loop3A_351 = tpu.vector_load %arg16[%parallel_loop3A_349, %parallel_loop3A_350] {strides = array<i32>} : memref<40x64xi32, #tpu.memory_space<vmem>>, vector<1x16xi32>,
        %parallel_loop3A_352 = vector.shape_cast %parallel_loop3A_351 : vector<1x16xi32> to vector<16xi32>
        %parallel_loop3A_353 = arith.shli %parallel_loop3A_352, %broadcast_in_dim3A_61 : vector<16xi32>
        %parallel_loop3A_354 = tpu.bitcast %parallel_loop3A_353 : vector<16xi32> -> vector<16xf32>
        %parallel_loop3A_355 = arith.andi %parallel_loop3A_352, %broadcast_in_dim3A_63 : vector<16xi32>
        %parallel_loop3A_356 = tpu.bitcast %parallel_loop3A_355 : vector<16xi32> -> vector<16xf32>
        %parallel_loop3A_357 = arith.index_cast %parallel_loop3A_248 : i32 to index
        %parallel_loop3A_358 = arith.constant 32 : index
        %parallel_loop3A_359 = tpu.vector_load %arg17[%parallel_loop3A_357, %parallel_loop3A_358] {strides = array<i32>} : memref<40x64xi32, #tpu.memory_space<vmem>>, vector<1x16xi32>,
        %parallel_loop3A_360 = vector.shape_cast %parallel_loop3A_359 : vector<1x16xi32> to vector<16xi32>
        %parallel_loop3A_361 = arith.shli %parallel_loop3A_360, %broadcast_in_dim3A_61 : vector<16xi32>
        %parallel_loop3A_362 = tpu.bitcast %parallel_loop3A_361 : vector<16xi32> -> vector<16xf32>
        %parallel_loop3A_363 = arith.andi %parallel_loop3A_360, %broadcast_in_dim3A_63 : vector<16xi32>
        %parallel_loop3A_364 = tpu.bitcast %parallel_loop3A_363 : vector<16xi32> -> vector<16xf32>
        %parallel_loop3A_365 = arith.subf %parallel_loop3A_354, %parallel_loop3A_362 : vector<16xf32>
        %parallel_loop3A_366 = arith.constant 0.000000e+00 : f32
        %parallel_loop3A_367 = vector.broadcast %parallel_loop3A_366 : f32 to vector<16xf32>
        %parallel_loop3A_368 = arith.maximumf %parallel_loop3A_365, %parallel_loop3A_367 : vector<16xf32>
        %parallel_loop3A_369 = arith.subf %parallel_loop3A_356, %parallel_loop3A_364 : vector<16xf32>
        %parallel_loop3A_370 = arith.constant 0.000000e+00 : f32
        %parallel_loop3A_371 = vector.broadcast %parallel_loop3A_370 : f32 to vector<16xf32>
        %parallel_loop3A_372 = arith.maximumf %parallel_loop3A_369, %parallel_loop3A_371 : vector<16xf32>
        %parallel_loop3A_373 = arith.index_cast %parallel_loop3A_248 : i32 to index
        %parallel_loop3A_374 = arith.constant 64 : index
        %parallel_loop3A_375 = tpu.vector_load %arg20[%parallel_loop3A_373, %parallel_loop3A_374] {strides = array<i32>} : memref<40x128xf32, #tpu.memory_space<vmem>>, vector<1x16xf32>,
        %parallel_loop3A_376 = vector.shape_cast %parallel_loop3A_375 : vector<1x16xf32> to vector<16xf32>
        %parallel_loop3A_377 = vector.shape_cast %parallel_loop3A_368 : vector<16xf32> to vector<1x16xf32>
        tpu.vector_store %arg20[%parallel_loop3A_373, %parallel_loop3A_374], %parallel_loop3A_377 {strides = array<i32>} : memref<40x128xf32, #tpu.memory_space<vmem>>, vector<1x16xf32>,
        %parallel_loop3A_378 = arith.index_cast %parallel_loop3A_248 : i32 to index
        %parallel_loop3A_379 = arith.constant 80 : index
        %parallel_loop3A_380 = tpu.vector_load %arg20[%parallel_loop3A_378, %parallel_loop3A_379] {strides = array<i32>} : memref<40x128xf32, #tpu.memory_space<vmem>>, vector<1x16xf32>,
        %parallel_loop3A_381 = vector.shape_cast %parallel_loop3A_380 : vector<1x16xf32> to vector<16xf32>
        %parallel_loop3A_382 = vector.shape_cast %parallel_loop3A_372 : vector<16xf32> to vector<1x16xf32>
        tpu.vector_store %arg20[%parallel_loop3A_378, %parallel_loop3A_379], %parallel_loop3A_382 {strides = array<i32>} : memref<40x128xf32, #tpu.memory_space<vmem>>, vector<1x16xf32>,
        %parallel_loop3A_383 = arith.constant 0.000000e+00 : f32
        %parallel_loop3A_384 = vector.broadcast %parallel_loop3A_383 : f32 to vector<16xf32>
        %parallel_loop3A_385 = arith.subf %parallel_loop3A_384, %parallel_loop3A_368 : vector<16xf32>
        %parallel_loop3A_386 = arith.index_cast %parallel_loop3A_248 : i32 to index
        %parallel_loop3A_387 = arith.constant 64 : index
        %parallel_loop3A_388 = tpu.vector_load %arg21[%parallel_loop3A_386, %parallel_loop3A_387] {strides = array<i32>} : memref<40x128xf32, #tpu.memory_space<vmem>>, vector<1x16xf32>,
        %parallel_loop3A_389 = vector.shape_cast %parallel_loop3A_388 : vector<1x16xf32> to vector<16xf32>
        %parallel_loop3A_390 = vector.shape_cast %parallel_loop3A_385 : vector<16xf32> to vector<1x16xf32>
        tpu.vector_store %arg21[%parallel_loop3A_386, %parallel_loop3A_387], %parallel_loop3A_390 {strides = array<i32>} : memref<40x128xf32, #tpu.memory_space<vmem>>, vector<1x16xf32>,
        %parallel_loop3A_391 = arith.constant 0.000000e+00 : f32
        %parallel_loop3A_392 = vector.broadcast %parallel_loop3A_391 : f32 to vector<16xf32>
        %parallel_loop3A_393 = arith.subf %parallel_loop3A_392, %parallel_loop3A_372 : vector<16xf32>
        %parallel_loop3A_394 = arith.index_cast %parallel_loop3A_248 : i32 to index
        %parallel_loop3A_395 = arith.constant 80 : index
        %parallel_loop3A_396 = tpu.vector_load %arg21[%parallel_loop3A_394, %parallel_loop3A_395] {strides = array<i32>} : memref<40x128xf32, #tpu.memory_space<vmem>>, vector<1x16xf32>,
        %parallel_loop3A_397 = vector.shape_cast %parallel_loop3A_396 : vector<1x16xf32> to vector<16xf32>
        %parallel_loop3A_398 = vector.shape_cast %parallel_loop3A_393 : vector<16xf32> to vector<1x16xf32>
        tpu.vector_store %arg21[%parallel_loop3A_394, %parallel_loop3A_395], %parallel_loop3A_398 {strides = array<i32>} : memref<40x128xf32, #tpu.memory_space<vmem>>, vector<1x16xf32>,
        %parallel_loop3A_399 = arith.index_cast %parallel_loop3A_248 : i32 to index
        %parallel_loop3A_400 = arith.constant 48 : index
        %parallel_loop3A_401 = tpu.vector_load %arg16[%parallel_loop3A_399, %parallel_loop3A_400] {strides = array<i32>} : memref<40x64xi32, #tpu.memory_space<vmem>>, vector<1x16xi32>,
        %parallel_loop3A_402 = vector.shape_cast %parallel_loop3A_401 : vector<1x16xi32> to vector<16xi32>
        %parallel_loop3A_403 = arith.shli %parallel_loop3A_402, %broadcast_in_dim3A_61 : vector<16xi32>
        %parallel_loop3A_404 = tpu.bitcast %parallel_loop3A_403 : vector<16xi32> -> vector<16xf32>
        %parallel_loop3A_405 = arith.andi %parallel_loop3A_402, %broadcast_in_dim3A_63 : vector<16xi32>
        %parallel_loop3A_406 = tpu.bitcast %parallel_loop3A_405 : vector<16xi32> -> vector<16xf32>
        %parallel_loop3A_407 = arith.index_cast %parallel_loop3A_248 : i32 to index
        %parallel_loop3A_408 = arith.constant 48 : index
        %parallel_loop3A_409 = tpu.vector_load %arg17[%parallel_loop3A_407, %parallel_loop3A_408] {strides = array<i32>} : memref<40x64xi32, #tpu.memory_space<vmem>>, vector<1x16xi32>,
        %parallel_loop3A_410 = vector.shape_cast %parallel_loop3A_409 : vector<1x16xi32> to vector<16xi32>
        %parallel_loop3A_411 = arith.shli %parallel_loop3A_410, %broadcast_in_dim3A_61 : vector<16xi32>
        %parallel_loop3A_412 = tpu.bitcast %parallel_loop3A_411 : vector<16xi32> -> vector<16xf32>
        %parallel_loop3A_413 = arith.andi %parallel_loop3A_410, %broadcast_in_dim3A_63 : vector<16xi32>
        %parallel_loop3A_414 = tpu.bitcast %parallel_loop3A_413 : vector<16xi32> -> vector<16xf32>
        %parallel_loop3A_415 = arith.subf %parallel_loop3A_404, %parallel_loop3A_412 : vector<16xf32>
        %parallel_loop3A_416 = arith.constant 0.000000e+00 : f32
        %parallel_loop3A_417 = vector.broadcast %parallel_loop3A_416 : f32 to vector<16xf32>
        %parallel_loop3A_418 = arith.maximumf %parallel_loop3A_415, %parallel_loop3A_417 : vector<16xf32>
        %parallel_loop3A_419 = arith.subf %parallel_loop3A_406, %parallel_loop3A_414 : vector<16xf32>
        %parallel_loop3A_420 = arith.constant 0.000000e+00 : f32
        %parallel_loop3A_421 = vector.broadcast %parallel_loop3A_420 : f32 to vector<16xf32>
        %parallel_loop3A_422 = arith.maximumf %parallel_loop3A_419, %parallel_loop3A_421 : vector<16xf32>
        %parallel_loop3A_423 = arith.index_cast %parallel_loop3A_248 : i32 to index
        %parallel_loop3A_424 = arith.constant 96 : index
        %parallel_loop3A_425 = tpu.vector_load %arg20[%parallel_loop3A_423, %parallel_loop3A_424] {strides = array<i32>} : memref<40x128xf32, #tpu.memory_space<vmem>>, vector<1x16xf32>,
        %parallel_loop3A_426 = vector.shape_cast %parallel_loop3A_425 : vector<1x16xf32> to vector<16xf32>
        %parallel_loop3A_427 = vector.shape_cast %parallel_loop3A_418 : vector<16xf32> to vector<1x16xf32>
        tpu.vector_store %arg20[%parallel_loop3A_423, %parallel_loop3A_424], %parallel_loop3A_427 {strides = array<i32>} : memref<40x128xf32, #tpu.memory_space<vmem>>, vector<1x16xf32>,
        %parallel_loop3A_428 = arith.index_cast %parallel_loop3A_248 : i32 to index
        %parallel_loop3A_429 = arith.constant 112 : index
        %parallel_loop3A_430 = tpu.vector_load %arg20[%parallel_loop3A_428, %parallel_loop3A_429] {strides = array<i32>} : memref<40x128xf32, #tpu.memory_space<vmem>>, vector<1x16xf32>,
        %parallel_loop3A_431 = vector.shape_cast %parallel_loop3A_430 : vector<1x16xf32> to vector<16xf32>
        %parallel_loop3A_432 = vector.shape_cast %parallel_loop3A_422 : vector<16xf32> to vector<1x16xf32>
        tpu.vector_store %arg20[%parallel_loop3A_428, %parallel_loop3A_429], %parallel_loop3A_432 {strides = array<i32>} : memref<40x128xf32, #tpu.memory_space<vmem>>, vector<1x16xf32>,
        %parallel_loop3A_433 = arith.constant 0.000000e+00 : f32
        %parallel_loop3A_434 = vector.broadcast %parallel_loop3A_433 : f32 to vector<16xf32>
        %parallel_loop3A_435 = arith.subf %parallel_loop3A_434, %parallel_loop3A_418 : vector<16xf32>
        %parallel_loop3A_436 = arith.index_cast %parallel_loop3A_248 : i32 to index
        %parallel_loop3A_437 = arith.constant 96 : index
        %parallel_loop3A_438 = tpu.vector_load %arg21[%parallel_loop3A_436, %parallel_loop3A_437] {strides = array<i32>} : memref<40x128xf32, #tpu.memory_space<vmem>>, vector<1x16xf32>,
        %parallel_loop3A_439 = vector.shape_cast %parallel_loop3A_438 : vector<1x16xf32> to vector<16xf32>
        %parallel_loop3A_440 = vector.shape_cast %parallel_loop3A_435 : vector<16xf32> to vector<1x16xf32>
        tpu.vector_store %arg21[%parallel_loop3A_436, %parallel_loop3A_437], %parallel_loop3A_440 {strides = array<i32>} : memref<40x128xf32, #tpu.memory_space<vmem>>, vector<1x16xf32>,
        %parallel_loop3A_441 = arith.constant 0.000000e+00 : f32
        %parallel_loop3A_442 = vector.broadcast %parallel_loop3A_441 : f32 to vector<16xf32>
        %parallel_loop3A_443 = arith.subf %parallel_loop3A_442, %parallel_loop3A_422 : vector<16xf32>
        %parallel_loop3A_444 = arith.index_cast %parallel_loop3A_248 : i32 to index
        %parallel_loop3A_445 = arith.constant 112 : index
        %parallel_loop3A_446 = tpu.vector_load %arg21[%parallel_loop3A_444, %parallel_loop3A_445] {strides = array<i32>} : memref<40x128xf32, #tpu.memory_space<vmem>>, vector<1x16xf32>,
        %parallel_loop3A_447 = vector.shape_cast %parallel_loop3A_446 : vector<1x16xf32> to vector<16xf32>
        %parallel_loop3A_448 = vector.shape_cast %parallel_loop3A_443 : vector<16xf32> to vector<1x16xf32>
        tpu.vector_store %arg21[%parallel_loop3A_444, %parallel_loop3A_445], %parallel_loop3A_448 {strides = array<i32>} : memref<40x128xf32, #tpu.memory_space<vmem>>, vector<1x16xf32>,
      } {sc.loop_unroll_factor = 8 : i64, sc.parallel_access}
      %dma_start3A_239 = arith.constant 0 : i32
      %dma_start3A_240 = arith.constant 0 : i32
      %dma_start3A_241 = tpu.memref_slice %arg23[%dma_start3A_239, %dma_start3A_240] : memref<10000x128xf32, #tpu.memory_space<vmem_shared>> -> memref<10000x128xf32, #tpu.memory_space<vmem_shared>>
      tpu.enqueue_indirect_dma source(%arg20 : memref<40x128xf32, #tpu.memory_space<vmem>>) target(%dma_start3A_241 : memref<10000x128xf32, #tpu.memory_space<vmem_shared>>) offsets(%arg12 : memref<40xi32, #tpu.memory_space<vmem>>) semaphore(%arg29 : memref<!tpu.dma_semaphore, #tpu.memory_space<semaphore_mem>>) {add = true}
      %dma_start3A_242 = arith.constant 0 : i32
      %dma_start3A_243 = arith.constant 0 : i32
      %dma_start3A_244 = tpu.memref_slice %arg23[%dma_start3A_242, %dma_start3A_243] : memref<10000x128xf32, #tpu.memory_space<vmem_shared>> -> memref<10000x128xf32, #tpu.memory_space<vmem_shared>>
      tpu.enqueue_indirect_dma source(%arg21 : memref<40x128xf32, #tpu.memory_space<vmem>>) target(%dma_start3A_244 : memref<10000x128xf32, #tpu.memory_space<vmem_shared>>) offsets(%arg13 : memref<40xi32, #tpu.memory_space<vmem>>) semaphore(%arg29 : memref<!tpu.dma_semaphore, #tpu.memory_space<semaphore_mem>>) {add = true}
      %convert_element_type3A_245 = arith.extui %lt3A_115 : i1 to i32
      %cond3A_246 = arith.constant 0 : i32
      %cond3A_247 = arith.cmpi ne, %convert_element_type3A_245, %cond3A_246 : i32
      scf.if %cond3A_247 {
        %dma_wait3A_248 = arith.constant 0 : i32
        %dma_wait3A_249 = tpu.memref_slice %arg3[%dma_wait3A_248] : memref<320000xi32, #tpu.memory_space<hbm>> -> memref<40xi32, #tpu.memory_space<hbm>>
        %dma_wait3A_250 = arith.constant 0 : i32
        %dma_wait3A_251 = tpu.memref_slice %arg3[%dma_wait3A_250] : memref<320000xi32, #tpu.memory_space<hbm>> -> memref<40xi32, #tpu.memory_space<hbm>>
        tpu.wait_dma2 semaphore(%arg27 : memref<!tpu.dma_semaphore, #tpu.memory_space<semaphore_mem>>) src(%dma_wait3A_251 : memref<40xi32, #tpu.memory_space<hbm>>) dst(%arg8 : memref<40xi32, #tpu.memory_space<vmem>>)
        %dma_wait3A_252 = arith.constant 0 : i32
        %dma_wait3A_253 = tpu.memref_slice %arg4[%dma_wait3A_252] : memref<320000xi32, #tpu.memory_space<hbm>> -> memref<40xi32, #tpu.memory_space<hbm>>
        %dma_wait3A_254 = arith.constant 0 : i32
        %dma_wait3A_255 = tpu.memref_slice %arg4[%dma_wait3A_254] : memref<320000xi32, #tpu.memory_space<hbm>> -> memref<40xi32, #tpu.memory_space<hbm>>
        tpu.wait_dma2 semaphore(%arg27 : memref<!tpu.dma_semaphore, #tpu.memory_space<semaphore_mem>>) src(%dma_wait3A_255 : memref<40xi32, #tpu.memory_space<hbm>>) dst(%arg9 : memref<40xi32, #tpu.memory_space<vmem>>)
        %dma_start3A_256 = arith.constant 0 : i32
        %dma_start3A_257 = arith.constant 0 : i32
        %dma_start3A_258 = tpu.memref_slice %arg2[%dma_start3A_256, %dma_start3A_257] : memref<10000x64xi32, #tpu.memory_space<hbm>> -> memref<10000x64xi32, #tpu.memory_space<hbm>>
        tpu.enqueue_indirect_dma source(%dma_start3A_258 : memref<10000x64xi32, #tpu.memory_space<hbm>>) target(%arg16 : memref<40x64xi32, #tpu.memory_space<vmem>>) offsets(%arg8 : memref<40xi32, #tpu.memory_space<vmem>>) semaphore(%arg25 : memref<!tpu.dma_semaphore, #tpu.memory_space<semaphore_mem>>)
        %dma_start3A_259 = arith.constant 0 : i32
        %dma_start3A_260 = arith.constant 0 : i32
        %dma_start3A_261 = tpu.memref_slice %arg2[%dma_start3A_259, %dma_start3A_260] : memref<10000x64xi32, #tpu.memory_space<hbm>> -> memref<10000x64xi32, #tpu.memory_space<hbm>>
        tpu.enqueue_indirect_dma source(%dma_start3A_261 : memref<10000x64xi32, #tpu.memory_space<hbm>>) target(%arg17 : memref<40x64xi32, #tpu.memory_space<vmem>>) offsets(%arg9 : memref<40xi32, #tpu.memory_space<vmem>>) semaphore(%arg25 : memref<!tpu.dma_semaphore, #tpu.memory_space<semaphore_mem>>)
      } else {
      }
    }
    %scan3A_86 = arith.constant 125 : i32
    %dma_wait3A = arith.constant 0 : i32
    %dma_wait3A_87 = arith.constant 0 : i32
    %dma_wait3A_88 = tpu.memref_slice %arg23[%dma_wait3A, %dma_wait3A_87] : memref<10000x128xf32, #tpu.memory_space<vmem_shared>> -> memref<10000x128xf32, #tpu.memory_space<vmem_shared>>
    tpu.wait_indirect_dma semaphore(%arg28 : memref<!tpu.dma_semaphore, #tpu.memory_space<semaphore_mem>>) src(%arg18 : memref<40x128xf32, #tpu.memory_space<vmem>>) dst(%dma_wait3A_88 : memref<10000x128xf32, #tpu.memory_space<vmem_shared>>)
    %dma_wait3A_89 = arith.constant 0 : i32
    %dma_wait3A_90 = arith.constant 0 : i32
    %dma_wait3A_91 = tpu.memref_slice %arg23[%dma_wait3A_89, %dma_wait3A_90] : memref<10000x128xf32, #tpu.memory_space<vmem_shared>> -> memref<10000x128xf32, #tpu.memory_space<vmem_shared>>
    tpu.wait_indirect_dma semaphore(%arg28 : memref<!tpu.dma_semaphore, #tpu.memory_space<semaphore_mem>>) src(%arg19 : memref<40x128xf32, #tpu.memory_space<vmem>>) dst(%dma_wait3A_91 : memref<10000x128xf32, #tpu.memory_space<vmem_shared>>)
    %dma_wait3A_92 = arith.constant 0 : i32
    %dma_wait3A_93 = arith.constant 0 : i32
    %dma_wait3A_94 = tpu.memref_slice %arg23[%dma_wait3A_92, %dma_wait3A_93] : memref<10000x128xf32, #tpu.memory_space<vmem_shared>> -> memref<10000x128xf32, #tpu.memory_space<vmem_shared>>
    tpu.wait_indirect_dma semaphore(%arg29 : memref<!tpu.dma_semaphore, #tpu.memory_space<semaphore_mem>>) src(%arg20 : memref<40x128xf32, #tpu.memory_space<vmem>>) dst(%dma_wait3A_94 : memref<10000x128xf32, #tpu.memory_space<vmem_shared>>)
    %dma_wait3A_95 = arith.constant 0 : i32
    %dma_wait3A_96 = arith.constant 0 : i32
    %dma_wait3A_97 = tpu.memref_slice %arg23[%dma_wait3A_95, %dma_wait3A_96] : memref<10000x128xf32, #tpu.memory_space<vmem_shared>> -> memref<10000x128xf32, #tpu.memory_space<vmem_shared>>
    tpu.wait_indirect_dma semaphore(%arg29 : memref<!tpu.dma_semaphore, #tpu.memory_space<semaphore_mem>>) src(%arg21 : memref<40x128xf32, #tpu.memory_space<vmem>>) dst(%dma_wait3A_97 : memref<10000x128xf32, #tpu.memory_space<vmem_shared>>)
    %barrier3A_98 = arith.constant 0 : index
    tpu.barrier barrier_id(%barrier3A_98)
    %mul3A_99 = arith.constant 624 : i32
    %mul3A_100 = arith.muli %arg1, %mul3A_99 : i32
    %mul3A_101 = arith.constant 624 : i32
    %mul3A_102 = arith.muli %arg1, %mul3A_101 : i32
    "tpu.region"() ({
      %run_scoped3A = tpu.sem_alloc : memref<!tpu.dma_semaphore, #tpu.memory_space<semaphore_mem>>
      %dma_start3A_108 = arith.constant 0 : i32
      %dma_start3A_109 = tpu.memref_slice %arg5[%arg0, %mul3A_102, %dma_start3A_108] : memref<2x10000x128xf32, #tpu.memory_space<hbm>> -> memref<1x624x128xf32, #tpu.memory_space<hbm>>
      %dma_start3A_110 = tpu.memref_squeeze %dma_start3A_109 : memref<1x624x128xf32, #tpu.memory_space<hbm>> -> memref<624x128xf32, #tpu.memory_space<hbm>>
      %dma_start3A_111 = arith.constant 0 : i32
      %dma_start3A_112 = tpu.memref_slice %arg23[%mul3A_100, %dma_start3A_111] : memref<10000x128xf32, #tpu.memory_space<vmem_shared>> -> memref<624x128xf32, #tpu.memory_space<vmem_shared>>
      tpu.enqueue_dma source(%dma_start3A_112 : memref<624x128xf32, #tpu.memory_space<vmem_shared>>) target(%dma_start3A_110 : memref<624x128xf32, #tpu.memory_space<hbm>>) target_semaphore(%run_scoped3A : memref<!tpu.dma_semaphore, #tpu.memory_space<semaphore_mem>>)
      %dma_wait3A_113 = arith.constant 0 : i32
      %dma_wait3A_114 = tpu.memref_slice %arg5[%arg0, %mul3A_102, %dma_wait3A_113] : memref<2x10000x128xf32, #tpu.memory_space<hbm>> -> memref<1x624x128xf32, #tpu.memory_space<hbm>>
      %dma_wait3A_115 = tpu.memref_squeeze %dma_wait3A_114 : memref<1x624x128xf32, #tpu.memory_space<hbm>> -> memref<624x128xf32, #tpu.memory_space<hbm>>
      %dma_wait3A_116 = arith.constant 0 : i32
      %dma_wait3A_117 = tpu.memref_slice %arg23[%mul3A_100, %dma_wait3A_116] : memref<10000x128xf32, #tpu.memory_space<vmem_shared>> -> memref<624x128xf32, #tpu.memory_space<vmem_shared>>
      tpu.wait_dma2 semaphore(%run_scoped3A : memref<!tpu.dma_semaphore, #tpu.memory_space<semaphore_mem>>) src(%dma_wait3A_117 : memref<624x128xf32, #tpu.memory_space<vmem_shared>>) dst(%dma_wait3A_115 : memref<624x128xf32, #tpu.memory_space<hbm>>)
      tpu.yield
    }) : () -> ()
    %eq3A_103 = arith.constant 15 : i32
    %eq3A_104 = arith.cmpi eq, %arg1, %eq3A_103 : i32
    %convert_element_type3A_105 = arith.extui %eq3A_104 : i1 to i32
    %cond3A_106 = arith.constant 0 : i32
    %cond3A_107 = arith.cmpi ne, %convert_element_type3A_105, %cond3A_106 : i32
    scf.if %cond3A_107 {
      "tpu.region"() ({
        %run_scoped3A = tpu.sem_alloc : memref<!tpu.dma_semaphore, #tpu.memory_space<semaphore_mem>>
        %dma_start3A_108 = arith.constant 9984 : i32
        %dma_start3A_109 = arith.constant 0 : i32
        %dma_start3A_110 = tpu.memref_slice %arg5[%arg0, %dma_start3A_108, %dma_start3A_109] : memref<2x10000x128xf32, #tpu.memory_space<hbm>> -> memref<1x16x128xf32, #tpu.memory_space<hbm>>
        %dma_start3A_111 = tpu.memref_squeeze %dma_start3A_110 : memref<1x16x128xf32, #tpu.memory_space<hbm>> -> memref<16x128xf32, #tpu.memory_space<hbm>>
        %dma_start3A_112 = arith.constant 9984 : i32
        %dma_start3A_113 = arith.constant 0 : i32
        %dma_start3A_114 = tpu.memref_slice %arg23[%dma_start3A_112, %dma_start3A_113] : memref<10000x128xf32, #tpu.memory_space<vmem_shared>> -> memref<16x128xf32, #tpu.memory_space<vmem_shared>>
        tpu.enqueue_dma source(%dma_start3A_114 : memref<16x128xf32, #tpu.memory_space<vmem_shared>>) target(%dma_start3A_111 : memref<16x128xf32, #tpu.memory_space<hbm>>) target_semaphore(%run_scoped3A : memref<!tpu.dma_semaphore, #tpu.memory_space<semaphore_mem>>)
        %dma_wait3A_115 = arith.constant 9984 : i32
        %dma_wait3A_116 = arith.constant 0 : i32
        %dma_wait3A_117 = tpu.memref_slice %arg5[%arg0, %dma_wait3A_115, %dma_wait3A_116] : memref<2x10000x128xf32, #tpu.memory_space<hbm>> -> memref<1x16x128xf32, #tpu.memory_space<hbm>>
        %dma_wait3A_118 = tpu.memref_squeeze %dma_wait3A_117 : memref<1x16x128xf32, #tpu.memory_space<hbm>> -> memref<16x128xf32, #tpu.memory_space<hbm>>
        %dma_wait3A_119 = arith.constant 9984 : i32
        %dma_wait3A_120 = arith.constant 0 : i32
        %dma_wait3A_121 = tpu.memref_slice %arg23[%dma_wait3A_119, %dma_wait3A_120] : memref<10000x128xf32, #tpu.memory_space<vmem_shared>> -> memref<16x128xf32, #tpu.memory_space<vmem_shared>>
        tpu.wait_dma2 semaphore(%run_scoped3A : memref<!tpu.dma_semaphore, #tpu.memory_space<semaphore_mem>>) src(%dma_wait3A_121 : memref<16x128xf32, #tpu.memory_space<vmem_shared>>) dst(%dma_wait3A_118 : memref<16x128xf32, #tpu.memory_space<hbm>>)
        tpu.yield
      }) : () -> ()
    } else {
    }
    return
  }
}

module attributes {stable_mosaic.version = 14 : i64} {
  func.func @_pre_body(%arg0: i32, %arg1: memref<2000x128xf32, #tpu.memory_space<vmem>>, %arg2: memref<2000x128xf32, #tpu.memory_space<vmem>>, %arg3: memref<2000x1xf32, #tpu.memory_space<vmem>>, %arg4: memref<128x128xf32, #tpu.memory_space<vmem>>, %arg5: memref<2000x128xbf16, #tpu.memory_space<vmem>>) attributes {dimension_semantics = [#tpu.dimension_semantics<arbitrary>], iteration_bounds = array<i64: 5>, scalar_prefetch = 0 : i64, scratch_operands = 0 : i64, tpu.core_type = #tpu.core_type<tc>, window_params = [{transform_indices = @transform_0, window_bounds = array<i64: 2000, 128>}, {transform_indices = @transform_1, window_bounds = array<i64: 2000, 128>}, {transform_indices = @transform_2, window_bounds = array<i64: 2000, 1>}, {pipeline_mode = #tpu.pipeline_mode<synchronous>, transform_indices = @transform_3, window_bounds = array<i64: 128, 128>}, {transform_indices = @transform_4, window_bounds = array<i64: 2000, 128>}]} {
    %get3A = arith.constant 0 : index
    %get3A_0 = arith.constant 0 : index
    %get3A_1 = vector.load %arg1[%get3A, %get3A_0] : memref<2000x128xf32, #tpu.memory_space<vmem>>, vector<2000x128xf32>
    %get3A_2 = arith.constant 0 : index
    %get3A_3 = arith.constant 0 : index
    %get3A_4 = vector.load %arg2[%get3A_2, %get3A_3] : memref<2000x128xf32, #tpu.memory_space<vmem>>, vector<2000x128xf32>
    %add3A = arith.addf %get3A_1, %get3A_4 : vector<2000x128xf32>
    %get3A_5 = arith.constant 0 : index
    %get3A_6 = arith.constant 0 : index
    %get3A_7 = vector.load %arg4[%get3A_5, %get3A_6] : memref<128x128xf32, #tpu.memory_space<vmem>>, vector<128x128xf32>
    %dot_general3A = arith.constant dense<0.000000e+00> : vector<2000x128xf32>
    %dot_general3A_8 = tpu.matmul %add3A, %get3A_7, %dot_general3A {dimension_numbers = #tpu.dot_dimension_numbers<[1], [0], [0], [1], [0, 0, 1, 1], [], []>, transpose_lhs_hint = false} : vector<2000x128xf32>, vector<128x128xf32>, vector<2000x128xf32> -> vector<2000x128xf32>
    %get3A_9 = arith.constant 0 : index
    %get3A_10 = arith.constant 0 : index
    %get3A_11 = vector.load %arg3[%get3A_9, %get3A_10] : memref<2000x1xf32, #tpu.memory_space<vmem>>, vector<2000x1xf32>
    %mul3A = vector.broadcast %get3A_11 : vector<2000x1xf32> to vector<2000x128xf32>
    %mul3A_12 = arith.mulf %mul3A, %dot_general3A_8 : vector<2000x128xf32>
    %convert_element_type3A = arith.truncf %mul3A_12 : vector<2000x128xf32> to vector<2000x128xbf16>
    %swap3A = arith.constant 0 : index
    %swap3A_13 = arith.constant 0 : index
    %swap3A_14 = vector.load %arg5[%swap3A, %swap3A_13] : memref<2000x128xbf16, #tpu.memory_space<vmem>>, vector<2000x128xbf16>
    tpu.vector_store %arg5[%swap3A, %swap3A_13], %convert_element_type3A {strides = array<i32>} : memref<2000x128xbf16, #tpu.memory_space<vmem>>, vector<2000x128xbf16>,
    return
  }
  func.func @transform_0(%arg0: i32) -> (i32, i32) {
    %c0_i32 = arith.constant 0 : i32
    %c0_i32_0 = arith.constant 0 : i32
    return %arg0, %c0_i32 : i32, i32
  }
  func.func @transform_1(%arg0: i32) -> (i32, i32) {
    %c0_i32 = arith.constant 0 : i32
    %c0_i32_0 = arith.constant 0 : i32
    return %arg0, %c0_i32 : i32, i32
  }
  func.func @transform_2(%arg0: i32) -> (i32, i32) {
    %c0_i32 = arith.constant 0 : i32
    %c0_i32_0 = arith.constant 0 : i32
    return %arg0, %c0_i32 : i32, i32
  }
  func.func @transform_3(%arg0: i32) -> (i32, i32) {
    %c0_i32 = arith.constant 0 : i32
    %c0_i32_0 = arith.constant 0 : i32
    %c0_i32_1 = arith.constant 0 : i32
    return %c0_i32, %c0_i32_0 : i32, i32
  }
  func.func @transform_4(%arg0: i32) -> (i32, i32) {
    %c0_i32 = arith.constant 0 : i32
    %c0_i32_0 = arith.constant 0 : i32
    return %arg0, %c0_i32 : i32, i32
  }
}

module attributes {stable_mosaic.version = 14 : i64} {
  func.func @_post_body(%arg0: i32, %arg1: memref<2000x128xf32, #tpu.memory_space<vmem>>, %arg2: memref<2000x1xf32, #tpu.memory_space<vmem>>, %arg3: memref<2x2000x128xf32, #tpu.memory_space<vmem>>, %arg4: memref<128x128xf32, #tpu.memory_space<vmem>>, %arg5: memref<2000x128xf32, #tpu.memory_space<vmem>>) attributes {dimension_semantics = [#tpu.dimension_semantics<arbitrary>], iteration_bounds = array<i64: 5>, scalar_prefetch = 0 : i64, scratch_operands = 0 : i64, tpu.core_type = #tpu.core_type<tc>, window_params = [{transform_indices = @transform_0, window_bounds = array<i64: 2000, 128>}, {transform_indices = @transform_1, window_bounds = array<i64: 2000, 1>}, {transform_indices = @transform_2, window_bounds = array<i64: 2, 2000, 128>}, {pipeline_mode = #tpu.pipeline_mode<synchronous>, transform_indices = @transform_3, window_bounds = array<i64: 128, 128>}, {transform_indices = @transform_4, window_bounds = array<i64: 2000, 128>}]} {
    %get3A = arith.constant 0 : index
    %get3A_0 = arith.constant 0 : index
    %get3A_1 = vector.load %arg2[%get3A, %get3A_0] : memref<2000x1xf32, #tpu.memory_space<vmem>>, vector<2000x1xf32>
    %get3A_2 = arith.constant 0 : index
    %get3A_3 = arith.constant 0 : index
    %get3A_4 = arith.constant 0 : index
    %get3A_5 = vector.load %arg3[%get3A_2, %get3A_3, %get3A_4] : memref<2x2000x128xf32, #tpu.memory_space<vmem>>, vector<1x2000x128xf32>
    %get3A_6 = vector.shape_cast %get3A_5 : vector<1x2000x128xf32> to vector<2000x128xf32>
    %get3A_7 = arith.constant 1 : index
    %get3A_8 = arith.constant 0 : index
    %get3A_9 = arith.constant 0 : index
    %get3A_10 = vector.load %arg3[%get3A_7, %get3A_8, %get3A_9] : memref<2x2000x128xf32, #tpu.memory_space<vmem>>, vector<1x2000x128xf32>
    %get3A_11 = vector.shape_cast %get3A_10 : vector<1x2000x128xf32> to vector<2000x128xf32>
    %add3A = arith.addf %get3A_6, %get3A_11 : vector<2000x128xf32>
    %mul3A = vector.broadcast %get3A_1 : vector<2000x1xf32> to vector<2000x128xf32>
    %mul3A_12 = arith.mulf %mul3A, %add3A : vector<2000x128xf32>
    %get3A_13 = arith.constant 0 : index
    %get3A_14 = arith.constant 0 : index
    %get3A_15 = vector.load %arg4[%get3A_13, %get3A_14] : memref<128x128xf32, #tpu.memory_space<vmem>>, vector<128x128xf32>
    %dot_general3A = arith.constant dense<0.000000e+00> : vector<2000x128xf32>
    %dot_general3A_16 = tpu.matmul %mul3A_12, %get3A_15, %dot_general3A {dimension_numbers = #tpu.dot_dimension_numbers<[1], [0], [0], [1], [0, 0, 1, 1], [], []>, transpose_lhs_hint = false} : vector<2000x128xf32>, vector<128x128xf32>, vector<2000x128xf32> -> vector<2000x128xf32>
    %get3A_17 = arith.constant 0 : index
    %get3A_18 = arith.constant 0 : index
    %get3A_19 = vector.load %arg1[%get3A_17, %get3A_18] : memref<2000x128xf32, #tpu.memory_space<vmem>>, vector<2000x128xf32>
    %mul3A_20 = arith.constant 5.000000e-01 : f32
    %mul3A_21 = vector.broadcast %mul3A_20 : f32 to vector<2000x128xf32>
    %mul3A_22 = arith.mulf %mul3A_21, %get3A_19 : vector<2000x128xf32>
    %mul3A_23 = arith.constant 5.000000e-01 : f32
    %mul3A_24 = vector.broadcast %mul3A_23 : f32 to vector<2000x128xf32>
    %mul3A_25 = arith.mulf %mul3A_24, %dot_general3A_16 : vector<2000x128xf32>
    %sub3A = arith.subf %mul3A_22, %mul3A_25 : vector<2000x128xf32>
    %swap3A = arith.constant 0 : index
    %swap3A_26 = arith.constant 0 : index
    %swap3A_27 = vector.load %arg5[%swap3A, %swap3A_26] : memref<2000x128xf32, #tpu.memory_space<vmem>>, vector<2000x128xf32>
    tpu.vector_store %arg5[%swap3A, %swap3A_26], %sub3A {strides = array<i32>} : memref<2000x128xf32, #tpu.memory_space<vmem>>, vector<2000x128xf32>,
    return
  }
  func.func @transform_0(%arg0: i32) -> (i32, i32) {
    %c0_i32 = arith.constant 0 : i32
    %c0_i32_0 = arith.constant 0 : i32
    return %arg0, %c0_i32 : i32, i32
  }
  func.func @transform_1(%arg0: i32) -> (i32, i32) {
    %c0_i32 = arith.constant 0 : i32
    %c0_i32_0 = arith.constant 0 : i32
    return %arg0, %c0_i32 : i32, i32
  }
  func.func @transform_2(%arg0: i32) -> (i32, i32, i32) {
    %c0_i32 = arith.constant 0 : i32
    %c0_i32_0 = arith.constant 0 : i32
    %c0_i32_1 = arith.constant 0 : i32
    return %c0_i32, %arg0, %c0_i32_0 : i32, i32, i32
  }
  func.func @transform_3(%arg0: i32) -> (i32, i32) {
    %c0_i32 = arith.constant 0 : i32
    %c0_i32_0 = arith.constant 0 : i32
    %c0_i32_1 = arith.constant 0 : i32
    return %c0_i32, %c0_i32_0 : i32, i32
  }
  func.func @transform_4(%arg0: i32) -> (i32, i32) {
    %c0_i32 = arith.constant 0 : i32
    %c0_i32_0 = arith.constant 0 : i32
    return %arg0, %c0_i32 : i32, i32
  }
}

</mosaic_0001>

<sc_bundles>
// kernel: kernel.5.cloned.1.call-start
scs
__scs_entry_jumppad:
0x0: {  	(pc) =	sbr.rel $0x88, $3  }
0x1: {  	(tag) =	ssettag $0x0;
	lr =	simm.s32 $0x1  }
0x2: {  	[smem:$0x3F9C] =	sst lr;
	_ =	strace $0xD0000000  }
0x3: {  	_ = 	snop  }
0x4: {  	_ = 	snop  }
0x5: {  	_ = 	snop  }
0x6: {  	_ = 	snop  }
0x7: {  	_ = 	snop  }
__scs_overlays_trampoline_lowered:
0x8: {  	[smem:$0x3FAB] =	sst s0  }
0x9: {  	[smem:$0x3FAC] =	sst s1  }
0xa: {  	[smem:$0x3FAD] =	sst s2  }
0xb: {  	[smem:$0x3FAE] =	sst s3  }
0xc: {  	[smem:$0x3FAF] =	sst s4  }
0xd: {  	[smem:$0x3FB0] =	sst s5  }
0xe: {  	[smem:$0x3FB1] =	sst s6  }
0xf: {  	[smem:$0x3FB2] =	sst s7  }
0x10: {  	[smem:$0x3FB3] =	sst s8  }
0x11: {  	[smem:$0x3FB4] =	sst s9;
	s0 =	simm.s32 @!p0 $0x0  }
0x12: {  	s1 =	sld [smem:$0x3F9A];
	s0 =	simm.s32 @p0 $0x1  }
0x13: {  	[smem:$0x3FB5] =	sst s0;
	s0 =	simm.s32 @!p1 $0x0  }
0x14: {  	s2 =	sld [smem:$0x3F99];
	s0 =	simm.s32 @p1 $0x1  }
0x15: {  	[smem:$0x3FB6] =	sst s0;
	s0 =	simm.s32 @!p2 $0x0  }
0x16: {  	s3 =	sld [smem:$0x3FDB];
	s0 =	simm.s32 @p2 $0x1  }
0x17: {  	s4 =	simm.s32 $0x1BF5;
	[smem:$0x3FB8] =	sst s0  }
0x18: {  	s0 =	sld [smem:$0x3F9B];
	_ =	swait.ge [sflag:s4], $0x0  }
0x19: {  	s7 =	sld [smem:$0x3F9C]  }
0x1a: {  	s8 =	sadd.s32 $0xFFFFE003, lr  }
0x1b: {  	s9 =	sadd.s32 $0xFFFFFEF7, lr;
	s5 =	simm.s32 $0xFFFFFFFF;
	p2 =	slt.u32 s8, $0xFFFFF086  }
0x1c: {  	p1 =	slt.u32 s9, $0xF7A;
	s5 =	simm.s32 @!p2 $0x0  }
0x1d: {  	s5 =	simm.s32 @p1 $0x1;
	p0 =	seq.s32 s7, s2  }
0x1e: {  	s7 =	smul.u32 @!p0 $0xF7A, s2;
	p2 =	seq.s32 @!p0 s5, $0x0  }
0x1f: {  	s9 =	smul.u32 $0xF7A, s1;
	s8 =	simm.s32 @!p0 $0x1BF5;
	p2 =	por !p2, p0  }
0x20: {  	[sflag:s8] =	ssyncset.s32 @!p0 $0xFFFFF086;
	s6 =	sadd.s32 @!p0 s3, s7;
	s7 =	simm.s32 @!p0 $0x108  }
0x21: {  	s3 =	sadd.s32 s3, s9;
	s6 =	sadd.s32 @!p0 $0x88, s6;
	s7 =	simm.s32 @p2 $0x1082  }
0x22: {  	[simem:s7], [sflag:s8] =	dma.local @!p0 [hbm:s6], $0xF7A  }
0x23: {  	s9 =	sor.u32 $0xD0000000, s2;
	s6 =	simm.s32 $0x108;
	_ =	swait.ge @!p0 [sflag:s8], $0x0  }
0x24: {  	s3 =	sadd.s32 $0x88, s3;
	s6 =	simm.s32 @!p1 $0x1082;
	[sflag:s4] =	ssyncset.s32 $0xFFFFF086  }
0x25: {  	[simem:s6], [sflag:s4] =	dma.local [hbm:s3], $0xF7A  }
0x26: {  	[smem:$0x3F9C] =	sst s1;
	(tag) =	ssettag s2;
	_ =	strace s9  }
0x27: {  	s1 =	sld [smem:$0x3FAC]  }
0x28: {  	s2 =	sld [smem:$0x3FAD]  }
0x29: {  	s4 =	sld [smem:$0x3FAF]  }
0x2a: {  	p0 =	seq.s32 s5, $0x0;
	s5 =	sld [smem:$0x3FB0]  }
0x2b: {  	s6 =	sld [smem:$0x3FB1]  }
0x2c: {  	s7 =	sld [smem:$0x3FB2]  }
0x2d: {  	s3 =	simm.s32 $0x108;
	s8 =	sld [smem:$0x3FB3]  }
0x2e: {  	s3 =	simm.s32 @!p0 $0x1082;
	s9 =	sld [smem:$0x3FB4]  }
0x2f: {  	lr =	sadd.s32 s0, s3;
	s0 =	sld [smem:$0x3FAB]  }
0x30: {  	s3 =	sld [smem:$0x3FAE]  }
0x31: {  	[smem:$0x3FB7] =	sst s10  }
0x32: {  	s10 =	sld [smem:$0x3FB5];
	_ =	sdelay $0x3  }
0x33: {  	p0 =	seq.s32 s10, $0x1;
	s10 =	sld [smem:$0x3FB7];
	_ =	sdelay $0x3  }
0x34: {  	[smem:$0x3FB7] =	sst s10  }
0x35: {  	s10 =	sld [smem:$0x3FB6];
	_ =	sdelay $0x3  }
0x36: {  	p1 =	seq.s32 s10, $0x1;
	s10 =	sld [smem:$0x3FB7];
	_ =	sdelay $0x3  }
0x37: {  	[smem:$0x3FB7] =	sst s10  }
0x38: {  	s10 =	sld [smem:$0x3FB8]  }
0x39: {  	_ = 	snop;
	(pc) =	sbr.ind lr, $3  }
0x3a: {  	_ = 	snop  }
0x3b: {  	_ = 	snop  }
0x3c: {  	p2 =	seq.s32 s10, $0x1;
	s10 =	sld [smem:$0x3FB7]  }
0x3d: {  	_ =	shalt  }
0x3e: {  	_ =	shalt  }
0x3f: {  	_ =	shalt  }
0x40: {  	_ =	shalt  }
0x41: {  	_ =	shalt  }
0x42: {  	_ =	shalt  }
0x43: {  	_ =	shalt  }
0x44: {  	_ =	shalt  }
0x45: {  	_ =	shalt  }
0x46: {  	_ =	shalt  }
0x47: {  	_ =	shalt  }
0x48: {  	_ =	shalt  }
0x49: {  	_ =	shalt  }
0x4a: {  	_ =	shalt  }
0x4b: {  	_ =	shalt  }
0x4c: {  	_ =	shalt  }
0x4d: {  	_ =	shalt  }
0x4e: {  	_ =	shalt  }
0x4f: {  	_ =	shalt  }
0x50: {  	_ =	shalt  }
0x51: {  	_ =	shalt  }
0x52: {  	_ =	shalt  }
0x53: {  	_ =	shalt  }
0x54: {  	_ =	shalt  }
0x55: {  	_ =	shalt  }
0x56: {  	_ =	shalt  }
0x57: {  	_ =	shalt  }
0x58: {  	_ =	shalt  }
0x59: {  	_ =	shalt  }
0x5a: {  	_ =	shalt  }
0x5b: {  	_ =	shalt  }
0x5c: {  	_ =	shalt  }
0x5d: {  	_ =	shalt  }
0x5e: {  	_ =	shalt  }
0x5f: {  	_ =	shalt  }
0x60: {  	_ =	shalt  }
0x61: {  	_ =	shalt  }
0x62: {  	_ =	shalt  }
0x63: {  	_ =	shalt  }
0x64: {  	_ =	shalt  }
0x65: {  	_ =	shalt  }
0x66: {  	_ =	shalt  }
0x67: {  	_ =	shalt  }
0x68: {  	_ =	shalt  }
0x69: {  	_ =	shalt  }
0x6a: {  	_ =	shalt  }
0x6b: {  	_ =	shalt  }
0x6c: {  	_ =	shalt  }
0x6d: {  	_ =	shalt  }
0x6e: {  	_ =	shalt  }
0x6f: {  	_ =	shalt  }
0x70: {  	_ =	shalt  }
0x71: {  	_ =	shalt  }
0x72: {  	_ =	shalt  }
0x73: {  	_ =	shalt  }
0x74: {  	_ =	shalt  }
0x75: {  	_ =	shalt  }
0x76: {  	_ =	shalt  }
0x77: {  	_ =	shalt  }
0x78: {  	_ =	shalt  }
0x79: {  	_ =	shalt  }
0x7a: {  	_ =	shalt  }
0x7b: {  	_ =	shalt  }
0x7c: {  	_ =	shalt  }
0x7d: {  	_ =	shalt  }
0x7e: {  	_ =	shalt  }
0x7f: {  	_ =	shalt  }
0x80: {  	_ =	shalt  }
0x81: {  	_ =	shalt  }
0x82: {  	_ =	shalt  }
0x83: {  	_ =	shalt  }
0x84: {  	_ =	shalt  }
0x85: {  	_ =	shalt  }
0x86: {  	_ =	shalt  }
0x87: {  	_ =	shalt  }
.Lfunc_end0:
.L_simem_size_0:
called_computation_lowered:
.L_overlay_start_0:
0x88: {  	s2 =	sld [smem:$0x3FD9]  }
0x89: {  	s3 =	sld [smem:$0x3FFE];
	_ =	sdelay $0x1  }
0x8a: {  	s1 =	srdreg.scid  }
0x8b: {  	s0 =	sand.u32 $0x1, s1  }
0x8c: {  	s17 =	sshll.u32 s0, $0xA;
	s2 =	sadd.s32 s3, s2  }
0x8d: {  	s2 =	sadd.s32 s2, s17  }
0x8e: {  	[smem:$0x3FC3] =	sst s2  }
0x8f: {  	_ = 	snop  }
0x90: {  	s2 =	sld [smem:$0x3FD0];
	(tm) =	ssettm $0x1  }
0x91: {  	s18 =	sld [smem:$0x3FFB];
	_ =	sdelay $0x3  }
0x92: {  	_ =	strace s18  }
0x93: {  	s3 =	sld [smem:$0x3FFC];
	_ =	sdelay $0x3  }
0x94: {  	_ =	strace s3  }
0x95: {  	s3 =	sld [smem:$0x3FFD];
	_ =	sdelay $0x3  }
0x96: {  	_ =	strace s3  }
0x97: {  	_ =	strace $0x8FFFFFFF  }
0x98: {  	s19 =	sld [smem:$0x3FDB];
	_ =	sdelay $0x1  }
0x99: {  	s4 =	simm.s32 $_scs_section_size  }
0x9a: {  	s5 =	simm.s32 $_size__tile_overlayer_lowered;
	s6 =	simm.s32 $_tile_overlayer_lowered  }
0x9b: {  	s22 =	simm.s32 $0x1BFF;
	s21 =	sshll.u32 s6, $0x1;
	s3 =	sadd.s32 s4, s19  }
0x9c: {  	s7 =	simm.s32 $0x0;
	s20 =	sshll.u32 s5, $0x1;
	s5 =	sadd.s32 s21, s3  }
0x9d: {  	[timem:s7], [sflag:s22] =	dma.local [hbm:s5], s20  }
0x9e: {  	_ =	swait.ge [sflag:s22], s20  }
0x9f: {  	s4 =	ssub.s32 $0x0, s20;
	[sflag:s22] =	ssyncset.done $0x0  }
0xa0: {  	[sflag:s22] =	ssyncadd.s32 s4;
	_ =	sdelay $0x1  }
0xa1: {  	s23 =	simm.s32 $0x1B8B  }
0xa2: {  	_ =	swait.ge [sflag:s23], $0x1  }
0xa3: {  	[sflag:s23] =	ssyncset.done $0x0  }
0xa4: {  	s25 =	simm.s32 $0x1B8E;
	s24 =	sld [smem:$0x3FFE];
	[sflag:s23] =	ssyncadd.s32 $0xFFFFFFFF  }
0xa5: {  	s26 =	simm.s32 $execute0_lowered;
	[smem:$0x3FD2] =	sst s25  }
0xa6: {  	s5 =	sshll.u32 s26, $0x1;
	_ =	strace $0x80000046;
	[dreg:$0x1] =	wrdreg $0xFFFFFFFF  }
0xa7: {  	s28 =	simm.s32 $_size_execute0_lowered;
	s3 =	sadd.s32 s3, s5;
	[dreg:$0x0] =	wrdreg $0x0  }
0xa8: {  	s5 =	sshll.u32 s28, $0x1;
	[dreg:$0x2] =	wrdreg s3  }
0xa9: {  	[dreg:$0x3] =	wrdreg s5  }
0xaa: {  	[dreg:$0x4] =	wrdreg $0xC0  }
0xab: {  	_ =	task [dreg:s7], $0x5FFFF  }
0xac: {  	[dreg:$0x1] =	wrdreg $0xFFFFFFFF  }
0xad: {  	[dreg:$0x0] =	wrdreg $0x60  }
0xae: {  	[dreg:$0x2] =	wrdreg s2  }
0xaf: {  	[dreg:$0x3] =	wrdreg s24  }
0xb0: {  	[dreg:$0x4] =	wrdreg $0x91400  }
0xb1: {  	[dreg:$0x5] =	wrdreg $0x9  }
0xb2: {  	_ =	task.clear_ibuf [dreg:s7], $0x6FFFF;
	_ =	strace $0x90000046  }
0xb3: {  	s29 =	simm.s32 $0x9;
	_ =	strace $0x80000048  }
0xb4: {  	_ =	swait.ge [sflag:s29], $0x1  }
0xb5: {  	[sflag:s29] =	ssyncadd.s32 $0xFFFFFFFF  }
0xb6: {  	_ =	strace $0x90000048  }
0xb7: {  	_ =	sfence  }
0xb8: {  	s30 =	sld [smem:$0x0];
	_ =	sdelay $0x2  }
0xb9: {  	s31 =	sshll.u32 s1, $0xD;
	s1 =	sshrl.u32 s1, $0x2  }
0xba: {  	s3 =	sand.u32 $0x4000, s31;
	s1 =	sadd.s32 s1, s30  }
0xbb: {  	s0 =	sor.u32 s3, s0;
	s1 =	sshll.u32 s1, $0x11  }
0xbc: {  	s0 =	sor.u32 s1, s0  }
0xbd: {  	s0 =	sadd.s32 $0x8F2B, s0  }
0xbe: {  	[sflag:s0] =	ssyncadd.remote.s32 $0x1  }
0xbf: {  	_ =	sfence.sel $0xFFFF  }
0xc0: {  	[dreg:$0x0] =	wrdreg $0xFFFFFFFF;
	(pc) =	sbr.abs _section_cstart, $3  }
0xc1: {  	[dreg:$0x1] =	wrdreg $0xFFFFFFFF  }
0xc2: {  	_ =	task.clear_ibuf [dreg:s7], $0x2FFFF;
	_ =	strace $0x9FFFFFFF  }
0xc3: {  	(tm) =	ssettm $0x7FFFFFFF  }
tec
execute0_lowered:
.L_overlay_start_1:
0x0: {  	(tag) =	ssettag $0x1  }
0x1: {  	s1 =	rddreg [dreg:$0x0]  }
0x2: {  	s0 =	rddreg [dreg:$0x1]  }
0x3: {  	s2 =	rddreg [dreg:$0x2];
	s11 =	stileid.u32  }
0x4: {  	s3 =	simm.s32 $0x0;
	s4 =	srdreg.scid;
	s8 =	smul.u32 $0x4E000, s11  }
0x5: {  	[smem:$0x7FF] =	sst s3;
	s10 =	smul.u32 $0x13800, s11  }
0x6: {  	s29 =	sadd.s32 $0x138000, s2;
	_ =	strace $0x80000047;
	s8 =	sshrl.u32 s8, $0x2  }
0x7: {  	[dreg:$0x18] =	wrdreg s29;
	s23 =	sadd.s32 s10, s2;
	s8 =	sadd.s32 s8, s2  }
0x8: {  	s5 =	sadd.s32 $0xA000, s0;
	[dreg:$0x4] =	wrdreg s23;
	s12 =	sadd.s32 $0x1800, s8  }
0x9: {  	s4 =	sand.u32 $0x1, s4;
	s31 =	sadd.s32 $0x3000, s8;
	[dreg:$0x5] =	wrdreg s12  }
0xa: {  	s6 =	sadd.s32 $0x200, s0;
	s13 =	sadd.s32 $0x4800, s8;
	[dreg:$0x6] =	wrdreg s31  }
0xb: {  	s0 =	sadd.s32 $0x13E00, s0;
	s14 =	sadd.s32 $0x6000, s8;
	[dreg:$0x7] =	wrdreg s13  }
0xc: {  	s30 =	sshll.u32 s11, $0x1;
	s15 =	sadd.s32 $0x7800, s8;
	[dreg:$0x8] =	wrdreg s14  }
0xd: {  	p0 =	sne.s32 s11, $0xF;
	s16 =	sadd.s32 $0x9000, s8;
	[dreg:$0x9] =	wrdreg s15  }
0xe: {  	s7 =	ssub.s32 $0x2, s4;
	s17 =	sadd.s32 $0xA800, s8;
	[dreg:$0xa] =	wrdreg s16  }
0xf: {  	s9 =	sshrl.u32 s7, $0x1;
	s18 =	sadd.s32 $0xC000, s8;
	[dreg:$0xb] =	wrdreg s17  }
0x10: {  	s7 =	ssub.s32 s7, s9;
	s19 =	sadd.s32 $0xD800, s8;
	[dreg:$0xc] =	wrdreg s18  }
0x11: {  	s9 =	sor.u32 s4, s30;
	s20 =	sadd.s32 $0xF000, s8;
	[dreg:$0xd] =	wrdreg s19  }
0x12: {  	s4 =	smul.u32 $0x138800, s4;
	s21 =	sadd.s32 $0x10800, s8;
	[dreg:$0xe] =	wrdreg s20  }
0x13: {  	s11 =	simm.s32 $0x1F40;
	s8 =	sadd.s32 $0x12000, s8;
	[dreg:$0xf] =	wrdreg s21  }
0x14: {  	s9 =	smul.u32 $0x2710, s9;
	[dreg:$0x10] =	wrdreg s8;
	s22 =	sadd.s32 s10, s4  }
0x15: {  	s4 =	sshrl.u32 s4, $0x3;
	s31 =	smax.u32 s7, $0x1;
	s10 =	simm.s32 $0x1540  }
0x16: {  	s12 =	simm.s32 $0x1;
	s13 =	simm.s32 $0xA0;
	s14 =	simm.s32 $0x2940  }
0x17: {  	s15 =	simm.s32 $0xC8;
	s16 =	simm.s32 $0x3D40;
	s17 =	simm.s32 $0x2  }
0x18: {  	s18 =	simm.s32 $0xF0;
	s19 =	simm.s32 $0x5140;
	s20 =	simm.s32 $0x118  }
0x19: {  	s21 =	simm.s32 $0x6540;
	s24 =	sshrl.u32 s9, $0x3;
	s8 =	sshrl.u32 s22, $0x3  }
0x1a: {  	s25 =	sadd.s32 $0x28, s9;
	[dreg:$0x17] =	wrdreg s31;
	s8 =	sadd.s32 s0, s8  }
0x1b: {  	s0 =	sadd.s32 s0, s4;
	s26 =	sadd.s32 s5, s24;
	s28 =	sadd.s32 s6, s24  }
0x1c: {  	s4 =	sshrl.u32 s25, $0x3;
	s25 =	sadd.s32 $0x50, s9;
	[dreg:$0x11] =	wrdreg s8  }
.Ltmp0:
0x1d: {  	s24 =	simm.s32 $0x4;
	[dreg:$0x12] =	wrdreg s26;
	(pc) =	sbr.rel .LBB2_1-.Ltmp0, $4  }
0x1e: {  	[dreg:$0x13] =	wrdreg s28;
	s30 =	sadd.s32 s5, s4;
	s4 =	sadd.s32 s6, s4  }
0x1f: {  	s26 =	sadd.s32 $0x78, s9;
	s0 =	sadd.s32 $0x27000, s0;
	[dreg:$0x14] =	wrdreg s30  }
0x20: {  	s8 =	simm.s32 $0x50;
	s9 =	simm.s32 $0x78;
	[dreg:$0x15] =	wrdreg s4  }
0x21: {  	v0 =	vimm.f32 $0.0e+00;
	[dreg:$0x16] =	wrdreg s0;
	s0 =	simm.s32 $0x7;
	s4 =	simm.s32 $0x28  }
.LBB2_10:
0x22: {  	s7 =	simm.s32 $0x5  }
0x23: {  	_ =	swait.ge [sflag:s7], $0x1400  }
0x24: {  	[sflag:s7] =	ssyncset.done $0x0  }
0x25: {  	[sflag:s7] =	ssyncadd.s32 $0xFFFFEC00  }
0x26: {  	_ =	swait.ge [sflag:s7], $0x1400  }
0x27: {  	[sflag:s7] =	ssyncset.done $0x0  }
0x28: {  	s28 =	simm.s32 $0x6;
	[sflag:s7] =	ssyncadd.s32 $0xFFFFEC00  }
0x29: {  	_ =	swait.ge [sflag:s28], $0x1400  }
0x2a: {  	[sflag:s28] =	ssyncset.done $0x0  }
0x2b: {  	[sflag:s28] =	ssyncadd.s32 $0xFFFFEC00  }
0x2c: {  	_ =	swait.ge [sflag:s28], $0x1400  }
0x2d: {  	[sflag:s28] =	ssyncset.done $0x0  }
0x2e: {  	[sflag:s28] =	ssyncadd.s32 $0xFFFFEC00  }
0x2f: {  	s30 =	stileid.u32;
	[bflag:$0x0] =	sbarrier.arrive $0xFFFF  }
0x30: {  	s7 =	sshll.u32 s30, $0x6;
	s23 =	rddreg [dreg:$0x4]  }
0x31: {  	s7 =	sor.u32 $0x1C07, s7;
	s28 =	rddreg [dreg:$0x11];
	s22 =	sshrl.u32 s23, $0x3  }
0x32: {  	[hbm:s28], [sflag:s7] =	dma.local [spmem:s22], $0x2700  }
0x33: {  	_ =	swait.ge [sflag:s0], $0x2700  }
0x34: {  	[sflag:s0] =	ssyncset.done $0x0;
	s29 =	rddreg [dreg:$0x18]  }
0x35: {  	s28 =	rddreg [dreg:$0x16];
	[sflag:s0] =	ssyncadd.s32 $0xFFFFD900;
	s22 =	sshrl.u32 @!p0 s29, $0x3  }
0x36: {  	[hbm:s28], [sflag:s7] =	dma.local @!p0 [spmem:s22], $0x100  }
0x37: {  	s7 =	simm.s32 @!p0 $0x7  }
0x38: {  	_ =	swait.ge @!p0 [sflag:s7], $0x100  }
0x39: {  	s3 =	sadd.s32 $0x1, s3;
	s31 =	rddreg [dreg:$0x17]  }
0x3a: {  	p1 =	sne.s32 s3, s31  }
.Ltmp1:
0x3b: {  	_ = 	snop;
	(pc) =	sbr.rel @!p1 .LBB2_11-.Ltmp1, $3  }
0x3c: {  	_ =	sdelay $0x1  }
0x3d: {  	[sflag:s7] =	ssyncset.done @!p0 $0x0  }
0x3e: {  	[sflag:s7] =	ssyncadd.s32 @!p0 $0xFFFFFF00  }
.LBB2_1:
0x3f: {  	s7 =	simm.s32 $0x0;
	s22 =	simm.s32 $0x200  }
.LBB2_2:
0x40: {  	p1 =	sne.s32 s22, $0x5E00;
	[tilespmem:s7+$0x79B0] =	vst v0  }
0x41: {  	[tilespmem:s7+$0x7940] =	vst v0  }
0x42: {  	[tilespmem:s7+$0x7950] =	vst v0  }
.Ltmp2:
0x43: {  	[tilespmem:s7+$0x7960] =	vst v0;
	(pc) =	sbr.rel @p1 .LBB2_2-.Ltmp2, $4  }
0x44: {  	[tilespmem:s7+$0x7970] =	vst v0  }
0x45: {  	[tilespmem:s7+$0x7980] =	vst v0  }
0x46: {  	[tilespmem:s7+$0x7990] =	vst v0  }
0x47: {  	[tilespmem:s7+$0x79A0] =	vst v0;
	s7 =	sshra.s32 s22, $0x2;
	s22 =	sadd.s32 $0x200, s22  }
0x48: {  	[tilespmem:s7+$0x79B0] =	vst v0  }
0x49: {  	[tilespmem:s7+$0x7940] =	vst v0  }
0x4a: {  	[tilespmem:s7+$0x7950] =	vst v0  }
0x4b: {  	[tilespmem:s7+$0x7960] =	vst v0  }
0x4c: {  	[tilespmem:s7+$0x7970] =	vst v0  }
0x4d: {  	[tilespmem:s7+$0x7980] =	vst v0  }
0x4e: {  	[tilespmem:s7+$0x7990] =	vst v0  }
0x4f: {  	[tilespmem:s7+$0x79A0] =	vst v0;
	s22 =	simm.s32 $0x7940  }
0x50: {  	[spmem:s23] =	stream.linear.scatter [tilespmem:s22], [sflag:$0x7], $0x1800, $0x38;
	[tilespmem:$0x1C9C0] =	vst v63  }
0x51: {  	_ =	swait.ge [sflag:s0], $0x1800  }
0x52: {  	[sflag:s0] =	ssyncset.done $0x0  }
0x53: {  	s31 =	rddreg [dreg:$0x5];
	[sflag:s0] =	ssyncadd.s32 $0xFFFFE800  }
0x54: {  	[spmem:s31] =	stream.linear.scatter [tilespmem:s22], [sflag:$0x7], $0x1800, $0x38;
	[tilespmem:$0x1C9C0] =	vst v63  }
0x55: {  	_ =	swait.ge [sflag:s0], $0x1800  }
0x56: {  	[sflag:s0] =	ssyncset.done $0x0  }
0x57: {  	s23 =	rddreg [dreg:$0x6];
	[sflag:s0] =	ssyncadd.s32 $0xFFFFE800  }
0x58: {  	[spmem:s23] =	stream.linear.scatter [tilespmem:s22], [sflag:$0x7], $0x1800, $0x38;
	[tilespmem:$0x1C9C0] =	vst v63  }
0x59: {  	_ =	swait.ge [sflag:s0], $0x1800  }
0x5a: {  	[sflag:s0] =	ssyncset.done $0x0  }
0x5b: {  	s30 =	rddreg [dreg:$0x7];
	[sflag:s0] =	ssyncadd.s32 $0xFFFFE800  }
0x5c: {  	[spmem:s30] =	stream.linear.scatter [tilespmem:s22], [sflag:$0x7], $0x1800, $0x38;
	[tilespmem:$0x1C9C0] =	vst v63  }
0x5d: {  	_ =	swait.ge [sflag:s0], $0x1800  }
0x5e: {  	[sflag:s0] =	ssyncset.done $0x0  }
0x5f: {  	s31 =	rddreg [dreg:$0x8];
	[sflag:s0] =	ssyncadd.s32 $0xFFFFE800  }
0x60: {  	[spmem:s31] =	stream.linear.scatter [tilespmem:s22], [sflag:$0x7], $0x1800, $0x38;
	[tilespmem:$0x1C9C0] =	vst v63  }
0x61: {  	_ =	swait.ge [sflag:s0], $0x1800  }
0x62: {  	[sflag:s0] =	ssyncset.done $0x0  }
0x63: {  	s23 =	rddreg [dreg:$0x9];
	[sflag:s0] =	ssyncadd.s32 $0xFFFFE800  }
0x64: {  	[spmem:s23] =	stream.linear.scatter [tilespmem:s22], [sflag:$0x7], $0x1800, $0x38;
	[tilespmem:$0x1C9C0] =	vst v63  }
0x65: {  	_ =	swait.ge [sflag:s0], $0x1800  }
0x66: {  	[sflag:s0] =	ssyncset.done $0x0  }
0x67: {  	s30 =	rddreg [dreg:$0xa];
	[sflag:s0] =	ssyncadd.s32 $0xFFFFE800  }
0x68: {  	[spmem:s30] =	stream.linear.scatter [tilespmem:s22], [sflag:$0x7], $0x1800, $0x38;
	[tilespmem:$0x1C9C0] =	vst v63  }
0x69: {  	_ =	swait.ge [sflag:s0], $0x1800  }
0x6a: {  	[sflag:s0] =	ssyncset.done $0x0  }
0x6b: {  	s31 =	rddreg [dreg:$0xb];
	[sflag:s0] =	ssyncadd.s32 $0xFFFFE800  }
0x6c: {  	[spmem:s31] =	stream.linear.scatter [tilespmem:s22], [sflag:$0x7], $0x1800, $0x38;
	[tilespmem:$0x1C9C0] =	vst v63  }
0x6d: {  	_ =	swait.ge [sflag:s0], $0x1800  }
0x6e: {  	[sflag:s0] =	ssyncset.done $0x0  }
0x6f: {  	s23 =	rddreg [dreg:$0xc];
	[sflag:s0] =	ssyncadd.s32 $0xFFFFE800  }
0x70: {  	[spmem:s23] =	stream.linear.scatter [tilespmem:s22], [sflag:$0x7], $0x1800, $0x38;
	[tilespmem:$0x1C9C0] =	vst v63  }
0x71: {  	_ =	swait.ge [sflag:s0], $0x1800  }
0x72: {  	[sflag:s0] =	ssyncset.done $0x0  }
0x73: {  	s30 =	rddreg [dreg:$0xd];
	[sflag:s0] =	ssyncadd.s32 $0xFFFFE800  }
0x74: {  	[spmem:s30] =	stream.linear.scatter [tilespmem:s22], [sflag:$0x7], $0x1800, $0x38;
	[tilespmem:$0x1C9C0] =	vst v63  }
0x75: {  	_ =	swait.ge [sflag:s0], $0x1800  }
0x76: {  	[sflag:s0] =	ssyncset.done $0x0  }
0x77: {  	s31 =	rddreg [dreg:$0xe];
	[sflag:s0] =	ssyncadd.s32 $0xFFFFE800  }
0x78: {  	[spmem:s31] =	stream.linear.scatter [tilespmem:s22], [sflag:$0x7], $0x1800, $0x38;
	[tilespmem:$0x1C9C0] =	vst v63  }
0x79: {  	_ =	swait.ge [sflag:s0], $0x1800  }
0x7a: {  	[sflag:s0] =	ssyncset.done $0x0  }
0x7b: {  	s23 =	rddreg [dreg:$0xf];
	[sflag:s0] =	ssyncadd.s32 $0xFFFFE800  }
0x7c: {  	[spmem:s23] =	stream.linear.scatter [tilespmem:s22], [sflag:$0x7], $0x1800, $0x38;
	[tilespmem:$0x1C9C0] =	vst v63  }
0x7d: {  	_ =	swait.ge [sflag:s0], $0x1800  }
0x7e: {  	[sflag:s0] =	ssyncset.done $0x0  }
0x7f: {  	s30 =	rddreg [dreg:$0x10];
	[sflag:s0] =	ssyncadd.s32 $0xFFFFE800  }
0x80: {  	[spmem:s30] =	stream.linear.scatter [tilespmem:s22], [sflag:$0x7], $0x1800, $0x38;
	[tilespmem:$0x1C9C0] =	vst v63  }
0x81: {  	_ =	swait.ge [sflag:s0], $0x1800  }
0x82: {  	[sflag:s0] =	ssyncset.done $0x0  }
0x83: {  	s7 =	simm.s32 @!p0 $0x7940;
	[sflag:s0] =	ssyncadd.s32 $0xFFFFE800  }
0x84: {  	[spmem:s29] =	stream.linear.scatter @!p0 [tilespmem:s7], [sflag:$0x7], $0x800, $0x38;
	[tilespmem:$0x1C9C0] =	vst v63  }
0x85: {  	s7 =	simm.s32 @!p0 $0x7  }
0x86: {  	_ =	swait.ge @!p0 [sflag:s7], $0x800  }
0x87: {  	[sflag:s7] =	ssyncset.done @!p0 $0x0  }
0x88: {  	[sflag:s7] =	ssyncadd.s32 @!p0 $0xFFFFF800  }
0x89: {  	[bflag:$0x0] =	sbarrier.arrive $0xFFFF  }
0x8a: {  	s28 =	simm.s32 $0x0;
	s31 =	rddreg [dreg:$0x12]  }
0x8b: {  	[tilespmem:s28], [sflag:$0x7] =	stream.linear.gather [hbm4b:s31+s28], $0x28, $0x38;
	[tilespmem:$0x1C9C0] =	vst v63  }
0x8c: {  	_ =	swait.ge [sflag:s0], $0x28  }
0x8d: {  	[sflag:s0] =	ssyncset.done $0x0  }
0x8e: {  	s22 =	rddreg [dreg:$0x13];
	[sflag:s0] =	ssyncadd.s32 $0xFFFFFFD8  }
0x8f: {  	[tilespmem:s4], [sflag:$0x7] =	stream.linear.gather [hbm4b:s22+s28], $0x28, $0x38;
	[tilespmem:$0x1C9C0] =	vst v63  }
0x90: {  	_ =	swait.ge [sflag:s0], $0x28  }
0x91: {  	[sflag:s0] =	ssyncset.done $0x0  }
0x92: {  	s23 =	rddreg [dreg:$0x14];
	[sflag:s0] =	ssyncadd.s32 $0xFFFFFFD8  }
0x93: {  	[tilespmem:s8], [sflag:$0x7] =	stream.linear.gather [hbm4b:s23+s28], $0x28, $0x38;
	[tilespmem:$0x1C9C0] =	vst v63  }
0x94: {  	_ =	swait.ge [sflag:s0], $0x28  }
0x95: {  	[sflag:s0] =	ssyncset.done $0x0  }
0x96: {  	s29 =	rddreg [dreg:$0x15];
	[sflag:s0] =	ssyncadd.s32 $0xFFFFFFD8  }
0x97: {  	[tilespmem:s9], [sflag:$0x7] =	stream.linear.gather [hbm4b:s29+s28], $0x28, $0x38;
	[tilespmem:$0x1C9C0] =	vst v63  }
0x98: {  	_ =	swait.ge [sflag:s0], $0x28  }
0x99: {  	[sflag:s0] =	ssyncset.done $0x0  }
0x9a: {  	s30 =	simm.s32 $0x140;
	[sflag:s0] =	ssyncadd.s32 $0xFFFFFFD8  }
0x9b: {  	[tilespmem:s30], [sflag:$0x1] =	stream.indirect.gather [hbm4b:s1+s4], $0x40, s28, s4, $0xb8;
	[tilespmem:$0x1C9C0] =	vst v63  }
0x9c: {  	s31 =	simm.s32 $0xB40  }
0x9d: {  	[tilespmem:s31], [sflag:$0x1] =	stream.indirect.gather [hbm4b:s1+s4], $0x40, s4, s4, $0xb8;
	[tilespmem:$0x1C9C0] =	vst v63  }
0x9e: {  	_ = 	snop  }
0x9f: {  	[tilespmem:s10], [sflag:$0x2] =	stream.indirect.gather [hbm4b:s1+s4], $0x40, s8, s4, $0xb8;
	[tilespmem:$0x1C9C0] =	vst v63  }
0xa0: {  	_ = 	snop  }
0xa1: {  	[tilespmem:s11], [sflag:$0x2] =	stream.indirect.gather [hbm4b:s1+s4], $0x40, s9, s4, $0xb8;
	[tilespmem:$0x1C9C0] =	vst v63  }
.LBB2_4:
0xa2: {  	_ =	swait.ge [sflag:s12], $0xA00  }
0xa3: {  	[sflag:s12] =	ssyncset.done $0x0  }
0xa4: {  	[sflag:s12] =	ssyncadd.s32 $0xFFFFF600  }
0xa5: {  	_ =	swait.ge [sflag:s12], $0xA00  }
0xa6: {  	p2 =	seq.s32 s28, $0x0;
	[sflag:s12] =	ssyncset.done $0x0  }
0xa7: {  	s7 =	simm.s32 @!p2 $0x5;
	[sflag:s12] =	ssyncadd.s32 $0xFFFFF600  }
0xa8: {  	_ =	swait.ge @!p2 [sflag:s7], $0x1400  }
0xa9: {  	[sflag:s7] =	ssyncset.done @!p2 $0x0  }
0xaa: {  	[sflag:s7] =	ssyncadd.s32 @!p2 $0xFFFFEC00  }
0xab: {  	_ =	swait.ge @!p2 [sflag:s7], $0x1400  }
0xac: {  	[sflag:s7] =	ssyncset.done @!p2 $0x0  }
0xad: {  	[sflag:s7] =	ssyncadd.s32 @!p2 $0xFFFFEC00  }
0xae: {  	v1 =	vld [tilespmem:$0x0]  }
0xaf: {  	v2 =	vld [tilespmem:$0x10]  }
0xb0: {  	v4 =	vld [tilespmem:$0x28]  }
0xb1: {  	v5 =	vld [tilespmem:$0x38]  }
0xb2: {  	v3 =	vld [tilespmem:$0x18]  }
0xb3: {  	p1 =	seq.s32 s28, $0x7C;
	[tilespmem:$0xA0] =	vst v1;
	v1 =	vld [tilespmem:$0x40]  }
0xb4: {  	s29 =	smul.u32 @!p1 $0x50, s28;
	[tilespmem:$0xB0] =	vst v2  }
0xb5: {  	[tilespmem:$0xC8] =	vst v4  }
0xb6: {  	s7 =	sadd.s32 @!p1 s29, s25;
	[tilespmem:$0xD8] =	vst v5  }
0xb7: {  	s7 =	sshrl.u32 @!p1 s7, $0x3;
	[tilespmem:$0xB8] =	vst v3  }
0xb8: {  	s30 =	simm.s32 $0x2B40;
	s23 =	simm.s32 @!p1 $0x0;
	s22 =	sadd.s32 @!p1 s5, s7;
	[tilespmem:$0xE0] =	vst v1  }
0xb9: {  	[tilespmem:s23], [sflag:$0x3] =	stream.linear.gather @!p1 [hbm4b:s22+s23], $0x28, $0x38;
	[tilespmem:$0x1C9C0] =	vst v63  }
0xba: {  	s31 =	simm.s32 $0x240;
	s7 =	sadd.s32 @!p1 s6, s7;
	s22 =	simm.s32 @!p1 $0x28  }
0xbb: {  	[tilespmem:s22], [sflag:$0x3] =	stream.linear.gather @!p1 [hbm4b:s7+s23], $0x28, $0x38;
	[tilespmem:$0x1C9C0] =	vst v63  }
0xbc: {  	s7 =	simm.s32 $0xFFFFFFF8;
	s22 =	simm.s32 $0x3F40;
	s23 =	simm.s32 $0xC40  }
.LBB2_5:
0xbd: {  	v1 =	vld [tilespmem:s31+$0xFFFFFF00]  }
0xbe: {  	v2 =	vld [tilespmem:s23+$0xFFFFFF00];
	_ =	sdelay $0x4  }
0xbf: {  	v3 =	vshll.u32 v1, $0x10;
	v4 =	vshll.u32 v2, $0x10  }
0xc0: {  	v1 =	vand.u32 $0xFFFF0000, v1;
	v2 =	vand.u32 $0xFFFF0000, v2;
	v3 =	vsub.f32 v3, v4  }
0xc1: {  	v1 =	vsub.f32 v1, v2  }
0xc2: {  	v2 =	vmax.f32 v3, $0.0e+00  }
0xc3: {  	v1 =	vmax.f32 v1, $0.0e+00;
	[tilespmem:s30+$0xFFFFFE00] =	vst v2;
	v2 =	vsub.f32 $0.0e+00, v2  }
0xc4: {  	[tilespmem:s30+$0xFFFFFE10] =	vst v1;
	v1 =	vsub.f32 $0.0e+00, v1  }
0xc5: {  	[tilespmem:s22+$0xFFFFFE00] =	vst v2  }
0xc6: {  	[tilespmem:s22+$0xFFFFFE10] =	vst v1  }
0xc7: {  	v1 =	vld [tilespmem:s31+$0xFFFFFF10]  }
0xc8: {  	v2 =	vld [tilespmem:s23+$0xFFFFFF10];
	_ =	sdelay $0x4  }
0xc9: {  	v3 =	vshll.u32 v1, $0x10;
	v40 =	vshll.u32 v2, $0x10  }
0xca: {  	v1 =	vand.u32 $0xFFFF0000, v1;
	v2 =	vand.u32 $0xFFFF0000, v2;
	v3 =	vsub.f32 v3, v40  }
0xcb: {  	v1 =	vsub.f32 v1, v2  }
0xcc: {  	v2 =	vmax.f32 v3, $0.0e+00  }
0xcd: {  	v1 =	vmax.f32 v1, $0.0e+00;
	[tilespmem:s30+$0xFFFFFE20] =	vst v2;
	v2 =	vsub.f32 $0.0e+00, v2  }
0xce: {  	[tilespmem:s30+$0xFFFFFE30] =	vst v1;
	v1 =	vsub.f32 $0.0e+00, v1  }
0xcf: {  	v41 =	vld [tilespmem:s23+$0xFFFFFF40];
	[tilespmem:s22+$0xFFFFFE20] =	vst v2  }
0xd0: {  	v3 =	vld [tilespmem:s31+$0xFFFFFF40];
	[tilespmem:s22+$0xFFFFFE30] =	vst v1  }
0xd1: {  	v1 =	vld [tilespmem:s31+$0xFFFFFF20]  }
0xd2: {  	v2 =	vld [tilespmem:s23+$0xFFFFFF20];
	_ =	sdelay $0x3  }
0xd3: {  	v4 =	vand.u32 $0xFFFF0000, v41;
	v42 =	vshll.u32 v3, $0x10;
	v3 =	vand.u32 $0xFFFF0000, v3  }
0xd4: {  	v3 =	vsub.f32 v3, v4;
	v5 =	vshll.u32 v1, $0x10;
	v6 =	vshll.u32 v2, $0x10  }
0xd5: {  	v7 =	vshll.u32 v41, $0x10;
	v5 =	vsub.f32 v5, v6  }
0xd6: {  	v3 =	vmax.f32 v3, $0.0e+00;
	v6 =	vsub.f32 v42, v7  }
0xd7: {  	v44 =	vld [tilespmem:s31+$0xFFFFFF80];
	v1 =	vand.u32 $0xFFFF0000, v1;
	v2 =	vand.u32 $0xFFFF0000, v2;
	[tilespmem:s30+$0xFFFFFE90] =	vst v3;
	v5 =	vmax.f32 v5, $0.0e+00  }
0xd8: {  	v45 =	vld [tilespmem:s23+$0xFFFFFF80];
	v1 =	vsub.f32 v1, v2;
	v2 =	vsub.f32 $0.0e+00, v3;
	v43 =	vmax.f32 v6, $0.0e+00;
	[tilespmem:s30+$0xFFFFFE40] =	vst v5  }
0xd9: {  	[tilespmem:s30+$0xFFFFFE80] =	vst v43;
	v4 =	vsub.f32 $0.0e+00, v43  }
0xda: {  	[tilespmem:s22+$0xFFFFFE90] =	vst v2  }
0xdb: {  	v1 =	vmax.f32 v1, $0.0e+00;
	v3 =	vsub.f32 $0.0e+00, v5;
	[tilespmem:s22+$0xFFFFFE80] =	vst v4  }
0xdc: {  	[tilespmem:s30+$0xFFFFFE50] =	vst v1;
	v1 =	vsub.f32 $0.0e+00, v1;
	v2 =	vld [tilespmem:s31+$0xFFFFFF50]  }
0xdd: {  	v46 =	vshll.u32 v44, $0x10;
	v47 =	vshll.u32 v45, $0x10;
	[tilespmem:s22+$0xFFFFFE40] =	vst v3;
	v3 =	vld [tilespmem:s23+$0xFFFFFF50]  }
0xde: {  	v51 =	vld [tilespmem:s31+$0xFFFFFFC0];
	v48 =	vand.u32 $0xFFFF0000, v45;
	[tilespmem:s22+$0xFFFFFE50] =	vst v1;
	v1 =	vand.u32 $0xFFFF0000, v44;
	v4 =	vsub.f32 v46, v47  }
0xdf: {  	v10 =	vld [tilespmem:s23+$0xFFFFFFC0];
	v1 =	vsub.f32 v1, v48  }
0xe0: {  	v49 =	vld [tilespmem:s31+$0xFFFFFF30];
	v4 =	vmax.f32 v4, $0.0e+00  }
0xe1: {  	v50 =	vld [tilespmem:s23+$0xFFFFFF30];
	v1 =	vmax.f32 v1, $0.0e+00;
	[tilespmem:s30+$0xFFFFFF00] =	vst v4;
	v4 =	vsub.f32 $0.0e+00, v4  }
0xe2: {  	[tilespmem:s30+$0xFFFFFF10] =	vst v1;
	v1 =	vsub.f32 $0.0e+00, v1;
	v8 =	vshll.u32 v2, $0x10;
	v9 =	vshll.u32 v3, $0x10  }
0xe3: {  	[tilespmem:s22+$0xFFFFFF00] =	vst v4;
	v2 =	vand.u32 $0xFFFF0000, v2;
	v3 =	vand.u32 $0xFFFF0000, v3;
	v8 =	vsub.f32 v8, v9  }
0xe4: {  	v55 =	vshll.u32 v51, $0x10;
	v11 =	vshll.u32 v10, $0x10;
	[tilespmem:s22+$0xFFFFFF10] =	vst v1;
	v2 =	vsub.f32 v2, v3  }
0xe5: {  	v53 =	vld [tilespmem:s31+$0xFFFFFF90];
	v9 =	vsub.f32 v55, v11;
	v52 =	vmax.f32 v8, $0.0e+00  }
0xe6: {  	v1 =	vshll.u32 v49, $0x10;
	v3 =	vshll.u32 v50, $0x10;
	v54 =	vld [tilespmem:s23+$0xFFFFFF90];
	v2 =	vmax.f32 v2, $0.0e+00;
	[tilespmem:s30+$0xFFFFFEA0] =	vst v52  }
0xe7: {  	v1 =	vsub.f32 v1, v3;
	v9 =	vmax.f32 v9, $0.0e+00;
	v3 =	vsub.f32 $0.0e+00, v52;
	[tilespmem:s30+$0xFFFFFEB0] =	vst v2  }
0xe8: {  	v2 =	vsub.f32 $0.0e+00, v2;
	[tilespmem:s30+$0xFFFFFF80] =	vst v9  }
0xe9: {  	v56 =	vand.u32 $0xFFFF0000, v10;
	[tilespmem:s22+$0xFFFFFEA0] =	vst v3;
	v3 =	vand.u32 $0xFFFF0000, v51  }
0xea: {  	v1 =	vmax.f32 v1, $0.0e+00;
	v9 =	vsub.f32 $0.0e+00, v9;
	[tilespmem:s22+$0xFFFFFEB0] =	vst v2;
	v2 =	vsub.f32 v3, v56  }
0xeb: {  	v57 =	vshll.u32 v53, $0x10;
	v8 =	vand.u32 $0xFFFF0000, v53;
	v59 =	vshll.u32 v54, $0x10;
	v3 =	vld [tilespmem:s31+$0xFFFFFF60]  }
0xec: {  	[tilespmem:s30+$0xFFFFFE60] =	vst v1;
	v4 =	vand.u32 $0xFFFF0000, v54;
	v58 =	vld [tilespmem:s23+$0xFFFFFF60];
	v7 =	vsub.f32 v57, v59;
	v2 =	vmax.f32 v2, $0.0e+00  }
0xed: {  	v4 =	vsub.f32 v8, v4;
	[tilespmem:s30+$0xFFFFFF90] =	vst v2;
	v2 =	vsub.f32 $0.0e+00, v2  }
0xee: {  	[tilespmem:s22+$0xFFFFFF80] =	vst v9  }
0xef: {  	v5 =	vand.u32 $0xFFFF0000, v49;
	v7 =	vmax.f32 v7, $0.0e+00;
	v4 =	vmax.f32 v4, $0.0e+00;
	[tilespmem:s22+$0xFFFFFF90] =	vst v2  }
0xf0: {  	v6 =	vand.u32 $0xFFFF0000, v50;
	v60 =	vsub.f32 $0.0e+00, v7;
	[tilespmem:s30+$0xFFFFFF30] =	vst v4;
	v4 =	vsub.f32 $0.0e+00, v4;
	v61 =	vld [tilespmem:s31+$0xFFFFFFD0]  }
0xf1: {  	[tilespmem:s30+$0xFFFFFF20] =	vst v7;
	v2 =	vsub.f32 v5, v6;
	v62 =	vshll.u32 v3, $0x10;
	v63 =	vshll.u32 v58, $0x10;
	v9 =	vld [tilespmem:s23+$0xFFFFFFD0]  }
0xf2: {  	v3 =	vand.u32 $0xFFFF0000, v3;
	v10 =	vand.u32 $0xFFFF0000, v58;
	[tilespmem:s22+$0xFFFFFF20] =	vst v60;
	v7 =	vsub.f32 v62, v63  }
0xf3: {  	v1 =	vsub.f32 $0.0e+00, v1;
	[tilespmem:s22+$0xFFFFFF30] =	vst v4;
	v3 =	vsub.f32 v3, v10;
	v2 =	vmax.f32 v2, $0.0e+00  }
0xf4: {  	v5 =	vld [tilespmem:s31+$0xFFFFFFA0];
	[tilespmem:s30+$0xFFFFFE70] =	vst v2;
	v12 =	vmax.f32 v7, $0.0e+00  }
0xf5: {  	[tilespmem:s22+$0xFFFFFE60] =	vst v1;
	v1 =	vmax.f32 v3, $0.0e+00;
	v3 =	vsub.f32 $0.0e+00, v12  }
0xf6: {  	v13 =	vld [tilespmem:s23+$0xFFFFFFA0];
	[tilespmem:s30+$0xFFFFFEC0] =	vst v12;
	v14 =	vsub.f32 $0.0e+00, v1;
	v15 =	vshll.u32 v61, $0x10;
	v16 =	vshll.u32 v9, $0x10  }
0xf7: {  	[tilespmem:s30+$0xFFFFFED0] =	vst v1;
	v1 =	vand.u32 $0xFFFF0000, v61;
	v17 =	vand.u32 $0xFFFF0000, v9;
	v8 =	vsub.f32 v15, v16  }
0xf8: {  	v20 =	vld [tilespmem:s31+$0x0];
	[tilespmem:s22+$0xFFFFFEC0] =	vst v3;
	v1 =	vsub.f32 v1, v17  }
0xf9: {  	v22 =	vld [tilespmem:s23+$0x0];
	v3 =	vshll.u32 v5, $0x10;
	[tilespmem:s22+$0xFFFFFED0] =	vst v14;
	v19 =	vmax.f32 v8, $0.0e+00  }
0xfa: {  	v18 =	vand.u32 $0xFFFF0000, v5;
	v1 =	vmax.f32 v1, $0.0e+00;
	[tilespmem:s30+$0xFFFFFFA0] =	vst v19;
	v5 =	vsub.f32 $0.0e+00, v19  }
0xfb: {  	v21 =	vshll.u32 v13, $0x10;
	[tilespmem:s30+$0xFFFFFFB0] =	vst v1;
	v1 =	vsub.f32 $0.0e+00, v1  }
0xfc: {  	v2 =	vsub.f32 $0.0e+00, v2;
	v7 =	vand.u32 $0xFFFF0000, v13;
	v3 =	vsub.f32 v3, v21;
	v24 =	vld [tilespmem:s23+$0xFFFFFF70];
	[tilespmem:s22+$0xFFFFFFA0] =	vst v5  }
0xfd: {  	v4 =	vsub.f32 v18, v7;
	v23 =	vld [tilespmem:s31+$0xFFFFFF70];
	[tilespmem:s22+$0xFFFFFFB0] =	vst v1  }
0xfe: {  	v27 =	vshll.u32 v20, $0x10;
	v28 =	vshll.u32 v22, $0x10;
	[tilespmem:s22+$0xFFFFFE70] =	vst v2;
	v3 =	vmax.f32 v3, $0.0e+00;
	v25 =	vld [tilespmem:s31+$0xFFFFFFE0]  }
0xff: {  	v29 =	vand.u32 $0xFFFF0000, v22;
	v2 =	vsub.f32 $0.0e+00, v3;
	[tilespmem:s30+$0xFFFFFF40] =	vst v3;
	v1 =	vmax.f32 v4, $0.0e+00;
	v26 =	vld [tilespmem:s23+$0xFFFFFFE0]  }
0x100: {  	v30 =	vsub.f32 v27, v28;
	v3 =	vsub.f32 $0.0e+00, v1;
	[tilespmem:s30+$0xFFFFFF50] =	vst v1;
	v1 =	vand.u32 $0xFFFF0000, v20  }
0x101: {  	v31 =	vshll.u32 v24, $0x10;
	[tilespmem:s22+$0xFFFFFF40] =	vst v2;
	v1 =	vsub.f32 v1, v29  }
0x102: {  	v36 =	vand.u32 $0xFFFF0000, v24;
	v2 =	vshll.u32 v23, $0x10;
	[tilespmem:s22+$0xFFFFFF50] =	vst v3;
	v3 =	vmax.f32 v30, $0.0e+00  }
0x103: {  	v2 =	vsub.f32 v2, v31;
	v32 =	vld [tilespmem:s31+$0xFFFFFFB0];
	v1 =	vmax.f32 v1, $0.0e+00;
	[tilespmem:s30+$0x0] =	vst v3;
	v3 =	vsub.f32 $0.0e+00, v3  }
0x104: {  	v33 =	vld [tilespmem:s23+$0xFFFFFFB0];
	[tilespmem:s30+$0x10] =	vst v1;
	v1 =	vsub.f32 $0.0e+00, v1;
	v34 =	vshll.u32 v25, $0x10;
	v35 =	vshll.u32 v26, $0x10  }
0x105: {  	v4 =	vand.u32 $0xFFFF0000, v25;
	v7 =	vand.u32 $0xFFFF0000, v26;
	[tilespmem:s22+$0x0] =	vst v3;
	v10 =	vsub.f32 v34, v35  }
0x106: {  	v2 =	vmax.f32 v2, $0.0e+00;
	v3 =	vsub.f32 v4, v7;
	[tilespmem:s22+$0x10] =	vst v1;
	v1 =	vand.u32 $0xFFFF0000, v23  }
0x107: {  	[tilespmem:s30+$0xFFFFFEE0] =	vst v2;
	v38 =	vld [tilespmem:s31+$0x10];
	v1 =	vsub.f32 v1, v36;
	v37 =	vmax.f32 v10, $0.0e+00  }
0x108: {  	v40 =	vld [tilespmem:s23+$0x10];
	v3 =	vmax.f32 v3, $0.0e+00;
	v41 =	vshll.u32 v32, $0x10;
	[tilespmem:s30+$0xFFFFFFC0] =	vst v37  }
0x109: {  	v42 =	vshll.u32 v33, $0x10;
	v39 =	vsub.f32 $0.0e+00, v37;
	[tilespmem:s30+$0xFFFFFFD0] =	vst v3;
	v1 =	vmax.f32 v1, $0.0e+00  }
0x10a: {  	v3 =	vsub.f32 $0.0e+00, v3;
	v8 =	vsub.f32 v41, v42;
	[tilespmem:s30+$0xFFFFFEF0] =	vst v1  }
0x10b: {  	v2 =	vsub.f32 $0.0e+00, v2;
	v43 =	vsub.f32 $0.0e+00, v1;
	[tilespmem:s22+$0xFFFFFFC0] =	vst v39  }
0x10c: {  	v48 =	vld [tilespmem:s31+$0x40];
	v1 =	vand.u32 $0xFFFF0000, v32;
	[tilespmem:s22+$0xFFFFFFD0] =	vst v3;
	v3 =	vand.u32 $0xFFFF0000, v33;
	v44 =	vmax.f32 v8, $0.0e+00  }
0x10d: {  	v49 =	vld [tilespmem:s23+$0x40];
	[tilespmem:s22+$0xFFFFFEE0] =	vst v2;
	v1 =	vsub.f32 v1, v3;
	v3 =	vshll.u32 v38, $0x10;
	v46 =	vshll.u32 v40, $0x10  }
0x10e: {  	v45 =	vld [tilespmem:s31+$0xFFFFFFF0];
	[tilespmem:s22+$0xFFFFFEF0] =	vst v43;
	v47 =	vand.u32 $0xFFFF0000, v38;
	v5 =	vand.u32 $0xFFFF0000, v40;
	v3 =	vsub.f32 v3, v46  }
0x10f: {  	v2 =	vld [tilespmem:s23+$0xFFFFFFF0];
	[tilespmem:s30+$0xFFFFFF60] =	vst v44;
	v4 =	vsub.f32 v47, v5;
	v1 =	vmax.f32 v1, $0.0e+00  }
0x110: {  	[tilespmem:s30+$0xFFFFFF70] =	vst v1;
	v3 =	vmax.f32 v3, $0.0e+00  }
0x111: {  	v4 =	vmax.f32 v4, $0.0e+00;
	[tilespmem:s30+$0x20] =	vst v3;
	v3 =	vsub.f32 $0.0e+00, v3  }
0x112: {  	v54 =	vld [tilespmem:s23+$0x80];
	v7 =	vand.u32 $0xFFFF0000, v48;
	v5 =	vand.u32 $0xFFFF0000, v49;
	[tilespmem:s30+$0x30] =	vst v4;
	v4 =	vsub.f32 $0.0e+00, v4  }
0x113: {  	v52 =	vshll.u32 v48, $0x10;
	v6 =	vsub.f32 $0.0e+00, v44;
	v5 =	vsub.f32 v7, v5;
	[tilespmem:s22+$0x20] =	vst v3  }
0x114: {  	v1 =	vsub.f32 $0.0e+00, v1;
	v50 =	vshll.u32 v45, $0x10;
	v51 =	vshll.u32 v2, $0x10;
	v3 =	vld [tilespmem:s31+$0x80];
	[tilespmem:s22+$0x30] =	vst v4  }
0x115: {  	v53 =	vshll.u32 v49, $0x10;
	[tilespmem:s22+$0xFFFFFF60] =	vst v6;
	v5 =	vmax.f32 v5, $0.0e+00;
	v9 =	vsub.f32 v50, v51;
	v55 =	vld [tilespmem:s31+$0x20]  }
0x116: {  	v8 =	vand.u32 $0xFFFF0000, v45;
	v2 =	vand.u32 $0xFFFF0000, v2;
	[tilespmem:s22+$0xFFFFFF70] =	vst v1;
	v4 =	vsub.f32 v52, v53;
	v56 =	vld [tilespmem:s23+$0x20]  }
0x117: {  	v58 =	vshll.u32 v54, $0x10;
	[tilespmem:s30+$0x90] =	vst v5;
	v2 =	vsub.f32 v8, v2;
	v1 =	vmax.f32 v9, $0.0e+00  }
0x118: {  	v60 =	vand.u32 $0xFFFF0000, v54;
	v5 =	vsub.f32 $0.0e+00, v5;
	v4 =	vmax.f32 v4, $0.0e+00;
	[tilespmem:s30+$0xFFFFFFE0] =	vst v1  }
0x119: {  	v2 =	vmax.f32 v2, $0.0e+00;
	[tilespmem:s30+$0x80] =	vst v4;
	v4 =	vsub.f32 $0.0e+00, v4;
	v57 =	vshll.u32 v3, $0x10  }
0x11a: {  	v59 =	vld [tilespmem:s31+$0xC0];
	[tilespmem:s30+$0xFFFFFFF0] =	vst v2;
	v3 =	vand.u32 $0xFFFF0000, v3;
	v7 =	vsub.f32 v57, v58;
	v62 =	vshll.u32 v55, $0x10  }
0x11b: {  	v61 =	vld [tilespmem:s23+$0xC0];
	[tilespmem:s22+$0x90] =	vst v5;
	v63 =	vshll.u32 v56, $0x10;
	v3 =	vsub.f32 v3, v60;
	v12 =	vand.u32 $0xFFFF0000, v55  }
0x11c: {  	[tilespmem:s22+$0x80] =	vst v4;
	v8 =	vand.u32 $0xFFFF0000, v56;
	v5 =	vsub.f32 v62, v63;
	v7 =	vmax.f32 v7, $0.0e+00  }
0x11d: {  	v4 =	vsub.f32 v12, v8;
	v3 =	vmax.f32 v3, $0.0e+00;
	[tilespmem:s30+$0x100] =	vst v7  }
0x11e: {  	v13 =	vld [tilespmem:s31+$0x50];
	v5 =	vmax.f32 v5, $0.0e+00;
	[tilespmem:s30+$0x110] =	vst v3  }
0x11f: {  	v15 =	vshll.u32 v59, $0x10;
	v14 =	vld [tilespmem:s23+$0x50];
	v7 =	vsub.f32 $0.0e+00, v7;
	v4 =	vmax.f32 v4, $0.0e+00;
	[tilespmem:s30+$0x40] =	vst v5  }
0x120: {  	v16 =	vshll.u32 v61, $0x10;
	v10 =	vand.u32 $0xFFFF0000, v59;
	v3 =	vsub.f32 $0.0e+00, v3;
	[tilespmem:s30+$0x50] =	vst v4  }
0x121: {  	v9 =	vand.u32 $0xFFFF0000, v61;
	v5 =	vsub.f32 $0.0e+00, v5;
	[tilespmem:s22+$0x100] =	vst v7;
	v7 =	vsub.f32 v15, v16  }
0x122: {  	[tilespmem:s22+$0x110] =	vst v3;
	v3 =	vsub.f32 v10, v9  }
0x123: {  	v17 =	vshll.u32 v13, $0x10;
	v6 =	vand.u32 $0xFFFF0000, v13;
	v19 =	vld [tilespmem:s31+$0x90];
	[tilespmem:s22+$0x40] =	vst v5;
	v7 =	vmax.f32 v7, $0.0e+00  }
0x124: {  	v11 =	vand.u32 $0xFFFF0000, v14;
	v20 =	vld [tilespmem:s23+$0x90];
	v3 =	vmax.f32 v3, $0.0e+00;
	[tilespmem:s30+$0x180] =	vst v7;
	v7 =	vsub.f32 $0.0e+00, v7  }
0x125: {  	v18 =	vshll.u32 v14, $0x10;
	v6 =	vsub.f32 v6, v11;
	[tilespmem:s30+$0x190] =	vst v3;
	v3 =	vsub.f32 $0.0e+00, v3  }
0x126: {  	v4 =	vsub.f32 $0.0e+00, v4;
	v8 =	vsub.f32 v17, v18;
	[tilespmem:s22+$0x180] =	vst v7  }
0x127: {  	v21 =	vmax.f32 v6, $0.0e+00;
	[tilespmem:s22+$0x190] =	vst v3  }
0x128: {  	[tilespmem:s22+$0x50] =	vst v4;
	v5 =	vsub.f32 $0.0e+00, v21;
	v3 =	vmax.f32 v8, $0.0e+00;
	v22 =	vld [tilespmem:s31+$0xD0]  }
0x129: {  	[tilespmem:s30+$0xB0] =	vst v21;
	v23 =	vsub.f32 $0.0e+00, v3;
	v24 =	vshll.u32 v19, $0x10;
	v25 =	vshll.u32 v20, $0x10;
	v26 =	vld [tilespmem:s23+$0xD0]  }
0x12a: {  	[tilespmem:s30+$0xA0] =	vst v3;
	v3 =	vand.u32 $0xFFFF0000, v19;
	v9 =	vand.u32 $0xFFFF0000, v20;
	v7 =	vsub.f32 v24, v25  }
0x12b: {  	v1 =	vsub.f32 $0.0e+00, v1;
	v35 =	vld [tilespmem:s31+$0x30];
	v3 =	vsub.f32 v3, v9;
	[tilespmem:s22+$0xB0] =	vst v5  }
0x12c: {  	v36 =	vld [tilespmem:s23+$0x30];
	[tilespmem:s22+$0xA0] =	vst v23;
	v27 =	vmax.f32 v7, $0.0e+00  }
0x12d: {  	[tilespmem:s22+$0xFFFFFFE0] =	vst v1;
	v3 =	vmax.f32 v3, $0.0e+00;
	v29 =	vld [tilespmem:s31+$0x60];
	v28 =	vsub.f32 $0.0e+00, v27  }
0x12e: {  	v33 =	vld [tilespmem:s23+$0x60];
	[tilespmem:s30+$0x120] =	vst v27;
	v30 =	vsub.f32 $0.0e+00, v3;
	v31 =	vshll.u32 v22, $0x10;
	v32 =	vshll.u32 v26, $0x10  }
0x12f: {  	[tilespmem:s30+$0x130] =	vst v3;
	v3 =	vand.u32 $0xFFFF0000, v22;
	v34 =	vand.u32 $0xFFFF0000, v26;
	v8 =	vsub.f32 v31, v32  }
0x130: {  	v2 =	vsub.f32 $0.0e+00, v2;
	[tilespmem:s22+$0x120] =	vst v28;
	v3 =	vsub.f32 v3, v34  }
0x131: {  	v50 =	vand.u32 $0xFFFF0000, v35;
	v5 =	vand.u32 $0xFFFF0000, v36;
	[tilespmem:s22+$0x130] =	vst v30;
	v37 =	vmax.f32 v8, $0.0e+00  }
0x132: {  	v5 =	vsub.f32 v50, v5;
	v38 =	vld [tilespmem:s31+$0xA0];
	v3 =	vmax.f32 v3, $0.0e+00;
	[tilespmem:s30+$0x1A0] =	vst v37;
	v4 =	vsub.f32 $0.0e+00, v37  }
0x133: {  	v40 =	vld [tilespmem:s23+$0xA0];
	v39 =	vshll.u32 v29, $0x10;
	v7 =	vand.u32 $0xFFFF0000, v29;
	v41 =	vshll.u32 v33, $0x10;
	[tilespmem:s30+$0x1B0] =	vst v3  }
0x134: {  	v10 =	vand.u32 $0xFFFF0000, v33;
	v3 =	vsub.f32 $0.0e+00, v3;
	[tilespmem:s22+$0x1A0] =	vst v4;
	v4 =	vsub.f32 v39, v41  }
0x135: {  	[tilespmem:s22+$0xFFFFFFF0] =	vst v2;
	v1 =	vshll.u32 v35, $0x10;
	v7 =	vsub.f32 v7, v10  }
0x136: {  	v5 =	vmax.f32 v5, $0.0e+00;
	[tilespmem:s22+$0x1B0] =	vst v3;
	v3 =	vshll.u32 v36, $0x10;
	v2 =	vmax.f32 v4, $0.0e+00  }
0x137: {  	v42 =	vld [tilespmem:s31+$0xE0];
	v1 =	vsub.f32 v1, v3;
	v3 =	vmax.f32 v7, $0.0e+00;
	[tilespmem:s30+$0xC0] =	vst v2;
	v2 =	vsub.f32 $0.0e+00, v2  }
0x138: {  	v43 =	vld [tilespmem:s23+$0xE0];
	v44 =	vshll.u32 v38, $0x10;
	v45 =	vshll.u32 v40, $0x10;
	v46 =	vand.u32 $0xFFFF0000, v40;
	[tilespmem:s30+$0xD0] =	vst v3  }
0x139: {  	v7 =	vsub.f32 v44, v45;
	[tilespmem:s22+$0xC0] =	vst v2;
	v2 =	vsub.f32 $0.0e+00, v3;
	v3 =	vand.u32 $0xFFFF0000, v38  }
0x13a: {  	[tilespmem:s30+$0x70] =	vst v5;
	v3 =	vsub.f32 v3, v46  }
0x13b: {  	[tilespmem:s22+$0xD0] =	vst v2;
	v2 =	vmax.f32 v7, $0.0e+00  }
0x13c: {  	v3 =	vmax.f32 v3, $0.0e+00;
	[tilespmem:s30+$0x140] =	vst v2;
	v2 =	vsub.f32 $0.0e+00, v2  }
0x13d: {  	v8 =	vand.u32 $0xFFFF0000, v42;
	v4 =	vand.u32 $0xFFFF0000, v43;
	v49 =	vld [tilespmem:s31+$0x70];
	[tilespmem:s30+$0x150] =	vst v3;
	v3 =	vsub.f32 $0.0e+00, v3  }
0x13e: {  	v47 =	vshll.u32 v42, $0x10;
	v48 =	vshll.u32 v43, $0x10;
	v4 =	vsub.f32 v8, v4;
	[tilespmem:s22+$0x140] =	vst v2;
	v2 =	vld [tilespmem:s23+$0x70]  }
0x13f: {  	v1 =	vmax.f32 v1, $0.0e+00;
	v6 =	vsub.f32 v47, v48;
	[tilespmem:s22+$0x150] =	vst v3  }
0x140: {  	[tilespmem:s30+$0x60] =	vst v1;
	v4 =	vmax.f32 v4, $0.0e+00;
	v51 =	vld [tilespmem:s31+$0xB0]  }
0x141: {  	[tilespmem:s30+$0x1D0] =	vst v4;
	v4 =	vsub.f32 $0.0e+00, v4;
	v3 =	vmax.f32 v6, $0.0e+00;
	v52 =	vld [tilespmem:s23+$0xB0]  }
0x142: {  	v1 =	vsub.f32 $0.0e+00, v1;
	[tilespmem:s30+$0x1C0] =	vst v3;
	v3 =	vsub.f32 $0.0e+00, v3  }
0x143: {  	v53 =	vshll.u32 v49, $0x10;
	[tilespmem:s22+$0x1D0] =	vst v4;
	v55 =	vand.u32 $0xFFFF0000, v49;
	v54 =	vshll.u32 v2, $0x10  }
0x144: {  	[tilespmem:s22+$0x1C0] =	vst v3;
	v3 =	vsub.f32 $0.0e+00, v5;
	v2 =	vand.u32 $0xFFFF0000, v2;
	v4 =	vsub.f32 v53, v54  }
0x145: {  	[tilespmem:s22+$0x60] =	vst v1;
	v56 =	vld [tilespmem:s31+$0xF0];
	v1 =	vsub.f32 v55, v2  }
0x146: {  	v2 =	vld [tilespmem:s23+$0xF0];
	[tilespmem:s22+$0x70] =	vst v3;
	v57 =	vshll.u32 v51, $0x10;
	v58 =	vshll.u32 v52, $0x10;
	v3 =	vmax.f32 v4, $0.0e+00  }
0x147: {  	v59 =	vand.u32 $0xFFFF0000, v51;
	v1 =	vmax.f32 v1, $0.0e+00;
	[tilespmem:s30+$0xE0] =	vst v3;
	v3 =	vsub.f32 $0.0e+00, v3  }
0x148: {  	v60 =	vand.u32 $0xFFFF0000, v52;
	v4 =	vsub.f32 v57, v58;
	[tilespmem:s30+$0xF0] =	vst v1;
	v1 =	vsub.f32 $0.0e+00, v1  }
0x149: {  	[tilespmem:s22+$0xE0] =	vst v3;
	v3 =	vsub.f32 v59, v60  }
0x14a: {  	v61 =	vshll.u32 v56, $0x10;
	v63 =	vand.u32 $0xFFFF0000, v56;
	[tilespmem:s22+$0xF0] =	vst v1;
	v1 =	vmax.f32 v4, $0.0e+00  }
0x14b: {  	v62 =	vshll.u32 v2, $0x10;
	[tilespmem:s30+$0x160] =	vst v1;
	v1 =	vsub.f32 $0.0e+00, v1;
	v3 =	vmax.f32 v3, $0.0e+00  }
0x14c: {  	s7 =	sadd.s32 $0x8, s7;
	v2 =	vand.u32 $0xFFFF0000, v2;
	v4 =	vsub.f32 v61, v62;
	[tilespmem:s30+$0x170] =	vst v3;
	v3 =	vsub.f32 $0.0e+00, v3  }
0x14d: {  	p3 =	slt.u32 s7, $0x20;
	[tilespmem:s22+$0x160] =	vst v1;
	v1 =	vsub.f32 v63, v2  }
.Ltmp3:
0x14e: {  	v2 =	vmax.f32 v4, $0.0e+00;
	[tilespmem:s22+$0x170] =	vst v3;
	(pc) =	sbr.rel @p3 .LBB2_5-.Ltmp3, $4  }
0x14f: {  	[tilespmem:s30+$0x1E0] =	vst v2;
	v2 =	vsub.f32 $0.0e+00, v2;
	v1 =	vmax.f32 v1, $0.0e+00  }
0x150: {  	[tilespmem:s30+$0x1F0] =	vst v1;
	v1 =	vsub.f32 $0.0e+00, v1  }
0x151: {  	s31 =	sadd.s32 $0x200, s31;
	[tilespmem:s22+$0x1E0] =	vst v2  }
0x152: {  	s23 =	sadd.s32 $0x200, s23;
	s30 =	sadd.s32 $0x400, s30;
	[tilespmem:s22+$0x1F0] =	vst v1;
	s22 =	sadd.s32 $0x400, s22  }
0x153: {  	[spmem:s2] =	stream.indirect.scatter.add.f32 [tilespmem:s14], [sflag:$0x5], $0x80, s13, s4, $0xb8;
	[tilespmem:$0x1C9C0] =	vst v63  }
0x154: {  	s7 =	simm.s32 @!p1 $0x3  }
0x155: {  	[spmem:s2] =	stream.indirect.scatter.add.f32 [tilespmem:s16], [sflag:$0x5], $0x80, s15, s4, $0xb8;
	[tilespmem:$0x1C9C0] =	vst v63  }
0x156: {  	_ =	swait.ge @!p1 [sflag:s7], $0x28  }
0x157: {  	[sflag:s7] =	ssyncset.done @!p1 $0x0  }
0x158: {  	[sflag:s7] =	ssyncadd.s32 @!p1 $0xFFFFFFD8  }
0x159: {  	_ =	swait.ge @!p1 [sflag:s7], $0x28  }
0x15a: {  	s22 =	simm.s32 @!p1 $0x0;
	[sflag:s7] =	ssyncset.done @!p1 $0x0  }
0x15b: {  	s23 =	simm.s32 @!p1 $0x140;
	[sflag:s7] =	ssyncadd.s32 @!p1 $0xFFFFFFD8;
	s7 =	simm.s32 @!p1 $0x28  }
0x15c: {  	[tilespmem:s23], [sflag:$0x1] =	stream.indirect.gather @!p1 [hbm4b:s1+s7], $0x40, s22, s7, $0xb8;
	[tilespmem:$0x1C9C0] =	vst v63  }
0x15d: {  	s23 =	simm.s32 @!p1 $0xB40  }
0x15e: {  	[tilespmem:s23], [sflag:$0x1] =	stream.indirect.gather @!p1 [hbm4b:s1+s7], $0x40, s7, s7, $0xb8;
	[tilespmem:$0x1C9C0] =	vst v63  }
0x15f: {  	_ =	swait.ge [sflag:s17], $0xA00  }
0x160: {  	[sflag:s17] =	ssyncset.done $0x0  }
0x161: {  	[sflag:s17] =	ssyncadd.s32 $0xFFFFF600  }
0x162: {  	_ =	swait.ge [sflag:s17], $0xA00  }
0x163: {  	[sflag:s17] =	ssyncset.done $0x0  }
0x164: {  	s7 =	simm.s32 @!p2 $0x6;
	[sflag:s17] =	ssyncadd.s32 $0xFFFFF600  }
0x165: {  	_ =	swait.ge @!p2 [sflag:s7], $0x1400  }
0x166: {  	[sflag:s7] =	ssyncset.done @!p2 $0x0  }
0x167: {  	[sflag:s7] =	ssyncadd.s32 @!p2 $0xFFFFEC00  }
0x168: {  	_ =	swait.ge @!p2 [sflag:s7], $0x1400  }
0x169: {  	[sflag:s7] =	ssyncset.done @!p2 $0x0  }
0x16a: {  	[sflag:s7] =	ssyncadd.s32 @!p2 $0xFFFFEC00  }
0x16b: {  	v1 =	vld [tilespmem:$0x50]  }
0x16c: {  	v2 =	vld [tilespmem:$0x60]  }
0x16d: {  	v4 =	vld [tilespmem:$0x78]  }
0x16e: {  	v5 =	vld [tilespmem:$0x88]  }
0x16f: {  	v3 =	vld [tilespmem:$0x68]  }
0x170: {  	[tilespmem:$0xF0] =	vst v1;
	v1 =	vld [tilespmem:$0x90]  }
0x171: {  	[tilespmem:$0x100] =	vst v2  }
0x172: {  	[tilespmem:$0x118] =	vst v4  }
0x173: {  	s7 =	sadd.s32 @!p1 s29, s26;
	[tilespmem:$0x128] =	vst v5  }
0x174: {  	s7 =	sshrl.u32 @!p1 s7, $0x3;
	[tilespmem:$0x108] =	vst v3  }
0x175: {  	s30 =	simm.s32 $0x1640;
	s29 =	simm.s32 @!p1 $0x50;
	s23 =	sadd.s32 @!p1 s5, s7;
	[tilespmem:$0x130] =	vst v1  }
0x176: {  	[tilespmem:s29], [sflag:$0x4] =	stream.linear.gather @!p1 [hbm4b:s23+s22], $0x28, $0x38;
	[tilespmem:$0x1C9C0] =	vst v63  }
0x177: {  	s7 =	sadd.s32 @!p1 s6, s7;
	s23 =	simm.s32 @!p1 $0x78;
	s29 =	simm.s32 $0x5340  }
0x178: {  	[tilespmem:s23], [sflag:$0x4] =	stream.linear.gather @!p1 [hbm4b:s7+s22], $0x28, $0x38;
	[tilespmem:$0x1C9C0] =	vst v63  }
0x179: {  	s7 =	simm.s32 $0xFFFFFFF8;
	s22 =	simm.s32 $0x6740;
	s23 =	simm.s32 $0x2040  }
.LBB2_7:
0x17a: {  	v1 =	vld [tilespmem:s30+$0xFFFFFF00]  }
0x17b: {  	v2 =	vld [tilespmem:s23+$0xFFFFFF00];
	_ =	sdelay $0x4  }
0x17c: {  	v3 =	vshll.u32 v1, $0x10;
	v4 =	vshll.u32 v2, $0x10  }
0x17d: {  	v1 =	vand.u32 $0xFFFF0000, v1;
	v2 =	vand.u32 $0xFFFF0000, v2;
	v3 =	vsub.f32 v3, v4  }
0x17e: {  	v1 =	vsub.f32 v1, v2  }
0x17f: {  	v2 =	vmax.f32 v3, $0.0e+00  }
0x180: {  	v1 =	vmax.f32 v1, $0.0e+00;
	[tilespmem:s29+$0xFFFFFE00] =	vst v2;
	v2 =	vsub.f32 $0.0e+00, v2  }
0x181: {  	[tilespmem:s29+$0xFFFFFE10] =	vst v1;
	v1 =	vsub.f32 $0.0e+00, v1  }
0x182: {  	[tilespmem:s22+$0xFFFFFE00] =	vst v2  }
0x183: {  	[tilespmem:s22+$0xFFFFFE10] =	vst v1  }
0x184: {  	v1 =	vld [tilespmem:s30+$0xFFFFFF10]  }
0x185: {  	v2 =	vld [tilespmem:s23+$0xFFFFFF10];
	_ =	sdelay $0x4  }
0x186: {  	v3 =	vshll.u32 v1, $0x10;
	v40 =	vshll.u32 v2, $0x10  }
0x187: {  	v1 =	vand.u32 $0xFFFF0000, v1;
	v2 =	vand.u32 $0xFFFF0000, v2;
	v3 =	vsub.f32 v3, v40  }
0x188: {  	v1 =	vsub.f32 v1, v2  }
0x189: {  	v2 =	vmax.f32 v3, $0.0e+00  }
0x18a: {  	v1 =	vmax.f32 v1, $0.0e+00;
	[tilespmem:s29+$0xFFFFFE20] =	vst v2;
	v2 =	vsub.f32 $0.0e+00, v2  }
0x18b: {  	[tilespmem:s29+$0xFFFFFE30] =	vst v1;
	v1 =	vsub.f32 $0.0e+00, v1  }
0x18c: {  	v41 =	vld [tilespmem:s23+$0xFFFFFF40];
	[tilespmem:s22+$0xFFFFFE20] =	vst v2  }
0x18d: {  	v3 =	vld [tilespmem:s30+$0xFFFFFF40];
	[tilespmem:s22+$0xFFFFFE30] =	vst v1  }
0x18e: {  	v1 =	vld [tilespmem:s30+$0xFFFFFF20]  }
0x18f: {  	v2 =	vld [tilespmem:s23+$0xFFFFFF20];
	_ =	sdelay $0x3  }
0x190: {  	v4 =	vand.u32 $0xFFFF0000, v41;
	v42 =	vshll.u32 v3, $0x10;
	v3 =	vand.u32 $0xFFFF0000, v3  }
0x191: {  	v3 =	vsub.f32 v3, v4;
	v5 =	vshll.u32 v1, $0x10;
	v6 =	vshll.u32 v2, $0x10  }
0x192: {  	v7 =	vshll.u32 v41, $0x10;
	v5 =	vsub.f32 v5, v6  }
0x193: {  	v3 =	vmax.f32 v3, $0.0e+00;
	v6 =	vsub.f32 v42, v7  }
0x194: {  	v44 =	vld [tilespmem:s30+$0xFFFFFF80];
	v1 =	vand.u32 $0xFFFF0000, v1;
	v2 =	vand.u32 $0xFFFF0000, v2;
	[tilespmem:s29+$0xFFFFFE90] =	vst v3;
	v5 =	vmax.f32 v5, $0.0e+00  }
0x195: {  	v45 =	vld [tilespmem:s23+$0xFFFFFF80];
	v1 =	vsub.f32 v1, v2;
	v2 =	vsub.f32 $0.0e+00, v3;
	v43 =	vmax.f32 v6, $0.0e+00;
	[tilespmem:s29+$0xFFFFFE40] =	vst v5  }
0x196: {  	[tilespmem:s29+$0xFFFFFE80] =	vst v43;
	v4 =	vsub.f32 $0.0e+00, v43  }
0x197: {  	[tilespmem:s22+$0xFFFFFE90] =	vst v2  }
0x198: {  	v1 =	vmax.f32 v1, $0.0e+00;
	v3 =	vsub.f32 $0.0e+00, v5;
	[tilespmem:s22+$0xFFFFFE80] =	vst v4  }
0x199: {  	[tilespmem:s29+$0xFFFFFE50] =	vst v1;
	v1 =	vsub.f32 $0.0e+00, v1;
	v2 =	vld [tilespmem:s30+$0xFFFFFF50]  }
0x19a: {  	v46 =	vshll.u32 v44, $0x10;
	v47 =	vshll.u32 v45, $0x10;
	[tilespmem:s22+$0xFFFFFE40] =	vst v3;
	v3 =	vld [tilespmem:s23+$0xFFFFFF50]  }
0x19b: {  	v51 =	vld [tilespmem:s30+$0xFFFFFFC0];
	v48 =	vand.u32 $0xFFFF0000, v45;
	[tilespmem:s22+$0xFFFFFE50] =	vst v1;
	v1 =	vand.u32 $0xFFFF0000, v44;
	v4 =	vsub.f32 v46, v47  }
0x19c: {  	v10 =	vld [tilespmem:s23+$0xFFFFFFC0];
	v1 =	vsub.f32 v1, v48  }
0x19d: {  	v49 =	vld [tilespmem:s30+$0xFFFFFF30];
	v4 =	vmax.f32 v4, $0.0e+00  }
0x19e: {  	v50 =	vld [tilespmem:s23+$0xFFFFFF30];
	v1 =	vmax.f32 v1, $0.0e+00;
	[tilespmem:s29+$0xFFFFFF00] =	vst v4;
	v4 =	vsub.f32 $0.0e+00, v4  }
0x19f: {  	[tilespmem:s29+$0xFFFFFF10] =	vst v1;
	v1 =	vsub.f32 $0.0e+00, v1;
	v8 =	vshll.u32 v2, $0x10;
	v9 =	vshll.u32 v3, $0x10  }
0x1a0: {  	[tilespmem:s22+$0xFFFFFF00] =	vst v4;
	v2 =	vand.u32 $0xFFFF0000, v2;
	v3 =	vand.u32 $0xFFFF0000, v3;
	v8 =	vsub.f32 v8, v9  }
0x1a1: {  	v55 =	vshll.u32 v51, $0x10;
	v11 =	vshll.u32 v10, $0x10;
	[tilespmem:s22+$0xFFFFFF10] =	vst v1;
	v2 =	vsub.f32 v2, v3  }
0x1a2: {  	v53 =	vld [tilespmem:s30+$0xFFFFFF90];
	v9 =	vsub.f32 v55, v11;
	v52 =	vmax.f32 v8, $0.0e+00  }
0x1a3: {  	v1 =	vshll.u32 v49, $0x10;
	v3 =	vshll.u32 v50, $0x10;
	v54 =	vld [tilespmem:s23+$0xFFFFFF90];
	v2 =	vmax.f32 v2, $0.0e+00;
	[tilespmem:s29+$0xFFFFFEA0] =	vst v52  }
0x1a4: {  	v1 =	vsub.f32 v1, v3;
	v9 =	vmax.f32 v9, $0.0e+00;
	v3 =	vsub.f32 $0.0e+00, v52;
	[tilespmem:s29+$0xFFFFFEB0] =	vst v2  }
0x1a5: {  	v2 =	vsub.f32 $0.0e+00, v2;
	[tilespmem:s29+$0xFFFFFF80] =	vst v9  }
0x1a6: {  	v56 =	vand.u32 $0xFFFF0000, v10;
	[tilespmem:s22+$0xFFFFFEA0] =	vst v3;
	v3 =	vand.u32 $0xFFFF0000, v51  }
0x1a7: {  	v1 =	vmax.f32 v1, $0.0e+00;
	v9 =	vsub.f32 $0.0e+00, v9;
	[tilespmem:s22+$0xFFFFFEB0] =	vst v2;
	v2 =	vsub.f32 v3, v56  }
0x1a8: {  	v57 =	vshll.u32 v53, $0x10;
	v8 =	vand.u32 $0xFFFF0000, v53;
	v59 =	vshll.u32 v54, $0x10;
	v3 =	vld [tilespmem:s30+$0xFFFFFF60]  }
0x1a9: {  	[tilespmem:s29+$0xFFFFFE60] =	vst v1;
	v4 =	vand.u32 $0xFFFF0000, v54;
	v58 =	vld [tilespmem:s23+$0xFFFFFF60];
	v7 =	vsub.f32 v57, v59;
	v2 =	vmax.f32 v2, $0.0e+00  }
0x1aa: {  	v4 =	vsub.f32 v8, v4;
	[tilespmem:s29+$0xFFFFFF90] =	vst v2;
	v2 =	vsub.f32 $0.0e+00, v2  }
0x1ab: {  	[tilespmem:s22+$0xFFFFFF80] =	vst v9  }
0x1ac: {  	v5 =	vand.u32 $0xFFFF0000, v49;
	v7 =	vmax.f32 v7, $0.0e+00;
	v4 =	vmax.f32 v4, $0.0e+00;
	[tilespmem:s22+$0xFFFFFF90] =	vst v2  }
0x1ad: {  	v6 =	vand.u32 $0xFFFF0000, v50;
	v60 =	vsub.f32 $0.0e+00, v7;
	[tilespmem:s29+$0xFFFFFF30] =	vst v4;
	v4 =	vsub.f32 $0.0e+00, v4;
	v61 =	vld [tilespmem:s30+$0xFFFFFFD0]  }
0x1ae: {  	[tilespmem:s29+$0xFFFFFF20] =	vst v7;
	v2 =	vsub.f32 v5, v6;
	v62 =	vshll.u32 v3, $0x10;
	v63 =	vshll.u32 v58, $0x10;
	v9 =	vld [tilespmem:s23+$0xFFFFFFD0]  }
0x1af: {  	v3 =	vand.u32 $0xFFFF0000, v3;
	v10 =	vand.u32 $0xFFFF0000, v58;
	[tilespmem:s22+$0xFFFFFF20] =	vst v60;
	v7 =	vsub.f32 v62, v63  }
0x1b0: {  	v1 =	vsub.f32 $0.0e+00, v1;
	[tilespmem:s22+$0xFFFFFF30] =	vst v4;
	v3 =	vsub.f32 v3, v10;
	v2 =	vmax.f32 v2, $0.0e+00  }
0x1b1: {  	v5 =	vld [tilespmem:s30+$0xFFFFFFA0];
	[tilespmem:s29+$0xFFFFFE70] =	vst v2;
	v12 =	vmax.f32 v7, $0.0e+00  }
0x1b2: {  	[tilespmem:s22+$0xFFFFFE60] =	vst v1;
	v1 =	vmax.f32 v3, $0.0e+00;
	v3 =	vsub.f32 $0.0e+00, v12  }
0x1b3: {  	v13 =	vld [tilespmem:s23+$0xFFFFFFA0];
	[tilespmem:s29+$0xFFFFFEC0] =	vst v12;
	v14 =	vsub.f32 $0.0e+00, v1;
	v15 =	vshll.u32 v61, $0x10;
	v16 =	vshll.u32 v9, $0x10  }
0x1b4: {  	[tilespmem:s29+$0xFFFFFED0] =	vst v1;
	v1 =	vand.u32 $0xFFFF0000, v61;
	v17 =	vand.u32 $0xFFFF0000, v9;
	v8 =	vsub.f32 v15, v16  }
0x1b5: {  	v20 =	vld [tilespmem:s30+$0x0];
	[tilespmem:s22+$0xFFFFFEC0] =	vst v3;
	v1 =	vsub.f32 v1, v17  }
0x1b6: {  	v22 =	vld [tilespmem:s23+$0x0];
	v3 =	vshll.u32 v5, $0x10;
	[tilespmem:s22+$0xFFFFFED0] =	vst v14;
	v19 =	vmax.f32 v8, $0.0e+00  }
0x1b7: {  	v18 =	vand.u32 $0xFFFF0000, v5;
	v1 =	vmax.f32 v1, $0.0e+00;
	[tilespmem:s29+$0xFFFFFFA0] =	vst v19;
	v5 =	vsub.f32 $0.0e+00, v19  }
0x1b8: {  	v21 =	vshll.u32 v13, $0x10;
	[tilespmem:s29+$0xFFFFFFB0] =	vst v1;
	v1 =	vsub.f32 $0.0e+00, v1  }
0x1b9: {  	v2 =	vsub.f32 $0.0e+00, v2;
	v7 =	vand.u32 $0xFFFF0000, v13;
	v3 =	vsub.f32 v3, v21;
	v24 =	vld [tilespmem:s23+$0xFFFFFF70];
	[tilespmem:s22+$0xFFFFFFA0] =	vst v5  }
0x1ba: {  	v4 =	vsub.f32 v18, v7;
	v23 =	vld [tilespmem:s30+$0xFFFFFF70];
	[tilespmem:s22+$0xFFFFFFB0] =	vst v1  }
0x1bb: {  	v27 =	vshll.u32 v20, $0x10;
	v28 =	vshll.u32 v22, $0x10;
	[tilespmem:s22+$0xFFFFFE70] =	vst v2;
	v3 =	vmax.f32 v3, $0.0e+00;
	v25 =	vld [tilespmem:s30+$0xFFFFFFE0]  }
0x1bc: {  	v29 =	vand.u32 $0xFFFF0000, v22;
	v2 =	vsub.f32 $0.0e+00, v3;
	[tilespmem:s29+$0xFFFFFF40] =	vst v3;
	v1 =	vmax.f32 v4, $0.0e+00;
	v26 =	vld [tilespmem:s23+$0xFFFFFFE0]  }
0x1bd: {  	v30 =	vsub.f32 v27, v28;
	v3 =	vsub.f32 $0.0e+00, v1;
	[tilespmem:s29+$0xFFFFFF50] =	vst v1;
	v1 =	vand.u32 $0xFFFF0000, v20  }
0x1be: {  	v31 =	vshll.u32 v24, $0x10;
	[tilespmem:s22+$0xFFFFFF40] =	vst v2;
	v1 =	vsub.f32 v1, v29  }
0x1bf: {  	v36 =	vand.u32 $0xFFFF0000, v24;
	v2 =	vshll.u32 v23, $0x10;
	[tilespmem:s22+$0xFFFFFF50] =	vst v3;
	v3 =	vmax.f32 v30, $0.0e+00  }
0x1c0: {  	v2 =	vsub.f32 v2, v31;
	v32 =	vld [tilespmem:s30+$0xFFFFFFB0];
	v1 =	vmax.f32 v1, $0.0e+00;
	[tilespmem:s29+$0x0] =	vst v3;
	v3 =	vsub.f32 $0.0e+00, v3  }
0x1c1: {  	v33 =	vld [tilespmem:s23+$0xFFFFFFB0];
	[tilespmem:s29+$0x10] =	vst v1;
	v1 =	vsub.f32 $0.0e+00, v1;
	v34 =	vshll.u32 v25, $0x10;
	v35 =	vshll.u32 v26, $0x10  }
0x1c2: {  	v4 =	vand.u32 $0xFFFF0000, v25;
	v7 =	vand.u32 $0xFFFF0000, v26;
	[tilespmem:s22+$0x0] =	vst v3;
	v10 =	vsub.f32 v34, v35  }
0x1c3: {  	v2 =	vmax.f32 v2, $0.0e+00;
	v3 =	vsub.f32 v4, v7;
	[tilespmem:s22+$0x10] =	vst v1;
	v1 =	vand.u32 $0xFFFF0000, v23  }
0x1c4: {  	[tilespmem:s29+$0xFFFFFEE0] =	vst v2;
	v38 =	vld [tilespmem:s30+$0x10];
	v1 =	vsub.f32 v1, v36;
	v37 =	vmax.f32 v10, $0.0e+00  }
0x1c5: {  	v40 =	vld [tilespmem:s23+$0x10];
	v3 =	vmax.f32 v3, $0.0e+00;
	v41 =	vshll.u32 v32, $0x10;
	[tilespmem:s29+$0xFFFFFFC0] =	vst v37  }
0x1c6: {  	v42 =	vshll.u32 v33, $0x10;
	v39 =	vsub.f32 $0.0e+00, v37;
	[tilespmem:s29+$0xFFFFFFD0] =	vst v3;
	v1 =	vmax.f32 v1, $0.0e+00  }
0x1c7: {  	v3 =	vsub.f32 $0.0e+00, v3;
	v8 =	vsub.f32 v41, v42;
	[tilespmem:s29+$0xFFFFFEF0] =	vst v1  }
0x1c8: {  	v2 =	vsub.f32 $0.0e+00, v2;
	v43 =	vsub.f32 $0.0e+00, v1;
	[tilespmem:s22+$0xFFFFFFC0] =	vst v39  }
0x1c9: {  	v48 =	vld [tilespmem:s30+$0x40];
	v1 =	vand.u32 $0xFFFF0000, v32;
	[tilespmem:s22+$0xFFFFFFD0] =	vst v3;
	v3 =	vand.u32 $0xFFFF0000, v33;
	v44 =	vmax.f32 v8, $0.0e+00  }
0x1ca: {  	v49 =	vld [tilespmem:s23+$0x40];
	[tilespmem:s22+$0xFFFFFEE0] =	vst v2;
	v1 =	vsub.f32 v1, v3;
	v3 =	vshll.u32 v38, $0x10;
	v46 =	vshll.u32 v40, $0x10  }
0x1cb: {  	v45 =	vld [tilespmem:s30+$0xFFFFFFF0];
	[tilespmem:s22+$0xFFFFFEF0] =	vst v43;
	v47 =	vand.u32 $0xFFFF0000, v38;
	v5 =	vand.u32 $0xFFFF0000, v40;
	v3 =	vsub.f32 v3, v46  }
0x1cc: {  	v2 =	vld [tilespmem:s23+$0xFFFFFFF0];
	[tilespmem:s29+$0xFFFFFF60] =	vst v44;
	v4 =	vsub.f32 v47, v5;
	v1 =	vmax.f32 v1, $0.0e+00  }
0x1cd: {  	[tilespmem:s29+$0xFFFFFF70] =	vst v1;
	v3 =	vmax.f32 v3, $0.0e+00  }
0x1ce: {  	v4 =	vmax.f32 v4, $0.0e+00;
	[tilespmem:s29+$0x20] =	vst v3;
	v3 =	vsub.f32 $0.0e+00, v3  }
0x1cf: {  	v54 =	vld [tilespmem:s23+$0x80];
	v7 =	vand.u32 $0xFFFF0000, v48;
	v5 =	vand.u32 $0xFFFF0000, v49;
	[tilespmem:s29+$0x30] =	vst v4;
	v4 =	vsub.f32 $0.0e+00, v4  }
0x1d0: {  	v52 =	vshll.u32 v48, $0x10;
	v6 =	vsub.f32 $0.0e+00, v44;
	v5 =	vsub.f32 v7, v5;
	[tilespmem:s22+$0x20] =	vst v3  }
0x1d1: {  	v1 =	vsub.f32 $0.0e+00, v1;
	v50 =	vshll.u32 v45, $0x10;
	v51 =	vshll.u32 v2, $0x10;
	v3 =	vld [tilespmem:s30+$0x80];
	[tilespmem:s22+$0x30] =	vst v4  }
0x1d2: {  	v53 =	vshll.u32 v49, $0x10;
	[tilespmem:s22+$0xFFFFFF60] =	vst v6;
	v5 =	vmax.f32 v5, $0.0e+00;
	v9 =	vsub.f32 v50, v51;
	v55 =	vld [tilespmem:s30+$0x20]  }
0x1d3: {  	v8 =	vand.u32 $0xFFFF0000, v45;
	v2 =	vand.u32 $0xFFFF0000, v2;
	[tilespmem:s22+$0xFFFFFF70] =	vst v1;
	v4 =	vsub.f32 v52, v53;
	v56 =	vld [tilespmem:s23+$0x20]  }
0x1d4: {  	v58 =	vshll.u32 v54, $0x10;
	[tilespmem:s29+$0x90] =	vst v5;
	v2 =	vsub.f32 v8, v2;
	v1 =	vmax.f32 v9, $0.0e+00  }
0x1d5: {  	v60 =	vand.u32 $0xFFFF0000, v54;
	v5 =	vsub.f32 $0.0e+00, v5;
	v4 =	vmax.f32 v4, $0.0e+00;
	[tilespmem:s29+$0xFFFFFFE0] =	vst v1  }
0x1d6: {  	v2 =	vmax.f32 v2, $0.0e+00;
	[tilespmem:s29+$0x80] =	vst v4;
	v4 =	vsub.f32 $0.0e+00, v4;
	v57 =	vshll.u32 v3, $0x10  }
0x1d7: {  	v59 =	vld [tilespmem:s30+$0xC0];
	[tilespmem:s29+$0xFFFFFFF0] =	vst v2;
	v3 =	vand.u32 $0xFFFF0000, v3;
	v7 =	vsub.f32 v57, v58;
	v62 =	vshll.u32 v55, $0x10  }
0x1d8: {  	v61 =	vld [tilespmem:s23+$0xC0];
	[tilespmem:s22+$0x90] =	vst v5;
	v63 =	vshll.u32 v56, $0x10;
	v3 =	vsub.f32 v3, v60;
	v12 =	vand.u32 $0xFFFF0000, v55  }
0x1d9: {  	[tilespmem:s22+$0x80] =	vst v4;
	v8 =	vand.u32 $0xFFFF0000, v56;
	v5 =	vsub.f32 v62, v63;
	v7 =	vmax.f32 v7, $0.0e+00  }
0x1da: {  	v4 =	vsub.f32 v12, v8;
	v3 =	vmax.f32 v3, $0.0e+00;
	[tilespmem:s29+$0x100] =	vst v7  }
0x1db: {  	v13 =	vld [tilespmem:s30+$0x50];
	v5 =	vmax.f32 v5, $0.0e+00;
	[tilespmem:s29+$0x110] =	vst v3  }
0x1dc: {  	v15 =	vshll.u32 v59, $0x10;
	v14 =	vld [tilespmem:s23+$0x50];
	v7 =	vsub.f32 $0.0e+00, v7;
	v4 =	vmax.f32 v4, $0.0e+00;
	[tilespmem:s29+$0x40] =	vst v5  }
0x1dd: {  	v16 =	vshll.u32 v61, $0x10;
	v10 =	vand.u32 $0xFFFF0000, v59;
	v3 =	vsub.f32 $0.0e+00, v3;
	[tilespmem:s29+$0x50] =	vst v4  }
0x1de: {  	v9 =	vand.u32 $0xFFFF0000, v61;
	v5 =	vsub.f32 $0.0e+00, v5;
	[tilespmem:s22+$0x100] =	vst v7;
	v7 =	vsub.f32 v15, v16  }
0x1df: {  	[tilespmem:s22+$0x110] =	vst v3;
	v3 =	vsub.f32 v10, v9  }
0x1e0: {  	v17 =	vshll.u32 v13, $0x10;
	v6 =	vand.u32 $0xFFFF0000, v13;
	v19 =	vld [tilespmem:s30+$0x90];
	[tilespmem:s22+$0x40] =	vst v5;
	v7 =	vmax.f32 v7, $0.0e+00  }
0x1e1: {  	v11 =	vand.u32 $0xFFFF0000, v14;
	v20 =	vld [tilespmem:s23+$0x90];
	v3 =	vmax.f32 v3, $0.0e+00;
	[tilespmem:s29+$0x180] =	vst v7;
	v7 =	vsub.f32 $0.0e+00, v7  }
0x1e2: {  	v18 =	vshll.u32 v14, $0x10;
	v6 =	vsub.f32 v6, v11;
	[tilespmem:s29+$0x190] =	vst v3;
	v3 =	vsub.f32 $0.0e+00, v3  }
0x1e3: {  	v4 =	vsub.f32 $0.0e+00, v4;
	v8 =	vsub.f32 v17, v18;
	[tilespmem:s22+$0x180] =	vst v7  }
0x1e4: {  	v21 =	vmax.f32 v6, $0.0e+00;
	[tilespmem:s22+$0x190] =	vst v3  }
0x1e5: {  	[tilespmem:s22+$0x50] =	vst v4;
	v5 =	vsub.f32 $0.0e+00, v21;
	v3 =	vmax.f32 v8, $0.0e+00;
	v22 =	vld [tilespmem:s30+$0xD0]  }
0x1e6: {  	[tilespmem:s29+$0xB0] =	vst v21;
	v23 =	vsub.f32 $0.0e+00, v3;
	v24 =	vshll.u32 v19, $0x10;
	v25 =	vshll.u32 v20, $0x10;
	v26 =	vld [tilespmem:s23+$0xD0]  }
0x1e7: {  	[tilespmem:s29+$0xA0] =	vst v3;
	v3 =	vand.u32 $0xFFFF0000, v19;
	v9 =	vand.u32 $0xFFFF0000, v20;
	v7 =	vsub.f32 v24, v25  }
0x1e8: {  	v1 =	vsub.f32 $0.0e+00, v1;
	v35 =	vld [tilespmem:s30+$0x30];
	v3 =	vsub.f32 v3, v9;
	[tilespmem:s22+$0xB0] =	vst v5  }
0x1e9: {  	v36 =	vld [tilespmem:s23+$0x30];
	[tilespmem:s22+$0xA0] =	vst v23;
	v27 =	vmax.f32 v7, $0.0e+00  }
0x1ea: {  	[tilespmem:s22+$0xFFFFFFE0] =	vst v1;
	v3 =	vmax.f32 v3, $0.0e+00;
	v29 =	vld [tilespmem:s30+$0x60];
	v28 =	vsub.f32 $0.0e+00, v27  }
0x1eb: {  	v33 =	vld [tilespmem:s23+$0x60];
	[tilespmem:s29+$0x120] =	vst v27;
	v30 =	vsub.f32 $0.0e+00, v3;
	v31 =	vshll.u32 v22, $0x10;
	v32 =	vshll.u32 v26, $0x10  }
0x1ec: {  	[tilespmem:s29+$0x130] =	vst v3;
	v3 =	vand.u32 $0xFFFF0000, v22;
	v34 =	vand.u32 $0xFFFF0000, v26;
	v8 =	vsub.f32 v31, v32  }
0x1ed: {  	v2 =	vsub.f32 $0.0e+00, v2;
	[tilespmem:s22+$0x120] =	vst v28;
	v3 =	vsub.f32 v3, v34  }
0x1ee: {  	v50 =	vand.u32 $0xFFFF0000, v35;
	v5 =	vand.u32 $0xFFFF0000, v36;
	[tilespmem:s22+$0x130] =	vst v30;
	v37 =	vmax.f32 v8, $0.0e+00  }
0x1ef: {  	v5 =	vsub.f32 v50, v5;
	v38 =	vld [tilespmem:s30+$0xA0];
	v3 =	vmax.f32 v3, $0.0e+00;
	[tilespmem:s29+$0x1A0] =	vst v37;
	v4 =	vsub.f32 $0.0e+00, v37  }
0x1f0: {  	v40 =	vld [tilespmem:s23+$0xA0];
	v39 =	vshll.u32 v29, $0x10;
	v7 =	vand.u32 $0xFFFF0000, v29;
	v41 =	vshll.u32 v33, $0x10;
	[tilespmem:s29+$0x1B0] =	vst v3  }
0x1f1: {  	v10 =	vand.u32 $0xFFFF0000, v33;
	v3 =	vsub.f32 $0.0e+00, v3;
	[tilespmem:s22+$0x1A0] =	vst v4;
	v4 =	vsub.f32 v39, v41  }
0x1f2: {  	[tilespmem:s22+$0xFFFFFFF0] =	vst v2;
	v1 =	vshll.u32 v35, $0x10;
	v7 =	vsub.f32 v7, v10  }
0x1f3: {  	v5 =	vmax.f32 v5, $0.0e+00;
	[tilespmem:s22+$0x1B0] =	vst v3;
	v3 =	vshll.u32 v36, $0x10;
	v2 =	vmax.f32 v4, $0.0e+00  }
0x1f4: {  	v42 =	vld [tilespmem:s30+$0xE0];
	v1 =	vsub.f32 v1, v3;
	v3 =	vmax.f32 v7, $0.0e+00;
	[tilespmem:s29+$0xC0] =	vst v2;
	v2 =	vsub.f32 $0.0e+00, v2  }
0x1f5: {  	v43 =	vld [tilespmem:s23+$0xE0];
	v44 =	vshll.u32 v38, $0x10;
	v45 =	vshll.u32 v40, $0x10;
	v46 =	vand.u32 $0xFFFF0000, v40;
	[tilespmem:s29+$0xD0] =	vst v3  }
0x1f6: {  	v7 =	vsub.f32 v44, v45;
	[tilespmem:s22+$0xC0] =	vst v2;
	v2 =	vsub.f32 $0.0e+00, v3;
	v3 =	vand.u32 $0xFFFF0000, v38  }
0x1f7: {  	[tilespmem:s29+$0x70] =	vst v5;
	v3 =	vsub.f32 v3, v46  }
0x1f8: {  	[tilespmem:s22+$0xD0] =	vst v2;
	v2 =	vmax.f32 v7, $0.0e+00  }
0x1f9: {  	v3 =	vmax.f32 v3, $0.0e+00;
	[tilespmem:s29+$0x140] =	vst v2;
	v2 =	vsub.f32 $0.0e+00, v2  }
0x1fa: {  	v8 =	vand.u32 $0xFFFF0000, v42;
	v4 =	vand.u32 $0xFFFF0000, v43;
	v49 =	vld [tilespmem:s30+$0x70];
	[tilespmem:s29+$0x150] =	vst v3;
	v3 =	vsub.f32 $0.0e+00, v3  }
0x1fb: {  	v47 =	vshll.u32 v42, $0x10;
	v48 =	vshll.u32 v43, $0x10;
	v4 =	vsub.f32 v8, v4;
	[tilespmem:s22+$0x140] =	vst v2;
	v2 =	vld [tilespmem:s23+$0x70]  }
0x1fc: {  	v1 =	vmax.f32 v1, $0.0e+00;
	v6 =	vsub.f32 v47, v48;
	[tilespmem:s22+$0x150] =	vst v3  }
0x1fd: {  	[tilespmem:s29+$0x60] =	vst v1;
	v4 =	vmax.f32 v4, $0.0e+00;
	v51 =	vld [tilespmem:s30+$0xB0]  }
0x1fe: {  	[tilespmem:s29+$0x1D0] =	vst v4;
	v4 =	vsub.f32 $0.0e+00, v4;
	v3 =	vmax.f32 v6, $0.0e+00;
	v52 =	vld [tilespmem:s23+$0xB0]  }
0x1ff: {  	v1 =	vsub.f32 $0.0e+00, v1;
	[tilespmem:s29+$0x1C0] =	vst v3;
	v3 =	vsub.f32 $0.0e+00, v3  }
0x200: {  	v53 =	vshll.u32 v49, $0x10;
	[tilespmem:s22+$0x1D0] =	vst v4;
	v55 =	vand.u32 $0xFFFF0000, v49;
	v54 =	vshll.u32 v2, $0x10  }
0x201: {  	[tilespmem:s22+$0x1C0] =	vst v3;
	v3 =	vsub.f32 $0.0e+00, v5;
	v2 =	vand.u32 $0xFFFF0000, v2;
	v4 =	vsub.f32 v53, v54  }
0x202: {  	[tilespmem:s22+$0x60] =	vst v1;
	v56 =	vld [tilespmem:s30+$0xF0];
	v1 =	vsub.f32 v55, v2  }
0x203: {  	v2 =	vld [tilespmem:s23+$0xF0];
	[tilespmem:s22+$0x70] =	vst v3;
	v57 =	vshll.u32 v51, $0x10;
	v58 =	vshll.u32 v52, $0x10;
	v3 =	vmax.f32 v4, $0.0e+00  }
0x204: {  	v59 =	vand.u32 $0xFFFF0000, v51;
	v1 =	vmax.f32 v1, $0.0e+00;
	[tilespmem:s29+$0xE0] =	vst v3;
	v3 =	vsub.f32 $0.0e+00, v3  }
0x205: {  	v60 =	vand.u32 $0xFFFF0000, v52;
	v4 =	vsub.f32 v57, v58;
	[tilespmem:s29+$0xF0] =	vst v1;
	v1 =	vsub.f32 $0.0e+00, v1  }
0x206: {  	[tilespmem:s22+$0xE0] =	vst v3;
	v3 =	vsub.f32 v59, v60  }
0x207: {  	v61 =	vshll.u32 v56, $0x10;
	v63 =	vand.u32 $0xFFFF0000, v56;
	[tilespmem:s22+$0xF0] =	vst v1;
	v1 =	vmax.f32 v4, $0.0e+00  }
0x208: {  	v62 =	vshll.u32 v2, $0x10;
	[tilespmem:s29+$0x160] =	vst v1;
	v1 =	vsub.f32 $0.0e+00, v1;
	v3 =	vmax.f32 v3, $0.0e+00  }
0x209: {  	s7 =	sadd.s32 $0x8, s7;
	v2 =	vand.u32 $0xFFFF0000, v2;
	v4 =	vsub.f32 v61, v62;
	[tilespmem:s29+$0x170] =	vst v3;
	v3 =	vsub.f32 $0.0e+00, v3  }
0x20a: {  	p2 =	slt.u32 s7, $0x20;
	[tilespmem:s22+$0x160] =	vst v1;
	v1 =	vsub.f32 v63, v2  }
.Ltmp4:
0x20b: {  	v2 =	vmax.f32 v4, $0.0e+00;
	[tilespmem:s22+$0x170] =	vst v3;
	(pc) =	sbr.rel @p2 .LBB2_7-.Ltmp4, $4  }
0x20c: {  	[tilespmem:s29+$0x1E0] =	vst v2;
	v2 =	vsub.f32 $0.0e+00, v2;
	v1 =	vmax.f32 v1, $0.0e+00  }
0x20d: {  	[tilespmem:s29+$0x1F0] =	vst v1;
	v1 =	vsub.f32 $0.0e+00, v1  }
0x20e: {  	s30 =	sadd.s32 $0x200, s30;
	[tilespmem:s22+$0x1E0] =	vst v2  }
0x20f: {  	s23 =	sadd.s32 $0x200, s23;
	s29 =	sadd.s32 $0x400, s29;
	[tilespmem:s22+$0x1F0] =	vst v1;
	s22 =	sadd.s32 $0x400, s22  }
.Ltmp5:
0x210: {  	(pc) =	sbr.rel @p1 .LBB2_10-.Ltmp5, $4  }
0x211: {  	_ = 	snop  }
0x212: {  	[spmem:s2] =	stream.indirect.scatter.add.f32 [tilespmem:s19], [sflag:$0x6], $0x80, s18, s4, $0xb8;
	[tilespmem:$0x1C9C0] =	vst v63  }
0x213: {  	_ = 	snop  }
0x214: {  	[spmem:s2] =	stream.indirect.scatter.add.f32 [tilespmem:s21], [sflag:$0x6], $0x80, s20, s4, $0xb8;
	[tilespmem:$0x1C9C0] =	vst v63  }
0x215: {  	_ =	swait.ge [sflag:s24], $0x28  }
0x216: {  	[sflag:s24] =	ssyncset.done $0x0  }
0x217: {  	[sflag:s24] =	ssyncadd.s32 $0xFFFFFFD8  }
0x218: {  	_ =	swait.ge [sflag:s24], $0x28  }
.Ltmp6:
0x219: {  	[sflag:s24] =	ssyncset.done $0x0;
	(pc) =	sbr.rel .LBB2_4-.Ltmp6, $4  }
0x21a: {  	[sflag:s24] =	ssyncadd.s32 $0xFFFFFFD8  }
0x21b: {  	[tilespmem:s10], [sflag:$0x2] =	stream.indirect.gather [hbm4b:s1+s4], $0x40, s8, s4, $0xb8;
	[tilespmem:$0x1C9C0] =	vst v63  }
0x21c: {  	s28 =	sadd.s32 $0x1, s28  }
0x21d: {  	[tilespmem:s11], [sflag:$0x2] =	stream.indirect.gather [hbm4b:s1+s4], $0x40, s9, s4, $0xb8;
	[tilespmem:$0x1C9C0] =	vst v63  }
.LBB2_11:
0x21e: {  	_ =	sfence.sel $0x180000  }
0x21f: {  	[bflag:$0x0] =	sbarrier.arrive $0xFFFF  }
0x220: {  	_ =	strace $0x90000047  }
0x221: {  	s0 =	stileid.u32;
	[bflag:$0x2] =	sbarrier.arrive $0xFFFF  }
0x222: {  	p0 =	sne.s32 s0, $0x0;
	s0 =	rddreg [dreg:$0x3]  }
0x223: {  	s0 =	sadd.s32 @!p0 $0x100000, s0  }
0x224: {  	[sflag:s0] =	ssyncadd.tile.s32 @!p0 $0x1;
	_ =	shalt  }
.Lfunc_end2:
_tile_overlayer_lowered:
.L_overlay_start_2:
0x225: {  	(tag) =	ssettag $0x2  }
0x226: {  	s0 =	rddreg [dreg:$0x0];
	s2 =	stileid.u32  }
0x227: {  	s1 =	rddreg [dreg:$0x1];
	p0 =	sne.s32 s2, $0x0  }
0x228: {  	s3 =	rddreg [dreg:$0x2];
	[bflag:$0x3] =	sbarrier.arrive $0xFFFF;
	s2 =	simm.s32 @!p0 $0x1C07  }
0x229: {  	[timem:s3], [sflag:s2] =	dma.local @!p0 [hbm:s0], s1  }
0x22a: {  	s0 =	simm.s32 @!p0 $0x7  }
0x22b: {  	_ =	swait.ge @!p0 [sflag:s0], s1  }
0x22c: {  	s1 =	ssub.s32 @!p0 $0x0, s1;
	[sflag:s0] =	ssyncset.done @!p0 $0x0  }
0x22d: {  	[sflag:s0] =	ssyncadd.s32 @!p0 s1  }
0x22e: {  	[bflag:$0x3] =	sbarrier.arrive $0xFFFF  }
0x22f: {  	_ =	shalt  }

</sc_bundles>
